<compile_context>
chip_gen: v7x
topology: tpu7x:2x2x1
jax: 0.10.2.dev20260603
libtpu: 0.0.44.dev20260713+nightly
codegen_flags: <defaults>
</compile_context>

<pallas_src>
import functools

import jax
import jax.numpy as jnp
from jax import lax
from jax.experimental import pallas as pl
from jax.experimental.pallas import tpu as pltpu
from jax.experimental.pallas import tpu_sc as plsc

_B, _N, _CIN = 4, 8192, 64
_M = 1024
_RADII = (0.1, 0.2, 0.4)
_KS = (16, 32, 64)
_D = 80
_SUB, _LANE = 64, 128
_EPS = 1e-5



def _fps_body(xyz_ref, out_ref, dist_ref):
    x = xyz_ref[0]
    y = xyz_ref[1]
    z = xyz_ref[2]
    shp = (_B, _SUB, _LANE)
    dist_ref[...] = jnp.full(shp, 1e10, jnp.float32)
    lin = (lax.broadcasted_iota(jnp.int32, shp, 1) * _LANE
           + lax.broadcasted_iota(jnp.int32, shp, 2))
    mshp = (_B, _M // _LANE, _LANE)
    miota = (lax.broadcasted_iota(jnp.int32, mshp, 1) * _LANE
             + lax.broadcasted_iota(jnp.int32, mshp, 2))

    def _sum_bk(v):
        return jnp.sum(jnp.sum(v, axis=2, keepdims=True), axis=1, keepdims=True)

    def body(i, st):
        f, ax, ay, az = st
        sel = lin == f
        zf = jnp.float32(0.0)
        cx = _sum_bk(jnp.where(sel, x, zf))
        cy = _sum_bk(jnp.where(sel, y, zf))
        cz = _sum_bk(jnp.where(sel, z, zf))
        hit = miota == i
        ax = ax + jnp.where(hit, cx, zf)
        ay = ay + jnp.where(hit, cy, zf)
        az = az + jnp.where(hit, cz, zf)
        dx = x - cx
        dy = y - cy
        dz = z - cz
        d = dx * dx + dy * dy + dz * dz
        nd = jnp.minimum(dist_ref[...], d)
        dist_ref[...] = nd
        mx = jnp.max(jnp.max(nd, axis=2, keepdims=True), axis=1, keepdims=True)
        cand = jnp.where(nd == mx, lin, jnp.int32(2**30))
        f = jnp.min(jnp.min(cand, axis=2, keepdims=True), axis=1, keepdims=True)
        return f, ax, ay, az

    zacc = jnp.zeros(mshp, jnp.float32)
    _, ax, ay, az = lax.fori_loop(
        0, _M, body, (jnp.zeros((_B, 1, 1), jnp.int32), zacc, zacc, zacc))
    out_ref[...] = jnp.stack([ax, ay, az])


def _fps(xyz):
    xyz_r = xyz.transpose(2, 0, 1).reshape(3, _B, _SUB, _LANE)
    out = pl.pallas_call(
        _fps_body,
        out_shape=jax.ShapeDtypeStruct((3, _B, _M // _LANE, _LANE), jnp.float32),
        scratch_shapes=[pltpu.VMEM((_B, _SUB, _LANE), jnp.float32)],
    )(xyz_r)
    return out.reshape(3, _B, _M)



def _group_sc(xyz2, nxyz2, table2):
    info = plsc.get_sparse_core_info()
    nc, ns = info.num_cores, info.num_subcores
    nw = nc * ns
    cpw = (_B * _M) // nw
    wpb = nw // _B
    r2 = tuple(r * r for r in _RADII)
    pad1, pad2, pad3 = _KS[0] + 16, _KS[1] + 16, _KS[2] + 16
    nchunk = _N // 16
    mesh = plsc.VectorSubcoreMesh(core_axis_name="c", subcore_axis_name="s")

    nbuf = 4

    @functools.partial(
        pl.kernel, mesh=mesh,
        compiler_params=pltpu.CompilerParams(needs_layout_passes=False,
                                             use_tc_tiling_on_sc=False),
        out_type=[jax.ShapeDtypeStruct((_B * _M * k, _D), jnp.float32)
                  for k in _KS],
        scratch_types=(
            [pltpu.VMEM((3 * _N,), jnp.float32),
             pltpu.VMEM((3 * (cpw + 16),), jnp.float32),
             pltpu.VMEM((cpw * pad1,), jnp.int32),
             pltpu.VMEM((cpw * pad2,), jnp.int32),
             pltpu.VMEM((cpw * pad3,), jnp.int32)]
            + [pltpu.VMEM((k, _D), jnp.float32)
               for _b in range(nbuf) for k in _KS]
            + [pltpu.SemaphoreType.DMA] * (2 * 3 * nbuf)
        ))
    def grouped(xyz_hbm, nxyz_hbm, tab_hbm, g1, g2, g3,
                pts, cen, i1, i2, i3, *rest):
        bufs = [rest[b * 3:b * 3 + 3] for b in range(nbuf)]
        gsems = [rest[3 * nbuf + b * 3:3 * nbuf + b * 3 + 3]
                 for b in range(nbuf)]
        ssems = [rest[6 * nbuf + b * 3:6 * nbuf + b * 3 + 3]
                 for b in range(nbuf)]
        gouts = (g1, g2, g3)
        idxs = (i1, i2, i3)
        pads = (pad1, pad2, pad3)
        wid = lax.axis_index("s") * nc + lax.axis_index("c")
        b = wid // wpb
        m0 = (wid % wpb) * cpw
        ibase = b * _N
        for c in range(3):
            pltpu.sync_copy(xyz_hbm.at[pl.ds((b * 3 + c) * _N, _N)],
                            pts.at[pl.ds(c * _N, _N)])
            pltpu.sync_copy(nxyz_hbm.at[pl.ds((b * 3 + c) * _M + m0, cpw)],
                            cen.at[pl.ds(c * (cpw + 16), cpw)])

        lanes = lax.iota(jnp.int32, 16)

        def per_centroid(i, carry):
            del carry
            cxv = cen[pl.ds(i, 16)]
            cyv = cen[pl.ds((cpw + 16) + i, 16)]
            czv = cen[pl.ds(2 * (cpw + 16) + i, 16)]
            cx, cy, cz = cxv[0], cyv[0], czv[0]

            @plsc.parallel_loop(0, nchunk, 1, unroll=4,
                                carry=(jnp.int32(0), jnp.int32(0),
                                       jnp.int32(0)))
            def counts(ch, st):
                c1, c2, c3 = st
                off = ch * 16
                px = pts[pl.ds(off, 16)]
                py = pts[pl.ds(_N + off, 16)]
                pz = pts[pl.ds(2 * _N + off, 16)]
                dx = px - cx
                dy = py - cy
                dz = pz - cz
                d = dx * dx + dy * dy + dz * dz
                iv = (off + ibase) + lanes
                m1 = d <= r2[0]
                m2 = d <= r2[1]
                m3 = d <= r2[2]
                plsc.store_compressed(
                    i1.at[pl.ds(i * pad1 + jnp.minimum(c1, _KS[0]), 16)],
                    iv, mask=m1)
                plsc.store_compressed(
                    i2.at[pl.ds(i * pad2 + jnp.minimum(c2, _KS[1]), 16)],
                    iv, mask=m2)
                plsc.store_compressed(
                    i3.at[pl.ds(i * pad3 + jnp.minimum(c3, _KS[2]), 16)],
                    iv, mask=m3)
                c1 = c1 + plsc.all_reduce_population_count(m1)[0]
                c2 = c2 + plsc.all_reduce_population_count(m2)[0]
                c3 = c3 + plsc.all_reduce_population_count(m3)[0]
                return c1, c2, c3

            c1, c2, c3 = counts

            for idx_t, kk, pad, cnt in (
                    (i1, _KS[0], pad1, c1), (i2, _KS[1], pad2, c2),
                    (i3, _KS[2], pad3, c3)):
                n_ok = jnp.minimum(cnt, kk)
                base = i * pad
                first = idx_t[pl.ds(base, 16)][0]
                for j in range(kk // 16):
                    pos = lanes + (j * 16)
                    cur = idx_t[pl.ds(base + j * 16, 16)]
                    idx_t[pl.ds(base + j * 16, 16)] = jnp.where(
                        pos < n_ok, cur, first)
            return 0

        lax.fori_loop(0, cpw, per_centroid, 0)

        def fire_gather(slot, i):
            for st in range(3):
                pltpu.make_async_copy(
                    tab_hbm.at[idxs[st].at[pl.ds(i * pads[st], _KS[st])]],
                    bufs[slot][st], gsems[slot][st]).start()

        def wait_gather_fire_store(slot, i):
            for st in range(3):
                pltpu.make_async_copy(
                    tab_hbm.at[idxs[st].at[pl.ds(i * pads[st], _KS[st])]],
                    bufs[slot][st], gsems[slot][st]).wait()
                row0 = (wid * cpw + i) * _KS[st]
                pltpu.make_async_copy(
                    bufs[slot][st],
                    gouts[st].at[pl.ds(row0, _KS[st])],
                    ssems[slot][st]).start()

        def wait_store(slot, i):
            for st in range(3):
                row0 = (wid * cpw + i) * _KS[st]
                pltpu.make_async_copy(
                    bufs[slot][st],
                    gouts[st].at[pl.ds(row0, _KS[st])],
                    ssems[slot][st]).wait()

        for bslot in range(nbuf):
            fire_gather(bslot, bslot)

        def pipe_body(g, carry):
            del carry
            i0 = g * nbuf
            for bslot in range(nbuf):
                wait_gather_fire_store(bslot, i0 + bslot)
            for bslot in range(nbuf):
                ip = i0 + bslot + nbuf

                @pl.when(ip < cpw)
                def _():
                    wait_store(bslot, ip - nbuf)
                    fire_gather(bslot, ip)
            return 0

        lax.fori_loop(0, cpw // nbuf, pipe_body, 0)
        for bslot in range(nbuf):
            wait_store(bslot, cpw - nbuf + bslot)

    return [o.reshape(_B * _M, k, _D)
            for o, k in zip(grouped(xyz2, nxyz2, table2), _KS)]



_INV_SQRT2 = 0.7071067811865476


def _gelu(x):
    return x * 0.5 * (1.0 + lax.erf(x * _INV_SQRT2))


def _stats_update(st_ref, y3):
    s = jnp.sum(jnp.sum(y3, axis=0), axis=0)
    ss = jnp.sum(jnp.sum(y3 * y3, axis=0), axis=0)
    st = jnp.stack([s, ss])

    @pl.when(pl.program_id(0) == 0)
    def _():
        st_ref[...] = st

    @pl.when(pl.program_id(0) > 0)
    def _():
        st_ref[...] = st_ref[...] + st


def _l1_body(x_ref, nx_ref, w_ref, wx_ref, y_ref, st_ref):
    cm, k, d = x_ref.shape
    y = jnp.dot(x_ref[...].reshape(cm * k, d), w_ref[...],
                preferred_element_type=jnp.float32)
    corr = jnp.dot(nx_ref[...], wx_ref[...],
                   preferred_element_type=jnp.float32)
    y3 = y.reshape(cm, k, -1) - corr[:, None, :]
    y_ref[...] = y3
    _stats_update(st_ref, y3)


def _mid_body(x_ref, sc_ref, sh_ref, w_ref, y_ref, st_ref):
    cm, k, c = x_ref.shape
    h = _gelu(x_ref[...] * sc_ref[...] + sh_ref[...])
    y3 = jnp.dot(h.reshape(cm * k, c), w_ref[...],
                 preferred_element_type=jnp.float32).reshape(cm, k, -1)
    y_ref[...] = y3
    _stats_update(st_ref, y3)


def _last_body(x_ref, sc_ref, sh_ref, o_ref):
    k = x_ref.shape[1]
    h = _gelu(x_ref[...] * sc_ref[...] + sh_ref[...])
    m = h[:, 0, :]
    for j in range(1, k):
        m = jnp.maximum(m, h[:, j, :])
    o_ref[...] = m


def _bn_coeffs(st, gamma, beta, count):
    mean = st[0] / count
    var = st[1] / count - mean * mean
    inv = lax.rsqrt(var + _EPS)
    scale = gamma * inv
    shift = beta - mean * scale
    return scale.reshape(1, 1, -1), shift.reshape(1, 1, -1)


def _mlp_scale(g, nx_pad, layers, k):
    bm = _B * _M
    cm = 2048 // k
    grid = (bm // cm,)
    count = jnp.float32(bm * k)

    (w1, g1, b1), (w2, g2, b2), (w3, g3, b3) = layers
    c1, c2, c3 = w1.shape[0], w2.shape[0], w3.shape[0]
    w1a = jnp.pad(w1.T, ((0, _D - w1.shape[1]), (0, 0)))
    w1x = jnp.pad(w1[:, :3].T, ((0, 5), (0, 0)))

    y1, st1 = pl.pallas_call(
        _l1_body,
        grid=grid,
        in_specs=[
            pl.BlockSpec((cm, k, _D), lambda i: (i, 0, 0)),
            pl.BlockSpec((cm, 8), lambda i: (i, 0)),
            pl.BlockSpec((_D, c1), lambda i: (0, 0)),
            pl.BlockSpec((8, c1), lambda i: (0, 0)),
        ],
        out_specs=[
            pl.BlockSpec((cm, k, c1), lambda i: (i, 0, 0)),
            pl.BlockSpec((2, c1), lambda i: (0, 0)),
        ],
        out_shape=[
            jax.ShapeDtypeStruct((bm, k, c1), jnp.float32),
            jax.ShapeDtypeStruct((2, c1), jnp.float32),
        ],
    )(g, nx_pad, w1a, w1x)

    def mid(x, st, gam, bet, w, cin, cout):
        sc, sh = _bn_coeffs(st, gam, bet, count)
        return pl.pallas_call(
            _mid_body,
            grid=grid,
            in_specs=[
                pl.BlockSpec((cm, k, cin), lambda i: (i, 0, 0)),
                pl.BlockSpec((1, 1, cin), lambda i: (0, 0, 0)),
                pl.BlockSpec((1, 1, cin), lambda i: (0, 0, 0)),
                pl.BlockSpec((cin, cout), lambda i: (0, 0)),
            ],
            out_specs=[
                pl.BlockSpec((cm, k, cout), lambda i: (i, 0, 0)),
                pl.BlockSpec((2, cout), lambda i: (0, 0)),
            ],
            out_shape=[
                jax.ShapeDtypeStruct((bm, k, cout), jnp.float32),
                jax.ShapeDtypeStruct((2, cout), jnp.float32),
            ],
        )(x, sc, sh, w.T)

    y2, st2 = mid(y1, st1, g1, b1, w2, c1, c2)
    y3, st3 = mid(y2, st2, g2, b2, w3, c2, c3)

    sc, sh = _bn_coeffs(st3, g3, b3, count)
    out = pl.pallas_call(
        _last_body,
        grid=grid,
        in_specs=[
            pl.BlockSpec((cm, k, c3), lambda i: (i, 0, 0)),
            pl.BlockSpec((1, 1, c3), lambda i: (0, 0, 0)),
            pl.BlockSpec((1, 1, c3), lambda i: (0, 0, 0)),
        ],
        out_specs=pl.BlockSpec((cm, c3), lambda i: (i, 0)),
        out_shape=jax.ShapeDtypeStruct((bm, c3), jnp.float32),
    )(y3, sc, sh)
    return out



def kernel(xyz, features, params):
    new_xyz_t = _fps(xyz)
    new_xyz = new_xyz_t.transpose(1, 2, 0)

    xyz2 = xyz.transpose(0, 2, 1).reshape(_B * 3 * _N)
    nxyz2 = new_xyz_t.transpose(1, 0, 2).reshape(_B * 3 * _M)
    table2 = jnp.pad(
        jnp.concatenate([xyz, features], axis=-1).reshape(_B * _N, 3 + _CIN),
        ((0, 0), (0, _D - 3 - _CIN)))
    gs = _group_sc(xyz2, nxyz2, table2)

    nx_pad = jnp.pad(new_xyz.reshape(_B * _M, 3), ((0, 0), (0, 5)))
    outs = []
    for g, layers, k in zip(gs, params, _KS):
        o = _mlp_scale(g, nx_pad, layers, k)
        outs.append(o.reshape(_B, _M, -1).transpose(0, 2, 1))
    new_features = jnp.concatenate(outs, axis=1)
    return (new_xyz, new_features)

# --- scband reference (transcript-rebuilt; emitter-appended) ---
"""Pipeline reference for scband-set-abstraction-42683384987906 (READ-ONLY COPY).

The authoritative reference and input builder live on the scoring server;
editing this copy changes nothing except your own understanding.
"""

import jax, jax.numpy as jnp
import numpy as np

B, N, C_IN = 4, 8192, 64
M = 1024
RADII = [0.1, 0.2, 0.4]
NSAMPLES = [16, 32, 64]
MLPS = [[32, 32, 64], [64, 64, 128], [64, 96, 128]]


def farthest_point_sample(xyz, m):
    b, n, _ = xyz.shape

    def body(i, state):
        centroids, distance, farthest = state
        centroids = centroids.at[:, i].set(farthest)
        centroid = jnp.take_along_axis(xyz, farthest[:, None, None].astype(jnp.int32), axis=1)
        dist = jnp.sum((xyz - centroid) ** 2, axis=-1)
        distance = jnp.minimum(distance, dist)
        farthest = jnp.argmax(distance, axis=-1).astype(jnp.int32)
        return (centroids, distance, farthest)

    centroids = jnp.zeros((b, m), dtype=jnp.int32)
    distance = jnp.full((b, n), 1e10, dtype=xyz.dtype)
    farthest = jnp.zeros((b,), dtype=jnp.int32)
    centroids, _, _ = jax.lax.fori_loop(0, m, body, (centroids, distance, farthest))
    return centroids


def index_points(points, idx):
    b = points.shape[0]
    batch = jnp.arange(b).reshape((b,) + (1,) * (idx.ndim - 1))
    return points[batch, idx]


def ball_query(radius, k, xyz, new_xyz):
    b, n, _ = xyz.shape
    m = new_xyz.shape[1]
    sqrdists = jnp.sum((new_xyz[:, :, None, :] - xyz[:, None, :, :]) ** 2, axis=-1)
    group_idx = jnp.broadcast_to(jnp.arange(n, dtype=jnp.int32), (b, m, n))
    group_idx = jnp.where(sqrdists > radius ** 2, jnp.int32(n), group_idx)
    group_idx = jnp.sort(group_idx, axis=-1)[:, :, :k]
    group_first = group_idx[:, :, :1]
    group_idx = jnp.where(group_idx == n, jnp.broadcast_to(group_first, group_idx.shape), group_idx)
    return group_idx


def shared_mlp(x, layers):
    # x: (B, C, M, K); 1x1 Conv2d (no bias) -> BatchNorm2d (training batch stats) -> GELU(exact)
    for (W, g, bta) in layers:
        x = jnp.einsum('oc,bcmk->bomk', W, x)
        mean = jnp.mean(x, axis=(0, 2, 3), keepdims=True)
        var = jnp.var(x, axis=(0, 2, 3), keepdims=True)
        x = (x - mean) / jnp.sqrt(var + 1e-5)
        x = x * g.reshape(1, -1, 1, 1) + bta.reshape(1, -1, 1, 1)
        x = jax.nn.gelu(x, approximate=False)
    return x


def _make_params(key):
    params = []
    for mlp in MLPS:
        chans = [3 + C_IN] + mlp
        layers = []
        for c_in, c_out in zip(chans[:-1], chans[1:]):
            key, k1 = jax.random.split(key)
            W = jax.random.normal(k1, (c_out, c_in), dtype=jnp.float32) * (1.0 / np.sqrt(c_in))
            layers.append((W, jnp.ones((c_out,), jnp.float32), jnp.zeros((c_out,), jnp.float32)))
        params.append(layers)
    return params


def setup_inputs(seed: int = 0):
    key = jax.random.key(seed)
    k1, k2, k3 = jax.random.split(key, 3)
    xyz = jax.random.uniform(k1, (B, N, 3), dtype=jnp.float32)
    features = jax.random.normal(k2, (B, N, C_IN), dtype=jnp.float32)
    params = _make_params(k3)
    return {"xyz": xyz, "features": features, "params": params}


def reference(xyz, features, params):
    fps_idx = farthest_point_sample(xyz, M)
    new_xyz = index_points(xyz, fps_idx)
    scale_outputs = []
    for i, (radius, k) in enumerate(zip(RADII, NSAMPLES)):
        nbr_idx = ball_query(radius, k, xyz, new_xyz)
        grouped_xyz = index_points(xyz, nbr_idx)
        grouped_xyz_rel = grouped_xyz - new_xyz[:, :, None, :]
        grouped_feat = index_points(features, nbr_idx)
        grouped = jnp.concatenate([grouped_xyz_rel, grouped_feat], axis=-1)
        grouped = jnp.transpose(grouped, (0, 3, 1, 2))
        grouped = shared_mlp(grouped, params[i])
        scale_outputs.append(jnp.max(grouped, axis=-1))
    new_features = jnp.concatenate(scale_outputs, axis=1)
    return (new_xyz, new_features)

if __name__ == "__main__":
    import jax
    _d = setup_inputs()
    print(jax.jit(kernel)(*tuple(_d.values())))

</pallas_src>

<mosaic_0001>
#map = affine_map<(d0, d1) -> (0)>
#map1 = affine_map<(d0, d1) -> (0, 0)>
module attributes {stable_mosaic.version = 14 : i64} {
  func.func @grouped(%arg0: i32, %arg1: i32, %arg2: memref<98304xf32, #tpu.memory_space<hbm>>, %arg3: memref<12288xf32, #tpu.memory_space<hbm>>, %arg4: memref<32768x80xf32, #tpu.memory_space<hbm>>, %arg5: memref<65536x80xf32, #tpu.memory_space<hbm>>, %arg6: memref<131072x80xf32, #tpu.memory_space<hbm>>, %arg7: memref<262144x80xf32, #tpu.memory_space<hbm>>, %arg8: memref<24576xf32, #tpu.memory_space<vmem>>, %arg9: memref<432xf32, #tpu.memory_space<vmem>>, %arg10: memref<4096xi32, #tpu.memory_space<vmem>>, %arg11: memref<6144xi32, #tpu.memory_space<vmem>>, %arg12: memref<10240xi32, #tpu.memory_space<vmem>>, %arg13: memref<16x80xf32, #tpu.memory_space<vmem>>, %arg14: memref<32x80xf32, #tpu.memory_space<vmem>>, %arg15: memref<64x80xf32, #tpu.memory_space<vmem>>, %arg16: memref<16x80xf32, #tpu.memory_space<vmem>>, %arg17: memref<32x80xf32, #tpu.memory_space<vmem>>, %arg18: memref<64x80xf32, #tpu.memory_space<vmem>>, %arg19: memref<16x80xf32, #tpu.memory_space<vmem>>, %arg20: memref<32x80xf32, #tpu.memory_space<vmem>>, %arg21: memref<64x80xf32, #tpu.memory_space<vmem>>, %arg22: memref<16x80xf32, #tpu.memory_space<vmem>>, %arg23: memref<32x80xf32, #tpu.memory_space<vmem>>, %arg24: memref<64x80xf32, #tpu.memory_space<vmem>>, %arg25: memref<!tpu.dma_semaphore, #tpu.memory_space<semaphore_mem>>, %arg26: memref<!tpu.dma_semaphore, #tpu.memory_space<semaphore_mem>>, %arg27: memref<!tpu.dma_semaphore, #tpu.memory_space<semaphore_mem>>, %arg28: memref<!tpu.dma_semaphore, #tpu.memory_space<semaphore_mem>>, %arg29: memref<!tpu.dma_semaphore, #tpu.memory_space<semaphore_mem>>, %arg30: memref<!tpu.dma_semaphore, #tpu.memory_space<semaphore_mem>>, %arg31: memref<!tpu.dma_semaphore, #tpu.memory_space<semaphore_mem>>, %arg32: memref<!tpu.dma_semaphore, #tpu.memory_space<semaphore_mem>>, %arg33: memref<!tpu.dma_semaphore, #tpu.memory_space<semaphore_mem>>, %arg34: memref<!tpu.dma_semaphore, #tpu.memory_space<semaphore_mem>>, %arg35: memref<!tpu.dma_semaphore, #tpu.memory_space<semaphore_mem>>, %arg36: memref<!tpu.dma_semaphore, #tpu.memory_space<semaphore_mem>>, %arg37: memref<!tpu.dma_semaphore, #tpu.memory_space<semaphore_mem>>, %arg38: memref<!tpu.dma_semaphore, #tpu.memory_space<semaphore_mem>>, %arg39: memref<!tpu.dma_semaphore, #tpu.memory_space<semaphore_mem>>, %arg40: memref<!tpu.dma_semaphore, #tpu.memory_space<semaphore_mem>>, %arg41: memref<!tpu.dma_semaphore, #tpu.memory_space<semaphore_mem>>, %arg42: memref<!tpu.dma_semaphore, #tpu.memory_space<semaphore_mem>>, %arg43: memref<!tpu.dma_semaphore, #tpu.memory_space<semaphore_mem>>, %arg44: memref<!tpu.dma_semaphore, #tpu.memory_space<semaphore_mem>>, %arg45: memref<!tpu.dma_semaphore, #tpu.memory_space<semaphore_mem>>, %arg46: memref<!tpu.dma_semaphore, #tpu.memory_space<semaphore_mem>>, %arg47: memref<!tpu.dma_semaphore, #tpu.memory_space<semaphore_mem>>, %arg48: memref<!tpu.dma_semaphore, #tpu.memory_space<semaphore_mem>>) attributes {dimension_semantics = [#tpu.dimension_semantics<core_parallel>, #tpu.dimension_semantics<subcore_parallel>], iteration_bounds = array<i64: 2, 16>, scalar_prefetch = 0 : i64, scratch_operands = 41 : i64, tpu.core_type = #tpu.core_type<sc_vector_subcore>, window_params = [{transform_indices = #map}, {transform_indices = #map}, {transform_indices = #map1}, {transform_indices = #map1}, {transform_indices = #map1}, {transform_indices = #map1}]} {
    %mul3A = arith.constant 2 : i32
    %mul3A_0 = arith.muli %arg1, %mul3A : i32
    %add3A = arith.addi %mul3A_0, %arg0 : i32
    %jit3A = arith.constant 8 : i32
    %div3A = arith.divsi %add3A, %jit3A : i32
    %sign3A = arith.constant 0 : i32
    %sign3A_1 = arith.cmpi sgt, %add3A, %sign3A : i32
    %sign3A_2 = arith.extui %sign3A_1 : i1 to i32
    %sign3A_3 = arith.constant 0 : i32
    %sign3A_4 = arith.cmpi slt, %add3A, %sign3A_3 : i32
    %sign3A_5 = arith.extui %sign3A_4 : i1 to i32
    %sign3A_6 = arith.subi %sign3A_2, %sign3A_5 : i32
    %sign3A_7 = arith.constant 0 : i32
    %sign3A_8 = arith.cmpi sgt, %jit3A, %sign3A_7 : i32
    %sign3A_9 = arith.extui %sign3A_8 : i1 to i32
    %sign3A_10 = arith.constant 0 : i32
    %sign3A_11 = arith.cmpi slt, %jit3A, %sign3A_10 : i32
    %sign3A_12 = arith.extui %sign3A_11 : i1 to i32
    %sign3A_13 = arith.subi %sign3A_9, %sign3A_12 : i32
    %ne3A = arith.cmpi ne, %sign3A_6, %sign3A_13 : i32
    %rem3A = arith.remsi %add3A, %jit3A : i32
    %ne3A_14 = arith.constant 0 : i32
    %ne3A_15 = arith.cmpi ne, %rem3A, %ne3A_14 : i32
    %and3A = arith.andi %ne3A, %ne3A_15 : i1
    %sub3A = arith.constant 1 : i32
    %sub3A_16 = arith.subi %div3A, %sub3A : i32
    %select_n3A = arith.select %and3A, %sub3A_16, %div3A : i32
    %jit3A_17 = arith.constant 8 : i32
    %eq3A = arith.constant 0 : i32
    %eq3A_18 = arith.cmpi eq, %jit3A_17, %eq3A : i32
    %jit3A_19 = arith.constant 1 : i32
    %select_n3A_20 = arith.select %eq3A_18, %jit3A_19, %jit3A_17 : i32
    %rem3A_21 = arith.remsi %add3A, %select_n3A_20 : i32
    %ne3A_22 = arith.constant 0 : i32
    %ne3A_23 = arith.cmpi ne, %rem3A_21, %ne3A_22 : i32
    %lt3A = arith.constant 0 : i32
    %lt3A_24 = arith.cmpi slt, %rem3A_21, %lt3A : i32
    %lt3A_25 = arith.constant 0 : i32
    %lt3A_26 = arith.cmpi slt, %select_n3A_20, %lt3A_25 : i32
    %ne3A_27 = arith.xori %lt3A_24, %lt3A_26 : i1
    %and3A_28 = arith.andi %ne3A_27, %ne3A_23 : i1
    %add3A_29 = arith.addi %rem3A_21, %select_n3A_20 : i32
    %select_n3A_30 = arith.select %and3A_28, %add3A_29, %rem3A_21 : i32
    %mul3A_31 = arith.constant 128 : i32
    %mul3A_32 = arith.muli %select_n3A_30, %mul3A_31 : i32
    %mul3A_33 = arith.constant 8192 : i32
    %mul3A_34 = arith.muli %select_n3A, %mul3A_33 : i32
    %mul3A_35 = arith.constant 3 : i32
    %mul3A_36 = arith.muli %select_n3A, %mul3A_35 : i32
    %add3A_37 = arith.constant 0 : i32
    %add3A_38 = arith.addi %mul3A_36, %add3A_37 : i32
    %mul3A_39 = arith.constant 8192 : i32
    %mul3A_40 = arith.muli %add3A_38, %mul3A_39 : i32
    "tpu.region"() ({
      %run_scoped3A = tpu.sem_alloc : memref<!tpu.dma_semaphore, #tpu.memory_space<semaphore_mem>>
      %dma_start3A_265 = arith.constant 0 : i32
      %dma_start3A_266 = tpu.memref_slice %arg8[%dma_start3A_265] : memref<24576xf32, #tpu.memory_space<vmem>> -> memref<8192xf32, #tpu.memory_space<vmem>>
      %dma_start3A_267 = tpu.memref_slice %arg2[%mul3A_40] : memref<98304xf32, #tpu.memory_space<hbm>> -> memref<8192xf32, #tpu.memory_space<hbm>>
      %dma_start3A_268 = arith.constant 0 : i32
      %dma_start3A_269 = tpu.memref_slice %arg8[%dma_start3A_268] : memref<24576xf32, #tpu.memory_space<vmem>> -> memref<8192xf32, #tpu.memory_space<vmem>>
      %dma_start3A_270 = tpu.memref_slice %arg2[%mul3A_40] : memref<98304xf32, #tpu.memory_space<hbm>> -> memref<8192xf32, #tpu.memory_space<hbm>>
      tpu.enqueue_dma source(%dma_start3A_270 : memref<8192xf32, #tpu.memory_space<hbm>>) target(%dma_start3A_269 : memref<8192xf32, #tpu.memory_space<vmem>>) target_semaphore(%run_scoped3A : memref<!tpu.dma_semaphore, #tpu.memory_space<semaphore_mem>>)
      %dma_wait3A_271 = arith.constant 0 : i32
      %dma_wait3A_272 = tpu.memref_slice %arg8[%dma_wait3A_271] : memref<24576xf32, #tpu.memory_space<vmem>> -> memref<8192xf32, #tpu.memory_space<vmem>>
      %dma_wait3A_273 = tpu.memref_slice %arg2[%mul3A_40] : memref<98304xf32, #tpu.memory_space<hbm>> -> memref<8192xf32, #tpu.memory_space<hbm>>
      %dma_wait3A_274 = arith.constant 0 : i32
      %dma_wait3A_275 = tpu.memref_slice %arg8[%dma_wait3A_274] : memref<24576xf32, #tpu.memory_space<vmem>> -> memref<8192xf32, #tpu.memory_space<vmem>>
      %dma_wait3A_276 = tpu.memref_slice %arg2[%mul3A_40] : memref<98304xf32, #tpu.memory_space<hbm>> -> memref<8192xf32, #tpu.memory_space<hbm>>
      tpu.wait_dma2 semaphore(%run_scoped3A : memref<!tpu.dma_semaphore, #tpu.memory_space<semaphore_mem>>) src(%dma_wait3A_276 : memref<8192xf32, #tpu.memory_space<hbm>>) dst(%dma_wait3A_275 : memref<8192xf32, #tpu.memory_space<vmem>>)
      tpu.yield
    }) : () -> ()
    %mul3A_41 = arith.constant 3 : i32
    %mul3A_42 = arith.muli %select_n3A, %mul3A_41 : i32
    %add3A_43 = arith.constant 0 : i32
    %add3A_44 = arith.addi %mul3A_42, %add3A_43 : i32
    %mul3A_45 = arith.constant 1024 : i32
    %mul3A_46 = arith.muli %add3A_44, %mul3A_45 : i32
    %add3A_47 = arith.addi %mul3A_46, %mul3A_32 : i32
    "tpu.region"() ({
      %run_scoped3A = tpu.sem_alloc : memref<!tpu.dma_semaphore, #tpu.memory_space<semaphore_mem>>
      %dma_start3A_265 = arith.constant 0 : i32
      %dma_start3A_266 = tpu.memref_slice %arg9[%dma_start3A_265] : memref<432xf32, #tpu.memory_space<vmem>> -> memref<128xf32, #tpu.memory_space<vmem>>
      %dma_start3A_267 = tpu.memref_slice %arg3[%add3A_47] : memref<12288xf32, #tpu.memory_space<hbm>> -> memref<128xf32, #tpu.memory_space<hbm>>
      %dma_start3A_268 = arith.constant 0 : i32
      %dma_start3A_269 = tpu.memref_slice %arg9[%dma_start3A_268] : memref<432xf32, #tpu.memory_space<vmem>> -> memref<128xf32, #tpu.memory_space<vmem>>
      %dma_start3A_270 = tpu.memref_slice %arg3[%add3A_47] : memref<12288xf32, #tpu.memory_space<hbm>> -> memref<128xf32, #tpu.memory_space<hbm>>
      tpu.enqueue_dma source(%dma_start3A_270 : memref<128xf32, #tpu.memory_space<hbm>>) target(%dma_start3A_269 : memref<128xf32, #tpu.memory_space<vmem>>) target_semaphore(%run_scoped3A : memref<!tpu.dma_semaphore, #tpu.memory_space<semaphore_mem>>)
      %dma_wait3A_271 = arith.constant 0 : i32
      %dma_wait3A_272 = tpu.memref_slice %arg9[%dma_wait3A_271] : memref<432xf32, #tpu.memory_space<vmem>> -> memref<128xf32, #tpu.memory_space<vmem>>
      %dma_wait3A_273 = tpu.memref_slice %arg3[%add3A_47] : memref<12288xf32, #tpu.memory_space<hbm>> -> memref<128xf32, #tpu.memory_space<hbm>>
      %dma_wait3A_274 = arith.constant 0 : i32
      %dma_wait3A_275 = tpu.memref_slice %arg9[%dma_wait3A_274] : memref<432xf32, #tpu.memory_space<vmem>> -> memref<128xf32, #tpu.memory_space<vmem>>
      %dma_wait3A_276 = tpu.memref_slice %arg3[%add3A_47] : memref<12288xf32, #tpu.memory_space<hbm>> -> memref<128xf32, #tpu.memory_space<hbm>>
      tpu.wait_dma2 semaphore(%run_scoped3A : memref<!tpu.dma_semaphore, #tpu.memory_space<semaphore_mem>>) src(%dma_wait3A_276 : memref<128xf32, #tpu.memory_space<hbm>>) dst(%dma_wait3A_275 : memref<128xf32, #tpu.memory_space<vmem>>)
      tpu.yield
    }) : () -> ()
    %mul3A_48 = arith.constant 3 : i32
    %mul3A_49 = arith.muli %select_n3A, %mul3A_48 : i32
    %add3A_50 = arith.constant 1 : i32
    %add3A_51 = arith.addi %mul3A_49, %add3A_50 : i32
    %mul3A_52 = arith.constant 8192 : i32
    %mul3A_53 = arith.muli %add3A_51, %mul3A_52 : i32
    "tpu.region"() ({
      %run_scoped3A = tpu.sem_alloc : memref<!tpu.dma_semaphore, #tpu.memory_space<semaphore_mem>>
      %dma_start3A_265 = arith.constant 8192 : i32
      %dma_start3A_266 = tpu.memref_slice %arg8[%dma_start3A_265] : memref<24576xf32, #tpu.memory_space<vmem>> -> memref<8192xf32, #tpu.memory_space<vmem>>
      %dma_start3A_267 = tpu.memref_slice %arg2[%mul3A_53] : memref<98304xf32, #tpu.memory_space<hbm>> -> memref<8192xf32, #tpu.memory_space<hbm>>
      %dma_start3A_268 = arith.constant 8192 : i32
      %dma_start3A_269 = tpu.memref_slice %arg8[%dma_start3A_268] : memref<24576xf32, #tpu.memory_space<vmem>> -> memref<8192xf32, #tpu.memory_space<vmem>>
      %dma_start3A_270 = tpu.memref_slice %arg2[%mul3A_53] : memref<98304xf32, #tpu.memory_space<hbm>> -> memref<8192xf32, #tpu.memory_space<hbm>>
      tpu.enqueue_dma source(%dma_start3A_270 : memref<8192xf32, #tpu.memory_space<hbm>>) target(%dma_start3A_269 : memref<8192xf32, #tpu.memory_space<vmem>>) target_semaphore(%run_scoped3A : memref<!tpu.dma_semaphore, #tpu.memory_space<semaphore_mem>>)
      %dma_wait3A_271 = arith.constant 8192 : i32
      %dma_wait3A_272 = tpu.memref_slice %arg8[%dma_wait3A_271] : memref<24576xf32, #tpu.memory_space<vmem>> -> memref<8192xf32, #tpu.memory_space<vmem>>
      %dma_wait3A_273 = tpu.memref_slice %arg2[%mul3A_53] : memref<98304xf32, #tpu.memory_space<hbm>> -> memref<8192xf32, #tpu.memory_space<hbm>>
      %dma_wait3A_274 = arith.constant 8192 : i32
      %dma_wait3A_275 = tpu.memref_slice %arg8[%dma_wait3A_274] : memref<24576xf32, #tpu.memory_space<vmem>> -> memref<8192xf32, #tpu.memory_space<vmem>>
      %dma_wait3A_276 = tpu.memref_slice %arg2[%mul3A_53] : memref<98304xf32, #tpu.memory_space<hbm>> -> memref<8192xf32, #tpu.memory_space<hbm>>
      tpu.wait_dma2 semaphore(%run_scoped3A : memref<!tpu.dma_semaphore, #tpu.memory_space<semaphore_mem>>) src(%dma_wait3A_276 : memref<8192xf32, #tpu.memory_space<hbm>>) dst(%dma_wait3A_275 : memref<8192xf32, #tpu.memory_space<vmem>>)
      tpu.yield
    }) : () -> ()
    %mul3A_54 = arith.constant 3 : i32
    %mul3A_55 = arith.muli %select_n3A, %mul3A_54 : i32
    %add3A_56 = arith.constant 1 : i32
    %add3A_57 = arith.addi %mul3A_55, %add3A_56 : i32
    %mul3A_58 = arith.constant 1024 : i32
    %mul3A_59 = arith.muli %add3A_57, %mul3A_58 : i32
    %add3A_60 = arith.addi %mul3A_59, %mul3A_32 : i32
    "tpu.region"() ({
      %run_scoped3A = tpu.sem_alloc : memref<!tpu.dma_semaphore, #tpu.memory_space<semaphore_mem>>
      %dma_start3A_265 = arith.constant 144 : i32
      %dma_start3A_266 = tpu.memref_slice %arg9[%dma_start3A_265] : memref<432xf32, #tpu.memory_space<vmem>> -> memref<128xf32, #tpu.memory_space<vmem>>
      %dma_start3A_267 = tpu.memref_slice %arg3[%add3A_60] : memref<12288xf32, #tpu.memory_space<hbm>> -> memref<128xf32, #tpu.memory_space<hbm>>
      %dma_start3A_268 = arith.constant 144 : i32
      %dma_start3A_269 = tpu.memref_slice %arg9[%dma_start3A_268] : memref<432xf32, #tpu.memory_space<vmem>> -> memref<128xf32, #tpu.memory_space<vmem>>
      %dma_start3A_270 = tpu.memref_slice %arg3[%add3A_60] : memref<12288xf32, #tpu.memory_space<hbm>> -> memref<128xf32, #tpu.memory_space<hbm>>
      tpu.enqueue_dma source(%dma_start3A_270 : memref<128xf32, #tpu.memory_space<hbm>>) target(%dma_start3A_269 : memref<128xf32, #tpu.memory_space<vmem>>) target_semaphore(%run_scoped3A : memref<!tpu.dma_semaphore, #tpu.memory_space<semaphore_mem>>)
      %dma_wait3A_271 = arith.constant 144 : i32
      %dma_wait3A_272 = tpu.memref_slice %arg9[%dma_wait3A_271] : memref<432xf32, #tpu.memory_space<vmem>> -> memref<128xf32, #tpu.memory_space<vmem>>
      %dma_wait3A_273 = tpu.memref_slice %arg3[%add3A_60] : memref<12288xf32, #tpu.memory_space<hbm>> -> memref<128xf32, #tpu.memory_space<hbm>>
      %dma_wait3A_274 = arith.constant 144 : i32
      %dma_wait3A_275 = tpu.memref_slice %arg9[%dma_wait3A_274] : memref<432xf32, #tpu.memory_space<vmem>> -> memref<128xf32, #tpu.memory_space<vmem>>
      %dma_wait3A_276 = tpu.memref_slice %arg3[%add3A_60] : memref<12288xf32, #tpu.memory_space<hbm>> -> memref<128xf32, #tpu.memory_space<hbm>>
      tpu.wait_dma2 semaphore(%run_scoped3A : memref<!tpu.dma_semaphore, #tpu.memory_space<semaphore_mem>>) src(%dma_wait3A_276 : memref<128xf32, #tpu.memory_space<hbm>>) dst(%dma_wait3A_275 : memref<128xf32, #tpu.memory_space<vmem>>)
      tpu.yield
    }) : () -> ()
    %mul3A_61 = arith.constant 3 : i32
    %mul3A_62 = arith.muli %select_n3A, %mul3A_61 : i32
    %add3A_63 = arith.constant 2 : i32
    %add3A_64 = arith.addi %mul3A_62, %add3A_63 : i32
    %mul3A_65 = arith.constant 8192 : i32
    %mul3A_66 = arith.muli %add3A_64, %mul3A_65 : i32
    "tpu.region"() ({
      %run_scoped3A = tpu.sem_alloc : memref<!tpu.dma_semaphore, #tpu.memory_space<semaphore_mem>>
      %dma_start3A_265 = arith.constant 16384 : i32
      %dma_start3A_266 = tpu.memref_slice %arg8[%dma_start3A_265] : memref<24576xf32, #tpu.memory_space<vmem>> -> memref<8192xf32, #tpu.memory_space<vmem>>
      %dma_start3A_267 = tpu.memref_slice %arg2[%mul3A_66] : memref<98304xf32, #tpu.memory_space<hbm>> -> memref<8192xf32, #tpu.memory_space<hbm>>
      %dma_start3A_268 = arith.constant 16384 : i32
      %dma_start3A_269 = tpu.memref_slice %arg8[%dma_start3A_268] : memref<24576xf32, #tpu.memory_space<vmem>> -> memref<8192xf32, #tpu.memory_space<vmem>>
      %dma_start3A_270 = tpu.memref_slice %arg2[%mul3A_66] : memref<98304xf32, #tpu.memory_space<hbm>> -> memref<8192xf32, #tpu.memory_space<hbm>>
      tpu.enqueue_dma source(%dma_start3A_270 : memref<8192xf32, #tpu.memory_space<hbm>>) target(%dma_start3A_269 : memref<8192xf32, #tpu.memory_space<vmem>>) target_semaphore(%run_scoped3A : memref<!tpu.dma_semaphore, #tpu.memory_space<semaphore_mem>>)
      %dma_wait3A_271 = arith.constant 16384 : i32
      %dma_wait3A_272 = tpu.memref_slice %arg8[%dma_wait3A_271] : memref<24576xf32, #tpu.memory_space<vmem>> -> memref<8192xf32, #tpu.memory_space<vmem>>
      %dma_wait3A_273 = tpu.memref_slice %arg2[%mul3A_66] : memref<98304xf32, #tpu.memory_space<hbm>> -> memref<8192xf32, #tpu.memory_space<hbm>>
      %dma_wait3A_274 = arith.constant 16384 : i32
      %dma_wait3A_275 = tpu.memref_slice %arg8[%dma_wait3A_274] : memref<24576xf32, #tpu.memory_space<vmem>> -> memref<8192xf32, #tpu.memory_space<vmem>>
      %dma_wait3A_276 = tpu.memref_slice %arg2[%mul3A_66] : memref<98304xf32, #tpu.memory_space<hbm>> -> memref<8192xf32, #tpu.memory_space<hbm>>
      tpu.wait_dma2 semaphore(%run_scoped3A : memref<!tpu.dma_semaphore, #tpu.memory_space<semaphore_mem>>) src(%dma_wait3A_276 : memref<8192xf32, #tpu.memory_space<hbm>>) dst(%dma_wait3A_275 : memref<8192xf32, #tpu.memory_space<vmem>>)
      tpu.yield
    }) : () -> ()
    %mul3A_67 = arith.constant 3 : i32
    %mul3A_68 = arith.muli %select_n3A, %mul3A_67 : i32
    %add3A_69 = arith.constant 2 : i32
    %add3A_70 = arith.addi %mul3A_68, %add3A_69 : i32
    %mul3A_71 = arith.constant 1024 : i32
    %mul3A_72 = arith.muli %add3A_70, %mul3A_71 : i32
    %add3A_73 = arith.addi %mul3A_72, %mul3A_32 : i32
    "tpu.region"() ({
      %run_scoped3A = tpu.sem_alloc : memref<!tpu.dma_semaphore, #tpu.memory_space<semaphore_mem>>
      %dma_start3A_265 = arith.constant 288 : i32
      %dma_start3A_266 = tpu.memref_slice %arg9[%dma_start3A_265] : memref<432xf32, #tpu.memory_space<vmem>> -> memref<128xf32, #tpu.memory_space<vmem>>
      %dma_start3A_267 = tpu.memref_slice %arg3[%add3A_73] : memref<12288xf32, #tpu.memory_space<hbm>> -> memref<128xf32, #tpu.memory_space<hbm>>
      %dma_start3A_268 = arith.constant 288 : i32
      %dma_start3A_269 = tpu.memref_slice %arg9[%dma_start3A_268] : memref<432xf32, #tpu.memory_space<vmem>> -> memref<128xf32, #tpu.memory_space<vmem>>
      %dma_start3A_270 = tpu.memref_slice %arg3[%add3A_73] : memref<12288xf32, #tpu.memory_space<hbm>> -> memref<128xf32, #tpu.memory_space<hbm>>
      tpu.enqueue_dma source(%dma_start3A_270 : memref<128xf32, #tpu.memory_space<hbm>>) target(%dma_start3A_269 : memref<128xf32, #tpu.memory_space<vmem>>) target_semaphore(%run_scoped3A : memref<!tpu.dma_semaphore, #tpu.memory_space<semaphore_mem>>)
      %dma_wait3A_271 = arith.constant 288 : i32
      %dma_wait3A_272 = tpu.memref_slice %arg9[%dma_wait3A_271] : memref<432xf32, #tpu.memory_space<vmem>> -> memref<128xf32, #tpu.memory_space<vmem>>
      %dma_wait3A_273 = tpu.memref_slice %arg3[%add3A_73] : memref<12288xf32, #tpu.memory_space<hbm>> -> memref<128xf32, #tpu.memory_space<hbm>>
      %dma_wait3A_274 = arith.constant 288 : i32
      %dma_wait3A_275 = tpu.memref_slice %arg9[%dma_wait3A_274] : memref<432xf32, #tpu.memory_space<vmem>> -> memref<128xf32, #tpu.memory_space<vmem>>
      %dma_wait3A_276 = tpu.memref_slice %arg3[%add3A_73] : memref<12288xf32, #tpu.memory_space<hbm>> -> memref<128xf32, #tpu.memory_space<hbm>>
      tpu.wait_dma2 semaphore(%run_scoped3A : memref<!tpu.dma_semaphore, #tpu.memory_space<semaphore_mem>>) src(%dma_wait3A_276 : memref<128xf32, #tpu.memory_space<hbm>>) dst(%dma_wait3A_275 : memref<128xf32, #tpu.memory_space<vmem>>)
      tpu.yield
    }) : () -> ()
    %iota3A = tpu.iota {dimensions = array<i32: 0>} : vector<16xi32>
    %scan3A = arith.constant 0 : i32
    %scan3A_74 = arith.constant 0 : i32
    %scan3A_75 = arith.constant 128 : i32
    %scan3A_76 = arith.addi %scan3A_74, %scan3A_75 : i32
    %scan3A_77 = arith.constant 1 : i32
    %scan3A_78 = scf.for %scan3A_265 = %scan3A_74 to %scan3A_76 step %scan3A_77 iter_args(%scan3A_266 = %scan3A) -> (i32)  : i32 {
      %get3A = arith.index_cast %scan3A_265 : i32 to index
      %get3A_267 = tpu.vector_load %arg9[%get3A] {strides = array<i32>} : memref<432xf32, #tpu.memory_space<vmem>>, vector<16xf32>,
      %add3A_268 = arith.constant 144 : i32
      %add3A_269 = arith.addi %add3A_268, %scan3A_265 : i32
      %get3A_270 = arith.index_cast %add3A_269 : i32 to index
      %get3A_271 = tpu.vector_load %arg9[%get3A_270] {strides = array<i32>} : memref<432xf32, #tpu.memory_space<vmem>>, vector<16xf32>,
      %add3A_272 = arith.constant 288 : i32
      %add3A_273 = arith.addi %add3A_272, %scan3A_265 : i32
      %get3A_274 = arith.index_cast %add3A_273 : i32 to index
      %get3A_275 = tpu.vector_load %arg9[%get3A_274] {strides = array<i32>} : memref<432xf32, #tpu.memory_space<vmem>>, vector<16xf32>,
      %slice3A = vector.extract_strided_slice %get3A_267 {offsets = [0], sizes = [1], strides = [1]} : vector<16xf32> to vector<1xf32>
      %squeeze3A = vector.extract %slice3A[0] : f32 from vector<1xf32>
      %slice3A_276 = vector.extract_strided_slice %get3A_271 {offsets = [0], sizes = [1], strides = [1]} : vector<16xf32> to vector<1xf32>
      %squeeze3A_277 = vector.extract %slice3A_276[0] : f32 from vector<1xf32>
      %slice3A_278 = vector.extract_strided_slice %get3A_275 {offsets = [0], sizes = [1], strides = [1]} : vector<16xf32> to vector<1xf32>
      %squeeze3A_279 = vector.extract %slice3A_278[0] : f32 from vector<1xf32>
      %parallel_loop3A = arith.constant 0 : i32
      %parallel_loop3A_280 = arith.constant 512 : i32
      %parallel_loop3A_281 = arith.constant 1 : i32
      %parallel_loop3A_282 = arith.constant 0 : i32
      %parallel_loop3A_283 = arith.constant 0 : i32
      %parallel_loop3A_284 = arith.constant 0 : i32
      %parallel_loop3A_285:3 = scf.for %parallel_loop3A_413 = %parallel_loop3A to %parallel_loop3A_280 step %parallel_loop3A_281 iter_args(%parallel_loop3A_414 = %parallel_loop3A_282, %parallel_loop3A_415 = %parallel_loop3A_283, %parallel_loop3A_416 = %parallel_loop3A_284) -> (i32, i32, i32)  : i32 {
        %parallel_loop3A_417 = arith.constant 16 : i32
        %parallel_loop3A_418 = arith.muli %parallel_loop3A_413, %parallel_loop3A_417 : i32
        %parallel_loop3A_419 = arith.index_cast %parallel_loop3A_418 : i32 to index
        %parallel_loop3A_420 = tpu.vector_load %arg8[%parallel_loop3A_419] {strides = array<i32>} : memref<24576xf32, #tpu.memory_space<vmem>>, vector<16xf32>,
        %parallel_loop3A_421 = arith.constant 8192 : i32
        %parallel_loop3A_422 = arith.addi %parallel_loop3A_421, %parallel_loop3A_418 : i32
        %parallel_loop3A_423 = arith.index_cast %parallel_loop3A_422 : i32 to index
        %parallel_loop3A_424 = tpu.vector_load %arg8[%parallel_loop3A_423] {strides = array<i32>} : memref<24576xf32, #tpu.memory_space<vmem>>, vector<16xf32>,
        %parallel_loop3A_425 = arith.constant 16384 : i32
        %parallel_loop3A_426 = arith.addi %parallel_loop3A_425, %parallel_loop3A_418 : i32
        %parallel_loop3A_427 = arith.index_cast %parallel_loop3A_426 : i32 to index
        %parallel_loop3A_428 = tpu.vector_load %arg8[%parallel_loop3A_427] {strides = array<i32>} : memref<24576xf32, #tpu.memory_space<vmem>>, vector<16xf32>,
        %parallel_loop3A_429 = vector.broadcast %squeeze3A : f32 to vector<16xf32>
        %parallel_loop3A_430 = arith.subf %parallel_loop3A_420, %parallel_loop3A_429 : vector<16xf32>
        %parallel_loop3A_431 = vector.broadcast %squeeze3A_277 : f32 to vector<16xf32>
        %parallel_loop3A_432 = arith.subf %parallel_loop3A_424, %parallel_loop3A_431 : vector<16xf32>
        %parallel_loop3A_433 = vector.broadcast %squeeze3A_279 : f32 to vector<16xf32>
        %parallel_loop3A_434 = arith.subf %parallel_loop3A_428, %parallel_loop3A_433 : vector<16xf32>
        %parallel_loop3A_435 = arith.mulf %parallel_loop3A_430, %parallel_loop3A_430 : vector<16xf32>
        %parallel_loop3A_436 = arith.mulf %parallel_loop3A_432, %parallel_loop3A_432 : vector<16xf32>
        %parallel_loop3A_437 = arith.addf %parallel_loop3A_435, %parallel_loop3A_436 : vector<16xf32>
        %parallel_loop3A_438 = arith.mulf %parallel_loop3A_434, %parallel_loop3A_434 : vector<16xf32>
        %parallel_loop3A_439 = arith.addf %parallel_loop3A_437, %parallel_loop3A_438 : vector<16xf32>
        %parallel_loop3A_440 = arith.addi %parallel_loop3A_418, %mul3A_34 : i32
        %parallel_loop3A_441 = vector.broadcast %parallel_loop3A_440 : i32 to vector<16xi32>
        %parallel_loop3A_442 = arith.addi %parallel_loop3A_441, %iota3A : vector<16xi32>
        %parallel_loop3A_443 = arith.constant 0.00999999977 : f32
        %parallel_loop3A_444 = vector.broadcast %parallel_loop3A_443 : f32 to vector<16xf32>
        %parallel_loop3A_445 = arith.cmpf ole, %parallel_loop3A_439, %parallel_loop3A_444 : vector<16xf32>
        %parallel_loop3A_446 = arith.constant 4.000000e-02 : f32
        %parallel_loop3A_447 = vector.broadcast %parallel_loop3A_446 : f32 to vector<16xf32>
        %parallel_loop3A_448 = arith.cmpf ole, %parallel_loop3A_439, %parallel_loop3A_447 : vector<16xf32>
        %parallel_loop3A_449 = arith.constant 1.600000e-01 : f32
        %parallel_loop3A_450 = vector.broadcast %parallel_loop3A_449 : f32 to vector<16xf32>
        %parallel_loop3A_451 = arith.cmpf ole, %parallel_loop3A_439, %parallel_loop3A_450 : vector<16xf32>
        %parallel_loop3A_452 = arith.constant 32 : i32
        %parallel_loop3A_453 = arith.muli %scan3A_265, %parallel_loop3A_452 : i32
        %parallel_loop3A_454 = arith.constant 16 : i32
        %parallel_loop3A_455 = arith.minsi %parallel_loop3A_414, %parallel_loop3A_454 : i32
        %parallel_loop3A_456 = arith.addi %parallel_loop3A_453, %parallel_loop3A_455 : i32
        %parallel_loop3A_457 = arith.index_cast %parallel_loop3A_456 : i32 to index
        %parallel_loop3A_458 = tpu.vector_load %arg10[%parallel_loop3A_457] masked %parallel_loop3A_445 {strides = array<i32>} : memref<4096xi32, #tpu.memory_space<vmem>>, vector<16xi32>, vector<16xi1>
        tpu.vector_store %arg10[%parallel_loop3A_457], %parallel_loop3A_442 masked %parallel_loop3A_445 {strides = array<i32>} : memref<4096xi32, #tpu.memory_space<vmem>>, vector<16xi32>, vector<16xi1>
        %parallel_loop3A_459 = arith.constant 48 : i32
        %parallel_loop3A_460 = arith.muli %scan3A_265, %parallel_loop3A_459 : i32
        %parallel_loop3A_461 = arith.constant 32 : i32
        %parallel_loop3A_462 = arith.minsi %parallel_loop3A_415, %parallel_loop3A_461 : i32
        %parallel_loop3A_463 = arith.addi %parallel_loop3A_460, %parallel_loop3A_462 : i32
        %parallel_loop3A_464 = arith.index_cast %parallel_loop3A_463 : i32 to index
        %parallel_loop3A_465 = tpu.vector_load %arg11[%parallel_loop3A_464] masked %parallel_loop3A_448 {strides = array<i32>} : memref<6144xi32, #tpu.memory_space<vmem>>, vector<16xi32>, vector<16xi1>
        tpu.vector_store %arg11[%parallel_loop3A_464], %parallel_loop3A_442 masked %parallel_loop3A_448 {strides = array<i32>} : memref<6144xi32, #tpu.memory_space<vmem>>, vector<16xi32>, vector<16xi1>
        %parallel_loop3A_466 = arith.constant 80 : i32
        %parallel_loop3A_467 = arith.muli %scan3A_265, %parallel_loop3A_466 : i32
        %parallel_loop3A_468 = arith.constant 64 : i32
        %parallel_loop3A_469 = arith.minsi %parallel_loop3A_416, %parallel_loop3A_468 : i32
        %parallel_loop3A_470 = arith.addi %parallel_loop3A_467, %parallel_loop3A_469 : i32
        %parallel_loop3A_471 = arith.index_cast %parallel_loop3A_470 : i32 to index
        %parallel_loop3A_472 = tpu.vector_load %arg12[%parallel_loop3A_471] masked %parallel_loop3A_451 {strides = array<i32>} : memref<10240xi32, #tpu.memory_space<vmem>>, vector<16xi32>, vector<16xi1>
        tpu.vector_store %arg12[%parallel_loop3A_471], %parallel_loop3A_442 masked %parallel_loop3A_451 {strides = array<i32>} : memref<10240xi32, #tpu.memory_space<vmem>>, vector<16xi32>, vector<16xi1>
        %parallel_loop3A_473 = tpu.all_reduce %parallel_loop3A_445 {dim = 0 : i64, kind = #tpu.reduction_kind<sum>} : vector<16xi1> -> vector<16xi32>
        %parallel_loop3A_474 = vector.extract_strided_slice %parallel_loop3A_473 {offsets = [0], sizes = [1], strides = [1]} : vector<16xi32> to vector<1xi32>
        %parallel_loop3A_475 = vector.extract %parallel_loop3A_474[0] : i32 from vector<1xi32>
        %parallel_loop3A_476 = arith.addi %parallel_loop3A_414, %parallel_loop3A_475 : i32
        %parallel_loop3A_477 = tpu.all_reduce %parallel_loop3A_448 {dim = 0 : i64, kind = #tpu.reduction_kind<sum>} : vector<16xi1> -> vector<16xi32>
        %parallel_loop3A_478 = vector.extract_strided_slice %parallel_loop3A_477 {offsets = [0], sizes = [1], strides = [1]} : vector<16xi32> to vector<1xi32>
        %parallel_loop3A_479 = vector.extract %parallel_loop3A_478[0] : i32 from vector<1xi32>
        %parallel_loop3A_480 = arith.addi %parallel_loop3A_415, %parallel_loop3A_479 : i32
        %parallel_loop3A_481 = tpu.all_reduce %parallel_loop3A_451 {dim = 0 : i64, kind = #tpu.reduction_kind<sum>} : vector<16xi1> -> vector<16xi32>
        %parallel_loop3A_482 = vector.extract_strided_slice %parallel_loop3A_481 {offsets = [0], sizes = [1], strides = [1]} : vector<16xi32> to vector<1xi32>
        %parallel_loop3A_483 = vector.extract %parallel_loop3A_482[0] : i32 from vector<1xi32>
        %parallel_loop3A_484 = arith.addi %parallel_loop3A_416, %parallel_loop3A_483 : i32
        scf.yield %parallel_loop3A_476, %parallel_loop3A_480, %parallel_loop3A_484 : i32, i32, i32
      } {sc.loop_unroll_factor = 4 : i64, sc.parallel_access}
      %min3A = arith.constant 16 : i32
      %min3A_286 = arith.minsi %parallel_loop3A_285#0, %min3A : i32
      %mul3A_287 = arith.constant 32 : i32
      %mul3A_288 = arith.muli %scan3A_265, %mul3A_287 : i32
      %get3A_289 = arith.index_cast %mul3A_288 : i32 to index
      %get3A_290 = tpu.vector_load %arg10[%get3A_289] {strides = array<i32>} : memref<4096xi32, #tpu.memory_space<vmem>>, vector<16xi32>,
      %slice3A_291 = vector.extract_strided_slice %get3A_290 {offsets = [0], sizes = [1], strides = [1]} : vector<16xi32> to vector<1xi32>
      %squeeze3A_292 = vector.extract %slice3A_291[0] : i32 from vector<1xi32>
      %add3A_293 = arith.constant 0 : i32
      %add3A_294 = vector.broadcast %add3A_293 : i32 to vector<16xi32>
      %add3A_295 = arith.addi %iota3A, %add3A_294 : vector<16xi32>
      %add3A_296 = arith.constant 0 : i32
      %add3A_297 = arith.addi %mul3A_288, %add3A_296 : i32
      %get3A_298 = arith.index_cast %add3A_297 : i32 to index
      %get3A_299 = tpu.vector_load %arg10[%get3A_298] {strides = array<i32>} : memref<4096xi32, #tpu.memory_space<vmem>>, vector<16xi32>,
      %lt3A_300 = vector.broadcast %min3A_286 : i32 to vector<16xi32>
      %lt3A_301 = arith.cmpi slt, %add3A_295, %lt3A_300 : vector<16xi32>
      %broadcast_in_dim3A = vector.broadcast %squeeze3A_292 : i32 to vector<16xi32>
      %select_n3A_302 = arith.select %lt3A_301, %get3A_299, %broadcast_in_dim3A : vector<16xi1>, vector<16xi32>
      %add3A_303 = arith.constant 0 : i32
      %add3A_304 = arith.addi %mul3A_288, %add3A_303 : i32
      %swap3A = arith.index_cast %add3A_304 : i32 to index
      %swap3A_305 = tpu.vector_load %arg10[%swap3A] {strides = array<i32>} : memref<4096xi32, #tpu.memory_space<vmem>>, vector<16xi32>,
      tpu.vector_store %arg10[%swap3A], %select_n3A_302 {strides = array<i32>} : memref<4096xi32, #tpu.memory_space<vmem>>, vector<16xi32>,
      %min3A_306 = arith.constant 32 : i32
      %min3A_307 = arith.minsi %parallel_loop3A_285#1, %min3A_306 : i32
      %mul3A_308 = arith.constant 48 : i32
      %mul3A_309 = arith.muli %scan3A_265, %mul3A_308 : i32
      %get3A_310 = arith.index_cast %mul3A_309 : i32 to index
      %get3A_311 = tpu.vector_load %arg11[%get3A_310] {strides = array<i32>} : memref<6144xi32, #tpu.memory_space<vmem>>, vector<16xi32>,
      %slice3A_312 = vector.extract_strided_slice %get3A_311 {offsets = [0], sizes = [1], strides = [1]} : vector<16xi32> to vector<1xi32>
      %squeeze3A_313 = vector.extract %slice3A_312[0] : i32 from vector<1xi32>
      %add3A_314 = arith.constant 0 : i32
      %add3A_315 = vector.broadcast %add3A_314 : i32 to vector<16xi32>
      %add3A_316 = arith.addi %iota3A, %add3A_315 : vector<16xi32>
      %add3A_317 = arith.constant 0 : i32
      %add3A_318 = arith.addi %mul3A_309, %add3A_317 : i32
      %get3A_319 = arith.index_cast %add3A_318 : i32 to index
      %get3A_320 = tpu.vector_load %arg11[%get3A_319] {strides = array<i32>} : memref<6144xi32, #tpu.memory_space<vmem>>, vector<16xi32>,
      %lt3A_321 = vector.broadcast %min3A_307 : i32 to vector<16xi32>
      %lt3A_322 = arith.cmpi slt, %add3A_316, %lt3A_321 : vector<16xi32>
      %broadcast_in_dim3A_323 = vector.broadcast %squeeze3A_313 : i32 to vector<16xi32>
      %select_n3A_324 = arith.select %lt3A_322, %get3A_320, %broadcast_in_dim3A_323 : vector<16xi1>, vector<16xi32>
      %add3A_325 = arith.constant 0 : i32
      %add3A_326 = arith.addi %mul3A_309, %add3A_325 : i32
      %swap3A_327 = arith.index_cast %add3A_326 : i32 to index
      %swap3A_328 = tpu.vector_load %arg11[%swap3A_327] {strides = array<i32>} : memref<6144xi32, #tpu.memory_space<vmem>>, vector<16xi32>,
      tpu.vector_store %arg11[%swap3A_327], %select_n3A_324 {strides = array<i32>} : memref<6144xi32, #tpu.memory_space<vmem>>, vector<16xi32>,
      %add3A_329 = arith.constant 16 : i32
      %add3A_330 = vector.broadcast %add3A_329 : i32 to vector<16xi32>
      %add3A_331 = arith.addi %iota3A, %add3A_330 : vector<16xi32>
      %add3A_332 = arith.constant 16 : i32
      %add3A_333 = arith.addi %mul3A_309, %add3A_332 : i32
      %get3A_334 = arith.index_cast %add3A_333 : i32 to index
      %get3A_335 = tpu.vector_load %arg11[%get3A_334] {strides = array<i32>} : memref<6144xi32, #tpu.memory_space<vmem>>, vector<16xi32>,
      %lt3A_336 = vector.broadcast %min3A_307 : i32 to vector<16xi32>
      %lt3A_337 = arith.cmpi slt, %add3A_331, %lt3A_336 : vector<16xi32>
      %broadcast_in_dim3A_338 = vector.broadcast %squeeze3A_313 : i32 to vector<16xi32>
      %select_n3A_339 = arith.select %lt3A_337, %get3A_335, %broadcast_in_dim3A_338 : vector<16xi1>, vector<16xi32>
      %add3A_340 = arith.constant 16 : i32
      %add3A_341 = arith.addi %mul3A_309, %add3A_340 : i32
      %swap3A_342 = arith.index_cast %add3A_341 : i32 to index
      %swap3A_343 = tpu.vector_load %arg11[%swap3A_342] {strides = array<i32>} : memref<6144xi32, #tpu.memory_space<vmem>>, vector<16xi32>,
      tpu.vector_store %arg11[%swap3A_342], %select_n3A_339 {strides = array<i32>} : memref<6144xi32, #tpu.memory_space<vmem>>, vector<16xi32>,
      %min3A_344 = arith.constant 64 : i32
      %min3A_345 = arith.minsi %parallel_loop3A_285#2, %min3A_344 : i32
      %mul3A_346 = arith.constant 80 : i32
      %mul3A_347 = arith.muli %scan3A_265, %mul3A_346 : i32
      %get3A_348 = arith.index_cast %mul3A_347 : i32 to index
      %get3A_349 = tpu.vector_load %arg12[%get3A_348] {strides = array<i32>} : memref<10240xi32, #tpu.memory_space<vmem>>, vector<16xi32>,
      %slice3A_350 = vector.extract_strided_slice %get3A_349 {offsets = [0], sizes = [1], strides = [1]} : vector<16xi32> to vector<1xi32>
      %squeeze3A_351 = vector.extract %slice3A_350[0] : i32 from vector<1xi32>
      %add3A_352 = arith.constant 0 : i32
      %add3A_353 = vector.broadcast %add3A_352 : i32 to vector<16xi32>
      %add3A_354 = arith.addi %iota3A, %add3A_353 : vector<16xi32>
      %add3A_355 = arith.constant 0 : i32
      %add3A_356 = arith.addi %mul3A_347, %add3A_355 : i32
      %get3A_357 = arith.index_cast %add3A_356 : i32 to index
      %get3A_358 = tpu.vector_load %arg12[%get3A_357] {strides = array<i32>} : memref<10240xi32, #tpu.memory_space<vmem>>, vector<16xi32>,
      %lt3A_359 = vector.broadcast %min3A_345 : i32 to vector<16xi32>
      %lt3A_360 = arith.cmpi slt, %add3A_354, %lt3A_359 : vector<16xi32>
      %broadcast_in_dim3A_361 = vector.broadcast %squeeze3A_351 : i32 to vector<16xi32>
      %select_n3A_362 = arith.select %lt3A_360, %get3A_358, %broadcast_in_dim3A_361 : vector<16xi1>, vector<16xi32>
      %add3A_363 = arith.constant 0 : i32
      %add3A_364 = arith.addi %mul3A_347, %add3A_363 : i32
      %swap3A_365 = arith.index_cast %add3A_364 : i32 to index
      %swap3A_366 = tpu.vector_load %arg12[%swap3A_365] {strides = array<i32>} : memref<10240xi32, #tpu.memory_space<vmem>>, vector<16xi32>,
      tpu.vector_store %arg12[%swap3A_365], %select_n3A_362 {strides = array<i32>} : memref<10240xi32, #tpu.memory_space<vmem>>, vector<16xi32>,
      %add3A_367 = arith.constant 16 : i32
      %add3A_368 = vector.broadcast %add3A_367 : i32 to vector<16xi32>
      %add3A_369 = arith.addi %iota3A, %add3A_368 : vector<16xi32>
      %add3A_370 = arith.constant 16 : i32
      %add3A_371 = arith.addi %mul3A_347, %add3A_370 : i32
      %get3A_372 = arith.index_cast %add3A_371 : i32 to index
      %get3A_373 = tpu.vector_load %arg12[%get3A_372] {strides = array<i32>} : memref<10240xi32, #tpu.memory_space<vmem>>, vector<16xi32>,
      %lt3A_374 = vector.broadcast %min3A_345 : i32 to vector<16xi32>
      %lt3A_375 = arith.cmpi slt, %add3A_369, %lt3A_374 : vector<16xi32>
      %broadcast_in_dim3A_376 = vector.broadcast %squeeze3A_351 : i32 to vector<16xi32>
      %select_n3A_377 = arith.select %lt3A_375, %get3A_373, %broadcast_in_dim3A_376 : vector<16xi1>, vector<16xi32>
      %add3A_378 = arith.constant 16 : i32
      %add3A_379 = arith.addi %mul3A_347, %add3A_378 : i32
      %swap3A_380 = arith.index_cast %add3A_379 : i32 to index
      %swap3A_381 = tpu.vector_load %arg12[%swap3A_380] {strides = array<i32>} : memref<10240xi32, #tpu.memory_space<vmem>>, vector<16xi32>,
      tpu.vector_store %arg12[%swap3A_380], %select_n3A_377 {strides = array<i32>} : memref<10240xi32, #tpu.memory_space<vmem>>, vector<16xi32>,
      %add3A_382 = arith.constant 32 : i32
      %add3A_383 = vector.broadcast %add3A_382 : i32 to vector<16xi32>
      %add3A_384 = arith.addi %iota3A, %add3A_383 : vector<16xi32>
      %add3A_385 = arith.constant 32 : i32
      %add3A_386 = arith.addi %mul3A_347, %add3A_385 : i32
      %get3A_387 = arith.index_cast %add3A_386 : i32 to index
      %get3A_388 = tpu.vector_load %arg12[%get3A_387] {strides = array<i32>} : memref<10240xi32, #tpu.memory_space<vmem>>, vector<16xi32>,
      %lt3A_389 = vector.broadcast %min3A_345 : i32 to vector<16xi32>
      %lt3A_390 = arith.cmpi slt, %add3A_384, %lt3A_389 : vector<16xi32>
      %broadcast_in_dim3A_391 = vector.broadcast %squeeze3A_351 : i32 to vector<16xi32>
      %select_n3A_392 = arith.select %lt3A_390, %get3A_388, %broadcast_in_dim3A_391 : vector<16xi1>, vector<16xi32>
      %add3A_393 = arith.constant 32 : i32
      %add3A_394 = arith.addi %mul3A_347, %add3A_393 : i32
      %swap3A_395 = arith.index_cast %add3A_394 : i32 to index
      %swap3A_396 = tpu.vector_load %arg12[%swap3A_395] {strides = array<i32>} : memref<10240xi32, #tpu.memory_space<vmem>>, vector<16xi32>,
      tpu.vector_store %arg12[%swap3A_395], %select_n3A_392 {strides = array<i32>} : memref<10240xi32, #tpu.memory_space<vmem>>, vector<16xi32>,
      %add3A_397 = arith.constant 48 : i32
      %add3A_398 = vector.broadcast %add3A_397 : i32 to vector<16xi32>
      %add3A_399 = arith.addi %iota3A, %add3A_398 : vector<16xi32>
      %add3A_400 = arith.constant 48 : i32
      %add3A_401 = arith.addi %mul3A_347, %add3A_400 : i32
      %get3A_402 = arith.index_cast %add3A_401 : i32 to index
      %get3A_403 = tpu.vector_load %arg12[%get3A_402] {strides = array<i32>} : memref<10240xi32, #tpu.memory_space<vmem>>, vector<16xi32>,
      %lt3A_404 = vector.broadcast %min3A_345 : i32 to vector<16xi32>
      %lt3A_405 = arith.cmpi slt, %add3A_399, %lt3A_404 : vector<16xi32>
      %broadcast_in_dim3A_406 = vector.broadcast %squeeze3A_351 : i32 to vector<16xi32>
      %select_n3A_407 = arith.select %lt3A_405, %get3A_403, %broadcast_in_dim3A_406 : vector<16xi1>, vector<16xi32>
      %add3A_408 = arith.constant 48 : i32
      %add3A_409 = arith.addi %mul3A_347, %add3A_408 : i32
      %swap3A_410 = arith.index_cast %add3A_409 : i32 to index
      %swap3A_411 = tpu.vector_load %arg12[%swap3A_410] {strides = array<i32>} : memref<10240xi32, #tpu.memory_space<vmem>>, vector<16xi32>,
      tpu.vector_store %arg12[%swap3A_410], %select_n3A_407 {strides = array<i32>} : memref<10240xi32, #tpu.memory_space<vmem>>, vector<16xi32>,
      %scan3A_412 = arith.constant 0 : i32
      scf.yield %scan3A_412 : i32
    }
    %scan3A_79 = arith.constant 128 : i32
    %dma_start3A = arith.constant 0 : i32
    %dma_start3A_80 = tpu.memref_slice %arg10[%dma_start3A] : memref<4096xi32, #tpu.memory_space<vmem>> -> memref<16xi32, #tpu.memory_space<vmem>>
    %dma_start3A_81 = arith.constant 0 : i32
    %dma_start3A_82 = arith.constant 0 : i32
    %dma_start3A_83 = tpu.memref_slice %arg4[%dma_start3A_81, %dma_start3A_82] : memref<32768x80xf32, #tpu.memory_space<hbm>> -> memref<32768x80xf32, #tpu.memory_space<hbm>>
    tpu.enqueue_indirect_dma source(%dma_start3A_83 : memref<32768x80xf32, #tpu.memory_space<hbm>>) target(%arg13 : memref<16x80xf32, #tpu.memory_space<vmem>>) offsets(%dma_start3A_80 : memref<16xi32, #tpu.memory_space<vmem>>) semaphore(%arg25 : memref<!tpu.dma_semaphore, #tpu.memory_space<semaphore_mem>>)
    %dma_start3A_84 = arith.constant 0 : i32
    %dma_start3A_85 = tpu.memref_slice %arg11[%dma_start3A_84] : memref<6144xi32, #tpu.memory_space<vmem>> -> memref<32xi32, #tpu.memory_space<vmem>>
    %dma_start3A_86 = arith.constant 0 : i32
    %dma_start3A_87 = arith.constant 0 : i32
    %dma_start3A_88 = tpu.memref_slice %arg4[%dma_start3A_86, %dma_start3A_87] : memref<32768x80xf32, #tpu.memory_space<hbm>> -> memref<32768x80xf32, #tpu.memory_space<hbm>>
    tpu.enqueue_indirect_dma source(%dma_start3A_88 : memref<32768x80xf32, #tpu.memory_space<hbm>>) target(%arg14 : memref<32x80xf32, #tpu.memory_space<vmem>>) offsets(%dma_start3A_85 : memref<32xi32, #tpu.memory_space<vmem>>) semaphore(%arg26 : memref<!tpu.dma_semaphore, #tpu.memory_space<semaphore_mem>>)
    %dma_start3A_89 = arith.constant 0 : i32
    %dma_start3A_90 = tpu.memref_slice %arg12[%dma_start3A_89] : memref<10240xi32, #tpu.memory_space<vmem>> -> memref<64xi32, #tpu.memory_space<vmem>>
    %dma_start3A_91 = arith.constant 0 : i32
    %dma_start3A_92 = arith.constant 0 : i32
    %dma_start3A_93 = tpu.memref_slice %arg4[%dma_start3A_91, %dma_start3A_92] : memref<32768x80xf32, #tpu.memory_space<hbm>> -> memref<32768x80xf32, #tpu.memory_space<hbm>>
    tpu.enqueue_indirect_dma source(%dma_start3A_93 : memref<32768x80xf32, #tpu.memory_space<hbm>>) target(%arg15 : memref<64x80xf32, #tpu.memory_space<vmem>>) offsets(%dma_start3A_90 : memref<64xi32, #tpu.memory_space<vmem>>) semaphore(%arg27 : memref<!tpu.dma_semaphore, #tpu.memory_space<semaphore_mem>>)
    %dma_start3A_94 = arith.constant 32 : i32
    %dma_start3A_95 = tpu.memref_slice %arg10[%dma_start3A_94] : memref<4096xi32, #tpu.memory_space<vmem>> -> memref<16xi32, #tpu.memory_space<vmem>>
    %dma_start3A_96 = arith.constant 0 : i32
    %dma_start3A_97 = arith.constant 0 : i32
    %dma_start3A_98 = tpu.memref_slice %arg4[%dma_start3A_96, %dma_start3A_97] : memref<32768x80xf32, #tpu.memory_space<hbm>> -> memref<32768x80xf32, #tpu.memory_space<hbm>>
    tpu.enqueue_indirect_dma source(%dma_start3A_98 : memref<32768x80xf32, #tpu.memory_space<hbm>>) target(%arg16 : memref<16x80xf32, #tpu.memory_space<vmem>>) offsets(%dma_start3A_95 : memref<16xi32, #tpu.memory_space<vmem>>) semaphore(%arg28 : memref<!tpu.dma_semaphore, #tpu.memory_space<semaphore_mem>>)
    %dma_start3A_99 = arith.constant 48 : i32
    %dma_start3A_100 = tpu.memref_slice %arg11[%dma_start3A_99] : memref<6144xi32, #tpu.memory_space<vmem>> -> memref<32xi32, #tpu.memory_space<vmem>>
    %dma_start3A_101 = arith.constant 0 : i32
    %dma_start3A_102 = arith.constant 0 : i32
    %dma_start3A_103 = tpu.memref_slice %arg4[%dma_start3A_101, %dma_start3A_102] : memref<32768x80xf32, #tpu.memory_space<hbm>> -> memref<32768x80xf32, #tpu.memory_space<hbm>>
    tpu.enqueue_indirect_dma source(%dma_start3A_103 : memref<32768x80xf32, #tpu.memory_space<hbm>>) target(%arg17 : memref<32x80xf32, #tpu.memory_space<vmem>>) offsets(%dma_start3A_100 : memref<32xi32, #tpu.memory_space<vmem>>) semaphore(%arg29 : memref<!tpu.dma_semaphore, #tpu.memory_space<semaphore_mem>>)
    %dma_start3A_104 = arith.constant 80 : i32
    %dma_start3A_105 = tpu.memref_slice %arg12[%dma_start3A_104] : memref<10240xi32, #tpu.memory_space<vmem>> -> memref<64xi32, #tpu.memory_space<vmem>>
    %dma_start3A_106 = arith.constant 0 : i32
    %dma_start3A_107 = arith.constant 0 : i32
    %dma_start3A_108 = tpu.memref_slice %arg4[%dma_start3A_106, %dma_start3A_107] : memref<32768x80xf32, #tpu.memory_space<hbm>> -> memref<32768x80xf32, #tpu.memory_space<hbm>>
    tpu.enqueue_indirect_dma source(%dma_start3A_108 : memref<32768x80xf32, #tpu.memory_space<hbm>>) target(%arg18 : memref<64x80xf32, #tpu.memory_space<vmem>>) offsets(%dma_start3A_105 : memref<64xi32, #tpu.memory_space<vmem>>) semaphore(%arg30 : memref<!tpu.dma_semaphore, #tpu.memory_space<semaphore_mem>>)
    %dma_start3A_109 = arith.constant 64 : i32
    %dma_start3A_110 = tpu.memref_slice %arg10[%dma_start3A_109] : memref<4096xi32, #tpu.memory_space<vmem>> -> memref<16xi32, #tpu.memory_space<vmem>>
    %dma_start3A_111 = arith.constant 0 : i32
    %dma_start3A_112 = arith.constant 0 : i32
    %dma_start3A_113 = tpu.memref_slice %arg4[%dma_start3A_111, %dma_start3A_112] : memref<32768x80xf32, #tpu.memory_space<hbm>> -> memref<32768x80xf32, #tpu.memory_space<hbm>>
    tpu.enqueue_indirect_dma source(%dma_start3A_113 : memref<32768x80xf32, #tpu.memory_space<hbm>>) target(%arg19 : memref<16x80xf32, #tpu.memory_space<vmem>>) offsets(%dma_start3A_110 : memref<16xi32, #tpu.memory_space<vmem>>) semaphore(%arg31 : memref<!tpu.dma_semaphore, #tpu.memory_space<semaphore_mem>>)
    %dma_start3A_114 = arith.constant 96 : i32
    %dma_start3A_115 = tpu.memref_slice %arg11[%dma_start3A_114] : memref<6144xi32, #tpu.memory_space<vmem>> -> memref<32xi32, #tpu.memory_space<vmem>>
    %dma_start3A_116 = arith.constant 0 : i32
    %dma_start3A_117 = arith.constant 0 : i32
    %dma_start3A_118 = tpu.memref_slice %arg4[%dma_start3A_116, %dma_start3A_117] : memref<32768x80xf32, #tpu.memory_space<hbm>> -> memref<32768x80xf32, #tpu.memory_space<hbm>>
    tpu.enqueue_indirect_dma source(%dma_start3A_118 : memref<32768x80xf32, #tpu.memory_space<hbm>>) target(%arg20 : memref<32x80xf32, #tpu.memory_space<vmem>>) offsets(%dma_start3A_115 : memref<32xi32, #tpu.memory_space<vmem>>) semaphore(%arg32 : memref<!tpu.dma_semaphore, #tpu.memory_space<semaphore_mem>>)
    %dma_start3A_119 = arith.constant 160 : i32
    %dma_start3A_120 = tpu.memref_slice %arg12[%dma_start3A_119] : memref<10240xi32, #tpu.memory_space<vmem>> -> memref<64xi32, #tpu.memory_space<vmem>>
    %dma_start3A_121 = arith.constant 0 : i32
    %dma_start3A_122 = arith.constant 0 : i32
    %dma_start3A_123 = tpu.memref_slice %arg4[%dma_start3A_121, %dma_start3A_122] : memref<32768x80xf32, #tpu.memory_space<hbm>> -> memref<32768x80xf32, #tpu.memory_space<hbm>>
    tpu.enqueue_indirect_dma source(%dma_start3A_123 : memref<32768x80xf32, #tpu.memory_space<hbm>>) target(%arg21 : memref<64x80xf32, #tpu.memory_space<vmem>>) offsets(%dma_start3A_120 : memref<64xi32, #tpu.memory_space<vmem>>) semaphore(%arg33 : memref<!tpu.dma_semaphore, #tpu.memory_space<semaphore_mem>>)
    %dma_start3A_124 = arith.constant 96 : i32
    %dma_start3A_125 = tpu.memref_slice %arg10[%dma_start3A_124] : memref<4096xi32, #tpu.memory_space<vmem>> -> memref<16xi32, #tpu.memory_space<vmem>>
    %dma_start3A_126 = arith.constant 0 : i32
    %dma_start3A_127 = arith.constant 0 : i32
    %dma_start3A_128 = tpu.memref_slice %arg4[%dma_start3A_126, %dma_start3A_127] : memref<32768x80xf32, #tpu.memory_space<hbm>> -> memref<32768x80xf32, #tpu.memory_space<hbm>>
    tpu.enqueue_indirect_dma source(%dma_start3A_128 : memref<32768x80xf32, #tpu.memory_space<hbm>>) target(%arg22 : memref<16x80xf32, #tpu.memory_space<vmem>>) offsets(%dma_start3A_125 : memref<16xi32, #tpu.memory_space<vmem>>) semaphore(%arg34 : memref<!tpu.dma_semaphore, #tpu.memory_space<semaphore_mem>>)
    %dma_start3A_129 = arith.constant 144 : i32
    %dma_start3A_130 = tpu.memref_slice %arg11[%dma_start3A_129] : memref<6144xi32, #tpu.memory_space<vmem>> -> memref<32xi32, #tpu.memory_space<vmem>>
    %dma_start3A_131 = arith.constant 0 : i32
    %dma_start3A_132 = arith.constant 0 : i32
    %dma_start3A_133 = tpu.memref_slice %arg4[%dma_start3A_131, %dma_start3A_132] : memref<32768x80xf32, #tpu.memory_space<hbm>> -> memref<32768x80xf32, #tpu.memory_space<hbm>>
    tpu.enqueue_indirect_dma source(%dma_start3A_133 : memref<32768x80xf32, #tpu.memory_space<hbm>>) target(%arg23 : memref<32x80xf32, #tpu.memory_space<vmem>>) offsets(%dma_start3A_130 : memref<32xi32, #tpu.memory_space<vmem>>) semaphore(%arg35 : memref<!tpu.dma_semaphore, #tpu.memory_space<semaphore_mem>>)
    %dma_start3A_134 = arith.constant 240 : i32
    %dma_start3A_135 = tpu.memref_slice %arg12[%dma_start3A_134] : memref<10240xi32, #tpu.memory_space<vmem>> -> memref<64xi32, #tpu.memory_space<vmem>>
    %dma_start3A_136 = arith.constant 0 : i32
    %dma_start3A_137 = arith.constant 0 : i32
    %dma_start3A_138 = tpu.memref_slice %arg4[%dma_start3A_136, %dma_start3A_137] : memref<32768x80xf32, #tpu.memory_space<hbm>> -> memref<32768x80xf32, #tpu.memory_space<hbm>>
    tpu.enqueue_indirect_dma source(%dma_start3A_138 : memref<32768x80xf32, #tpu.memory_space<hbm>>) target(%arg24 : memref<64x80xf32, #tpu.memory_space<vmem>>) offsets(%dma_start3A_135 : memref<64xi32, #tpu.memory_space<vmem>>) semaphore(%arg36 : memref<!tpu.dma_semaphore, #tpu.memory_space<semaphore_mem>>)
    %scan3A_139 = arith.constant 0 : i32
    %scan3A_140 = arith.constant 0 : i32
    %scan3A_141 = arith.constant 32 : i32
    %scan3A_142 = arith.addi %scan3A_140, %scan3A_141 : i32
    %scan3A_143 = arith.constant 1 : i32
    %scan3A_144 = scf.for %scan3A_265 = %scan3A_140 to %scan3A_142 step %scan3A_143 iter_args(%scan3A_266 = %scan3A_139) -> (i32)  : i32 {
      %mul3A_267 = arith.constant 4 : i32
      %mul3A_268 = arith.muli %scan3A_265, %mul3A_267 : i32
      %add3A_269 = arith.constant 0 : i32
      %add3A_270 = arith.addi %mul3A_268, %add3A_269 : i32
      %mul3A_271 = arith.constant 32 : i32
      %mul3A_272 = arith.muli %add3A_270, %mul3A_271 : i32
      %dma_wait3A_273 = tpu.memref_slice %arg10[%mul3A_272] : memref<4096xi32, #tpu.memory_space<vmem>> -> memref<16xi32, #tpu.memory_space<vmem>>
      %dma_wait3A_274 = arith.constant 0 : i32
      %dma_wait3A_275 = arith.constant 0 : i32
      %dma_wait3A_276 = tpu.memref_slice %arg4[%dma_wait3A_274, %dma_wait3A_275] : memref<32768x80xf32, #tpu.memory_space<hbm>> -> memref<32768x80xf32, #tpu.memory_space<hbm>>
      tpu.wait_indirect_dma semaphore(%arg25 : memref<!tpu.dma_semaphore, #tpu.memory_space<semaphore_mem>>) src(%dma_wait3A_276 : memref<32768x80xf32, #tpu.memory_space<hbm>>) dst(%arg13 : memref<16x80xf32, #tpu.memory_space<vmem>>)
      %mul3A_277 = arith.constant 128 : i32
      %mul3A_278 = arith.muli %add3A, %mul3A_277 : i32
      %add3A_279 = arith.addi %mul3A_278, %add3A_270 : i32
      %mul3A_280 = arith.constant 16 : i32
      %mul3A_281 = arith.muli %add3A_279, %mul3A_280 : i32
      %dma_start3A_282 = arith.constant 0 : i32
      %dma_start3A_283 = tpu.memref_slice %arg5[%mul3A_281, %dma_start3A_282] : memref<65536x80xf32, #tpu.memory_space<hbm>> -> memref<16x80xf32, #tpu.memory_space<hbm>>
      %dma_start3A_284 = arith.constant 0 : i32
      %dma_start3A_285 = tpu.memref_slice %arg5[%mul3A_281, %dma_start3A_284] : memref<65536x80xf32, #tpu.memory_space<hbm>> -> memref<16x80xf32, #tpu.memory_space<hbm>>
      tpu.enqueue_dma source(%arg13 : memref<16x80xf32, #tpu.memory_space<vmem>>) target(%dma_start3A_285 : memref<16x80xf32, #tpu.memory_space<hbm>>) target_semaphore(%arg37 : memref<!tpu.dma_semaphore, #tpu.memory_space<semaphore_mem>>)
      %mul3A_286 = arith.constant 48 : i32
      %mul3A_287 = arith.muli %add3A_270, %mul3A_286 : i32
      %dma_wait3A_288 = tpu.memref_slice %arg11[%mul3A_287] : memref<6144xi32, #tpu.memory_space<vmem>> -> memref<32xi32, #tpu.memory_space<vmem>>
      %dma_wait3A_289 = arith.constant 0 : i32
      %dma_wait3A_290 = arith.constant 0 : i32
      %dma_wait3A_291 = tpu.memref_slice %arg4[%dma_wait3A_289, %dma_wait3A_290] : memref<32768x80xf32, #tpu.memory_space<hbm>> -> memref<32768x80xf32, #tpu.memory_space<hbm>>
      tpu.wait_indirect_dma semaphore(%arg26 : memref<!tpu.dma_semaphore, #tpu.memory_space<semaphore_mem>>) src(%dma_wait3A_291 : memref<32768x80xf32, #tpu.memory_space<hbm>>) dst(%arg14 : memref<32x80xf32, #tpu.memory_space<vmem>>)
      %mul3A_292 = arith.constant 128 : i32
      %mul3A_293 = arith.muli %add3A, %mul3A_292 : i32
      %add3A_294 = arith.addi %mul3A_293, %add3A_270 : i32
      %mul3A_295 = arith.constant 32 : i32
      %mul3A_296 = arith.muli %add3A_294, %mul3A_295 : i32
      %dma_start3A_297 = arith.constant 0 : i32
      %dma_start3A_298 = tpu.memref_slice %arg6[%mul3A_296, %dma_start3A_297] : memref<131072x80xf32, #tpu.memory_space<hbm>> -> memref<32x80xf32, #tpu.memory_space<hbm>>
      %dma_start3A_299 = arith.constant 0 : i32
      %dma_start3A_300 = tpu.memref_slice %arg6[%mul3A_296, %dma_start3A_299] : memref<131072x80xf32, #tpu.memory_space<hbm>> -> memref<32x80xf32, #tpu.memory_space<hbm>>
      tpu.enqueue_dma source(%arg14 : memref<32x80xf32, #tpu.memory_space<vmem>>) target(%dma_start3A_300 : memref<32x80xf32, #tpu.memory_space<hbm>>) target_semaphore(%arg38 : memref<!tpu.dma_semaphore, #tpu.memory_space<semaphore_mem>>)
      %mul3A_301 = arith.constant 80 : i32
      %mul3A_302 = arith.muli %add3A_270, %mul3A_301 : i32
      %dma_wait3A_303 = tpu.memref_slice %arg12[%mul3A_302] : memref<10240xi32, #tpu.memory_space<vmem>> -> memref<64xi32, #tpu.memory_space<vmem>>
      %dma_wait3A_304 = arith.constant 0 : i32
      %dma_wait3A_305 = arith.constant 0 : i32
      %dma_wait3A_306 = tpu.memref_slice %arg4[%dma_wait3A_304, %dma_wait3A_305] : memref<32768x80xf32, #tpu.memory_space<hbm>> -> memref<32768x80xf32, #tpu.memory_space<hbm>>
      tpu.wait_indirect_dma semaphore(%arg27 : memref<!tpu.dma_semaphore, #tpu.memory_space<semaphore_mem>>) src(%dma_wait3A_306 : memref<32768x80xf32, #tpu.memory_space<hbm>>) dst(%arg15 : memref<64x80xf32, #tpu.memory_space<vmem>>)
      %mul3A_307 = arith.constant 128 : i32
      %mul3A_308 = arith.muli %add3A, %mul3A_307 : i32
      %add3A_309 = arith.addi %mul3A_308, %add3A_270 : i32
      %mul3A_310 = arith.constant 64 : i32
      %mul3A_311 = arith.muli %add3A_309, %mul3A_310 : i32
      %dma_start3A_312 = arith.constant 0 : i32
      %dma_start3A_313 = tpu.memref_slice %arg7[%mul3A_311, %dma_start3A_312] : memref<262144x80xf32, #tpu.memory_space<hbm>> -> memref<64x80xf32, #tpu.memory_space<hbm>>
      %dma_start3A_314 = arith.constant 0 : i32
      %dma_start3A_315 = tpu.memref_slice %arg7[%mul3A_311, %dma_start3A_314] : memref<262144x80xf32, #tpu.memory_space<hbm>> -> memref<64x80xf32, #tpu.memory_space<hbm>>
      tpu.enqueue_dma source(%arg15 : memref<64x80xf32, #tpu.memory_space<vmem>>) target(%dma_start3A_315 : memref<64x80xf32, #tpu.memory_space<hbm>>) target_semaphore(%arg39 : memref<!tpu.dma_semaphore, #tpu.memory_space<semaphore_mem>>)
      %add3A_316 = arith.constant 1 : i32
      %add3A_317 = arith.addi %mul3A_268, %add3A_316 : i32
      %mul3A_318 = arith.constant 32 : i32
      %mul3A_319 = arith.muli %add3A_317, %mul3A_318 : i32
      %dma_wait3A_320 = tpu.memref_slice %arg10[%mul3A_319] : memref<4096xi32, #tpu.memory_space<vmem>> -> memref<16xi32, #tpu.memory_space<vmem>>
      %dma_wait3A_321 = arith.constant 0 : i32
      %dma_wait3A_322 = arith.constant 0 : i32
      %dma_wait3A_323 = tpu.memref_slice %arg4[%dma_wait3A_321, %dma_wait3A_322] : memref<32768x80xf32, #tpu.memory_space<hbm>> -> memref<32768x80xf32, #tpu.memory_space<hbm>>
      tpu.wait_indirect_dma semaphore(%arg28 : memref<!tpu.dma_semaphore, #tpu.memory_space<semaphore_mem>>) src(%dma_wait3A_323 : memref<32768x80xf32, #tpu.memory_space<hbm>>) dst(%arg16 : memref<16x80xf32, #tpu.memory_space<vmem>>)
      %mul3A_324 = arith.constant 128 : i32
      %mul3A_325 = arith.muli %add3A, %mul3A_324 : i32
      %add3A_326 = arith.addi %mul3A_325, %add3A_317 : i32
      %mul3A_327 = arith.constant 16 : i32
      %mul3A_328 = arith.muli %add3A_326, %mul3A_327 : i32
      %dma_start3A_329 = arith.constant 0 : i32
      %dma_start3A_330 = tpu.memref_slice %arg5[%mul3A_328, %dma_start3A_329] : memref<65536x80xf32, #tpu.memory_space<hbm>> -> memref<16x80xf32, #tpu.memory_space<hbm>>
      %dma_start3A_331 = arith.constant 0 : i32
      %dma_start3A_332 = tpu.memref_slice %arg5[%mul3A_328, %dma_start3A_331] : memref<65536x80xf32, #tpu.memory_space<hbm>> -> memref<16x80xf32, #tpu.memory_space<hbm>>
      tpu.enqueue_dma source(%arg16 : memref<16x80xf32, #tpu.memory_space<vmem>>) target(%dma_start3A_332 : memref<16x80xf32, #tpu.memory_space<hbm>>) target_semaphore(%arg40 : memref<!tpu.dma_semaphore, #tpu.memory_space<semaphore_mem>>)
      %mul3A_333 = arith.constant 48 : i32
      %mul3A_334 = arith.muli %add3A_317, %mul3A_333 : i32
      %dma_wait3A_335 = tpu.memref_slice %arg11[%mul3A_334] : memref<6144xi32, #tpu.memory_space<vmem>> -> memref<32xi32, #tpu.memory_space<vmem>>
      %dma_wait3A_336 = arith.constant 0 : i32
      %dma_wait3A_337 = arith.constant 0 : i32
      %dma_wait3A_338 = tpu.memref_slice %arg4[%dma_wait3A_336, %dma_wait3A_337] : memref<32768x80xf32, #tpu.memory_space<hbm>> -> memref<32768x80xf32, #tpu.memory_space<hbm>>
      tpu.wait_indirect_dma semaphore(%arg29 : memref<!tpu.dma_semaphore, #tpu.memory_space<semaphore_mem>>) src(%dma_wait3A_338 : memref<32768x80xf32, #tpu.memory_space<hbm>>) dst(%arg17 : memref<32x80xf32, #tpu.memory_space<vmem>>)
      %mul3A_339 = arith.constant 128 : i32
      %mul3A_340 = arith.muli %add3A, %mul3A_339 : i32
      %add3A_341 = arith.addi %mul3A_340, %add3A_317 : i32
      %mul3A_342 = arith.constant 32 : i32
      %mul3A_343 = arith.muli %add3A_341, %mul3A_342 : i32
      %dma_start3A_344 = arith.constant 0 : i32
      %dma_start3A_345 = tpu.memref_slice %arg6[%mul3A_343, %dma_start3A_344] : memref<131072x80xf32, #tpu.memory_space<hbm>> -> memref<32x80xf32, #tpu.memory_space<hbm>>
      %dma_start3A_346 = arith.constant 0 : i32
      %dma_start3A_347 = tpu.memref_slice %arg6[%mul3A_343, %dma_start3A_346] : memref<131072x80xf32, #tpu.memory_space<hbm>> -> memref<32x80xf32, #tpu.memory_space<hbm>>
      tpu.enqueue_dma source(%arg17 : memref<32x80xf32, #tpu.memory_space<vmem>>) target(%dma_start3A_347 : memref<32x80xf32, #tpu.memory_space<hbm>>) target_semaphore(%arg41 : memref<!tpu.dma_semaphore, #tpu.memory_space<semaphore_mem>>)
      %mul3A_348 = arith.constant 80 : i32
      %mul3A_349 = arith.muli %add3A_317, %mul3A_348 : i32
      %dma_wait3A_350 = tpu.memref_slice %arg12[%mul3A_349] : memref<10240xi32, #tpu.memory_space<vmem>> -> memref<64xi32, #tpu.memory_space<vmem>>
      %dma_wait3A_351 = arith.constant 0 : i32
      %dma_wait3A_352 = arith.constant 0 : i32
      %dma_wait3A_353 = tpu.memref_slice %arg4[%dma_wait3A_351, %dma_wait3A_352] : memref<32768x80xf32, #tpu.memory_space<hbm>> -> memref<32768x80xf32, #tpu.memory_space<hbm>>
      tpu.wait_indirect_dma semaphore(%arg30 : memref<!tpu.dma_semaphore, #tpu.memory_space<semaphore_mem>>) src(%dma_wait3A_353 : memref<32768x80xf32, #tpu.memory_space<hbm>>) dst(%arg18 : memref<64x80xf32, #tpu.memory_space<vmem>>)
      %mul3A_354 = arith.constant 128 : i32
      %mul3A_355 = arith.muli %add3A, %mul3A_354 : i32
      %add3A_356 = arith.addi %mul3A_355, %add3A_317 : i32
      %mul3A_357 = arith.constant 64 : i32
      %mul3A_358 = arith.muli %add3A_356, %mul3A_357 : i32
      %dma_start3A_359 = arith.constant 0 : i32
      %dma_start3A_360 = tpu.memref_slice %arg7[%mul3A_358, %dma_start3A_359] : memref<262144x80xf32, #tpu.memory_space<hbm>> -> memref<64x80xf32, #tpu.memory_space<hbm>>
      %dma_start3A_361 = arith.constant 0 : i32
      %dma_start3A_362 = tpu.memref_slice %arg7[%mul3A_358, %dma_start3A_361] : memref<262144x80xf32, #tpu.memory_space<hbm>> -> memref<64x80xf32, #tpu.memory_space<hbm>>
      tpu.enqueue_dma source(%arg18 : memref<64x80xf32, #tpu.memory_space<vmem>>) target(%dma_start3A_362 : memref<64x80xf32, #tpu.memory_space<hbm>>) target_semaphore(%arg42 : memref<!tpu.dma_semaphore, #tpu.memory_space<semaphore_mem>>)
      %add3A_363 = arith.constant 2 : i32
      %add3A_364 = arith.addi %mul3A_268, %add3A_363 : i32
      %mul3A_365 = arith.constant 32 : i32
      %mul3A_366 = arith.muli %add3A_364, %mul3A_365 : i32
      %dma_wait3A_367 = tpu.memref_slice %arg10[%mul3A_366] : memref<4096xi32, #tpu.memory_space<vmem>> -> memref<16xi32, #tpu.memory_space<vmem>>
      %dma_wait3A_368 = arith.constant 0 : i32
      %dma_wait3A_369 = arith.constant 0 : i32
      %dma_wait3A_370 = tpu.memref_slice %arg4[%dma_wait3A_368, %dma_wait3A_369] : memref<32768x80xf32, #tpu.memory_space<hbm>> -> memref<32768x80xf32, #tpu.memory_space<hbm>>
      tpu.wait_indirect_dma semaphore(%arg31 : memref<!tpu.dma_semaphore, #tpu.memory_space<semaphore_mem>>) src(%dma_wait3A_370 : memref<32768x80xf32, #tpu.memory_space<hbm>>) dst(%arg19 : memref<16x80xf32, #tpu.memory_space<vmem>>)
      %mul3A_371 = arith.constant 128 : i32
      %mul3A_372 = arith.muli %add3A, %mul3A_371 : i32
      %add3A_373 = arith.addi %mul3A_372, %add3A_364 : i32
      %mul3A_374 = arith.constant 16 : i32
      %mul3A_375 = arith.muli %add3A_373, %mul3A_374 : i32
      %dma_start3A_376 = arith.constant 0 : i32
      %dma_start3A_377 = tpu.memref_slice %arg5[%mul3A_375, %dma_start3A_376] : memref<65536x80xf32, #tpu.memory_space<hbm>> -> memref<16x80xf32, #tpu.memory_space<hbm>>
      %dma_start3A_378 = arith.constant 0 : i32
      %dma_start3A_379 = tpu.memref_slice %arg5[%mul3A_375, %dma_start3A_378] : memref<65536x80xf32, #tpu.memory_space<hbm>> -> memref<16x80xf32, #tpu.memory_space<hbm>>
      tpu.enqueue_dma source(%arg19 : memref<16x80xf32, #tpu.memory_space<vmem>>) target(%dma_start3A_379 : memref<16x80xf32, #tpu.memory_space<hbm>>) target_semaphore(%arg43 : memref<!tpu.dma_semaphore, #tpu.memory_space<semaphore_mem>>)
      %mul3A_380 = arith.constant 48 : i32
      %mul3A_381 = arith.muli %add3A_364, %mul3A_380 : i32
      %dma_wait3A_382 = tpu.memref_slice %arg11[%mul3A_381] : memref<6144xi32, #tpu.memory_space<vmem>> -> memref<32xi32, #tpu.memory_space<vmem>>
      %dma_wait3A_383 = arith.constant 0 : i32
      %dma_wait3A_384 = arith.constant 0 : i32
      %dma_wait3A_385 = tpu.memref_slice %arg4[%dma_wait3A_383, %dma_wait3A_384] : memref<32768x80xf32, #tpu.memory_space<hbm>> -> memref<32768x80xf32, #tpu.memory_space<hbm>>
      tpu.wait_indirect_dma semaphore(%arg32 : memref<!tpu.dma_semaphore, #tpu.memory_space<semaphore_mem>>) src(%dma_wait3A_385 : memref<32768x80xf32, #tpu.memory_space<hbm>>) dst(%arg20 : memref<32x80xf32, #tpu.memory_space<vmem>>)
      %mul3A_386 = arith.constant 128 : i32
      %mul3A_387 = arith.muli %add3A, %mul3A_386 : i32
      %add3A_388 = arith.addi %mul3A_387, %add3A_364 : i32
      %mul3A_389 = arith.constant 32 : i32
      %mul3A_390 = arith.muli %add3A_388, %mul3A_389 : i32
      %dma_start3A_391 = arith.constant 0 : i32
      %dma_start3A_392 = tpu.memref_slice %arg6[%mul3A_390, %dma_start3A_391] : memref<131072x80xf32, #tpu.memory_space<hbm>> -> memref<32x80xf32, #tpu.memory_space<hbm>>
      %dma_start3A_393 = arith.constant 0 : i32
      %dma_start3A_394 = tpu.memref_slice %arg6[%mul3A_390, %dma_start3A_393] : memref<131072x80xf32, #tpu.memory_space<hbm>> -> memref<32x80xf32, #tpu.memory_space<hbm>>
      tpu.enqueue_dma source(%arg20 : memref<32x80xf32, #tpu.memory_space<vmem>>) target(%dma_start3A_394 : memref<32x80xf32, #tpu.memory_space<hbm>>) target_semaphore(%arg44 : memref<!tpu.dma_semaphore, #tpu.memory_space<semaphore_mem>>)
      %mul3A_395 = arith.constant 80 : i32
      %mul3A_396 = arith.muli %add3A_364, %mul3A_395 : i32
      %dma_wait3A_397 = tpu.memref_slice %arg12[%mul3A_396] : memref<10240xi32, #tpu.memory_space<vmem>> -> memref<64xi32, #tpu.memory_space<vmem>>
      %dma_wait3A_398 = arith.constant 0 : i32
      %dma_wait3A_399 = arith.constant 0 : i32
      %dma_wait3A_400 = tpu.memref_slice %arg4[%dma_wait3A_398, %dma_wait3A_399] : memref<32768x80xf32, #tpu.memory_space<hbm>> -> memref<32768x80xf32, #tpu.memory_space<hbm>>
      tpu.wait_indirect_dma semaphore(%arg33 : memref<!tpu.dma_semaphore, #tpu.memory_space<semaphore_mem>>) src(%dma_wait3A_400 : memref<32768x80xf32, #tpu.memory_space<hbm>>) dst(%arg21 : memref<64x80xf32, #tpu.memory_space<vmem>>)
      %mul3A_401 = arith.constant 128 : i32
      %mul3A_402 = arith.muli %add3A, %mul3A_401 : i32
      %add3A_403 = arith.addi %mul3A_402, %add3A_364 : i32
      %mul3A_404 = arith.constant 64 : i32
      %mul3A_405 = arith.muli %add3A_403, %mul3A_404 : i32
      %dma_start3A_406 = arith.constant 0 : i32
      %dma_start3A_407 = tpu.memref_slice %arg7[%mul3A_405, %dma_start3A_406] : memref<262144x80xf32, #tpu.memory_space<hbm>> -> memref<64x80xf32, #tpu.memory_space<hbm>>
      %dma_start3A_408 = arith.constant 0 : i32
      %dma_start3A_409 = tpu.memref_slice %arg7[%mul3A_405, %dma_start3A_408] : memref<262144x80xf32, #tpu.memory_space<hbm>> -> memref<64x80xf32, #tpu.memory_space<hbm>>
      tpu.enqueue_dma source(%arg21 : memref<64x80xf32, #tpu.memory_space<vmem>>) target(%dma_start3A_409 : memref<64x80xf32, #tpu.memory_space<hbm>>) target_semaphore(%arg45 : memref<!tpu.dma_semaphore, #tpu.memory_space<semaphore_mem>>)
      %add3A_410 = arith.constant 3 : i32
      %add3A_411 = arith.addi %mul3A_268, %add3A_410 : i32
      %mul3A_412 = arith.constant 32 : i32
      %mul3A_413 = arith.muli %add3A_411, %mul3A_412 : i32
      %dma_wait3A_414 = tpu.memref_slice %arg10[%mul3A_413] : memref<4096xi32, #tpu.memory_space<vmem>> -> memref<16xi32, #tpu.memory_space<vmem>>
      %dma_wait3A_415 = arith.constant 0 : i32
      %dma_wait3A_416 = arith.constant 0 : i32
      %dma_wait3A_417 = tpu.memref_slice %arg4[%dma_wait3A_415, %dma_wait3A_416] : memref<32768x80xf32, #tpu.memory_space<hbm>> -> memref<32768x80xf32, #tpu.memory_space<hbm>>
      tpu.wait_indirect_dma semaphore(%arg34 : memref<!tpu.dma_semaphore, #tpu.memory_space<semaphore_mem>>) src(%dma_wait3A_417 : memref<32768x80xf32, #tpu.memory_space<hbm>>) dst(%arg22 : memref<16x80xf32, #tpu.memory_space<vmem>>)
      %mul3A_418 = arith.constant 128 : i32
      %mul3A_419 = arith.muli %add3A, %mul3A_418 : i32
      %add3A_420 = arith.addi %mul3A_419, %add3A_411 : i32
      %mul3A_421 = arith.constant 16 : i32
      %mul3A_422 = arith.muli %add3A_420, %mul3A_421 : i32
      %dma_start3A_423 = arith.constant 0 : i32
      %dma_start3A_424 = tpu.memref_slice %arg5[%mul3A_422, %dma_start3A_423] : memref<65536x80xf32, #tpu.memory_space<hbm>> -> memref<16x80xf32, #tpu.memory_space<hbm>>
      %dma_start3A_425 = arith.constant 0 : i32
      %dma_start3A_426 = tpu.memref_slice %arg5[%mul3A_422, %dma_start3A_425] : memref<65536x80xf32, #tpu.memory_space<hbm>> -> memref<16x80xf32, #tpu.memory_space<hbm>>
      tpu.enqueue_dma source(%arg22 : memref<16x80xf32, #tpu.memory_space<vmem>>) target(%dma_start3A_426 : memref<16x80xf32, #tpu.memory_space<hbm>>) target_semaphore(%arg46 : memref<!tpu.dma_semaphore, #tpu.memory_space<semaphore_mem>>)
      %mul3A_427 = arith.constant 48 : i32
      %mul3A_428 = arith.muli %add3A_411, %mul3A_427 : i32
      %dma_wait3A_429 = tpu.memref_slice %arg11[%mul3A_428] : memref<6144xi32, #tpu.memory_space<vmem>> -> memref<32xi32, #tpu.memory_space<vmem>>
      %dma_wait3A_430 = arith.constant 0 : i32
      %dma_wait3A_431 = arith.constant 0 : i32
      %dma_wait3A_432 = tpu.memref_slice %arg4[%dma_wait3A_430, %dma_wait3A_431] : memref<32768x80xf32, #tpu.memory_space<hbm>> -> memref<32768x80xf32, #tpu.memory_space<hbm>>
      tpu.wait_indirect_dma semaphore(%arg35 : memref<!tpu.dma_semaphore, #tpu.memory_space<semaphore_mem>>) src(%dma_wait3A_432 : memref<32768x80xf32, #tpu.memory_space<hbm>>) dst(%arg23 : memref<32x80xf32, #tpu.memory_space<vmem>>)
      %mul3A_433 = arith.constant 128 : i32
      %mul3A_434 = arith.muli %add3A, %mul3A_433 : i32
      %add3A_435 = arith.addi %mul3A_434, %add3A_411 : i32
      %mul3A_436 = arith.constant 32 : i32
      %mul3A_437 = arith.muli %add3A_435, %mul3A_436 : i32
      %dma_start3A_438 = arith.constant 0 : i32
      %dma_start3A_439 = tpu.memref_slice %arg6[%mul3A_437, %dma_start3A_438] : memref<131072x80xf32, #tpu.memory_space<hbm>> -> memref<32x80xf32, #tpu.memory_space<hbm>>
      %dma_start3A_440 = arith.constant 0 : i32
      %dma_start3A_441 = tpu.memref_slice %arg6[%mul3A_437, %dma_start3A_440] : memref<131072x80xf32, #tpu.memory_space<hbm>> -> memref<32x80xf32, #tpu.memory_space<hbm>>
      tpu.enqueue_dma source(%arg23 : memref<32x80xf32, #tpu.memory_space<vmem>>) target(%dma_start3A_441 : memref<32x80xf32, #tpu.memory_space<hbm>>) target_semaphore(%arg47 : memref<!tpu.dma_semaphore, #tpu.memory_space<semaphore_mem>>)
      %mul3A_442 = arith.constant 80 : i32
      %mul3A_443 = arith.muli %add3A_411, %mul3A_442 : i32
      %dma_wait3A_444 = tpu.memref_slice %arg12[%mul3A_443] : memref<10240xi32, #tpu.memory_space<vmem>> -> memref<64xi32, #tpu.memory_space<vmem>>
      %dma_wait3A_445 = arith.constant 0 : i32
      %dma_wait3A_446 = arith.constant 0 : i32
      %dma_wait3A_447 = tpu.memref_slice %arg4[%dma_wait3A_445, %dma_wait3A_446] : memref<32768x80xf32, #tpu.memory_space<hbm>> -> memref<32768x80xf32, #tpu.memory_space<hbm>>
      tpu.wait_indirect_dma semaphore(%arg36 : memref<!tpu.dma_semaphore, #tpu.memory_space<semaphore_mem>>) src(%dma_wait3A_447 : memref<32768x80xf32, #tpu.memory_space<hbm>>) dst(%arg24 : memref<64x80xf32, #tpu.memory_space<vmem>>)
      %mul3A_448 = arith.constant 128 : i32
      %mul3A_449 = arith.muli %add3A, %mul3A_448 : i32
      %add3A_450 = arith.addi %mul3A_449, %add3A_411 : i32
      %mul3A_451 = arith.constant 64 : i32
      %mul3A_452 = arith.muli %add3A_450, %mul3A_451 : i32
      %dma_start3A_453 = arith.constant 0 : i32
      %dma_start3A_454 = tpu.memref_slice %arg7[%mul3A_452, %dma_start3A_453] : memref<262144x80xf32, #tpu.memory_space<hbm>> -> memref<64x80xf32, #tpu.memory_space<hbm>>
      %dma_start3A_455 = arith.constant 0 : i32
      %dma_start3A_456 = tpu.memref_slice %arg7[%mul3A_452, %dma_start3A_455] : memref<262144x80xf32, #tpu.memory_space<hbm>> -> memref<64x80xf32, #tpu.memory_space<hbm>>
      tpu.enqueue_dma source(%arg24 : memref<64x80xf32, #tpu.memory_space<vmem>>) target(%dma_start3A_456 : memref<64x80xf32, #tpu.memory_space<hbm>>) target_semaphore(%arg48 : memref<!tpu.dma_semaphore, #tpu.memory_space<semaphore_mem>>)
      %add3A_457 = arith.constant 0 : i32
      %add3A_458 = arith.addi %mul3A_268, %add3A_457 : i32
      %add3A_459 = arith.constant 4 : i32
      %add3A_460 = arith.addi %add3A_458, %add3A_459 : i32
      %lt3A_461 = arith.constant 128 : i32
      %lt3A_462 = arith.cmpi slt, %add3A_460, %lt3A_461 : i32
      %convert_element_type3A = arith.extui %lt3A_462 : i1 to i32
      %cond3A = arith.constant 0 : i32
      %cond3A_463 = arith.cmpi ne, %convert_element_type3A, %cond3A : i32
      scf.if %cond3A_463 {
        %sub3A_492 = arith.constant 4 : i32
        %sub3A_493 = arith.subi %add3A_460, %sub3A_492 : i32
        %mul3A_494 = arith.constant 128 : i32
        %mul3A_495 = arith.muli %add3A, %mul3A_494 : i32
        %add3A_496 = arith.addi %mul3A_495, %sub3A_493 : i32
        %mul3A_497 = arith.constant 16 : i32
        %mul3A_498 = arith.muli %add3A_496, %mul3A_497 : i32
        %dma_wait3A_499 = arith.constant 0 : i32
        %dma_wait3A_500 = tpu.memref_slice %arg5[%mul3A_498, %dma_wait3A_499] : memref<65536x80xf32, #tpu.memory_space<hbm>> -> memref<16x80xf32, #tpu.memory_space<hbm>>
        %dma_wait3A_501 = arith.constant 0 : i32
        %dma_wait3A_502 = tpu.memref_slice %arg5[%mul3A_498, %dma_wait3A_501] : memref<65536x80xf32, #tpu.memory_space<hbm>> -> memref<16x80xf32, #tpu.memory_space<hbm>>
        tpu.wait_dma2 semaphore(%arg37 : memref<!tpu.dma_semaphore, #tpu.memory_space<semaphore_mem>>) src(%arg13 : memref<16x80xf32, #tpu.memory_space<vmem>>) dst(%dma_wait3A_502 : memref<16x80xf32, #tpu.memory_space<hbm>>)
        %mul3A_503 = arith.constant 128 : i32
        %mul3A_504 = arith.muli %add3A, %mul3A_503 : i32
        %add3A_505 = arith.addi %mul3A_504, %sub3A_493 : i32
        %mul3A_506 = arith.constant 32 : i32
        %mul3A_507 = arith.muli %add3A_505, %mul3A_506 : i32
        %dma_wait3A_508 = arith.constant 0 : i32
        %dma_wait3A_509 = tpu.memref_slice %arg6[%mul3A_507, %dma_wait3A_508] : memref<131072x80xf32, #tpu.memory_space<hbm>> -> memref<32x80xf32, #tpu.memory_space<hbm>>
        %dma_wait3A_510 = arith.constant 0 : i32
        %dma_wait3A_511 = tpu.memref_slice %arg6[%mul3A_507, %dma_wait3A_510] : memref<131072x80xf32, #tpu.memory_space<hbm>> -> memref<32x80xf32, #tpu.memory_space<hbm>>
        tpu.wait_dma2 semaphore(%arg38 : memref<!tpu.dma_semaphore, #tpu.memory_space<semaphore_mem>>) src(%arg14 : memref<32x80xf32, #tpu.memory_space<vmem>>) dst(%dma_wait3A_511 : memref<32x80xf32, #tpu.memory_space<hbm>>)
        %mul3A_512 = arith.constant 128 : i32
        %mul3A_513 = arith.muli %add3A, %mul3A_512 : i32
        %add3A_514 = arith.addi %mul3A_513, %sub3A_493 : i32
        %mul3A_515 = arith.constant 64 : i32
        %mul3A_516 = arith.muli %add3A_514, %mul3A_515 : i32
        %dma_wait3A_517 = arith.constant 0 : i32
        %dma_wait3A_518 = tpu.memref_slice %arg7[%mul3A_516, %dma_wait3A_517] : memref<262144x80xf32, #tpu.memory_space<hbm>> -> memref<64x80xf32, #tpu.memory_space<hbm>>
        %dma_wait3A_519 = arith.constant 0 : i32
        %dma_wait3A_520 = tpu.memref_slice %arg7[%mul3A_516, %dma_wait3A_519] : memref<262144x80xf32, #tpu.memory_space<hbm>> -> memref<64x80xf32, #tpu.memory_space<hbm>>
        tpu.wait_dma2 semaphore(%arg39 : memref<!tpu.dma_semaphore, #tpu.memory_space<semaphore_mem>>) src(%arg15 : memref<64x80xf32, #tpu.memory_space<vmem>>) dst(%dma_wait3A_520 : memref<64x80xf32, #tpu.memory_space<hbm>>)
        %mul3A_521 = arith.constant 32 : i32
        %mul3A_522 = arith.muli %add3A_460, %mul3A_521 : i32
        %dma_start3A_523 = tpu.memref_slice %arg10[%mul3A_522] : memref<4096xi32, #tpu.memory_space<vmem>> -> memref<16xi32, #tpu.memory_space<vmem>>
        %dma_start3A_524 = arith.constant 0 : i32
        %dma_start3A_525 = arith.constant 0 : i32
        %dma_start3A_526 = tpu.memref_slice %arg4[%dma_start3A_524, %dma_start3A_525] : memref<32768x80xf32, #tpu.memory_space<hbm>> -> memref<32768x80xf32, #tpu.memory_space<hbm>>
        tpu.enqueue_indirect_dma source(%dma_start3A_526 : memref<32768x80xf32, #tpu.memory_space<hbm>>) target(%arg13 : memref<16x80xf32, #tpu.memory_space<vmem>>) offsets(%dma_start3A_523 : memref<16xi32, #tpu.memory_space<vmem>>) semaphore(%arg25 : memref<!tpu.dma_semaphore, #tpu.memory_space<semaphore_mem>>)
        %mul3A_527 = arith.constant 48 : i32
        %mul3A_528 = arith.muli %add3A_460, %mul3A_527 : i32
        %dma_start3A_529 = tpu.memref_slice %arg11[%mul3A_528] : memref<6144xi32, #tpu.memory_space<vmem>> -> memref<32xi32, #tpu.memory_space<vmem>>
        %dma_start3A_530 = arith.constant 0 : i32
        %dma_start3A_531 = arith.constant 0 : i32
        %dma_start3A_532 = tpu.memref_slice %arg4[%dma_start3A_530, %dma_start3A_531] : memref<32768x80xf32, #tpu.memory_space<hbm>> -> memref<32768x80xf32, #tpu.memory_space<hbm>>
        tpu.enqueue_indirect_dma source(%dma_start3A_532 : memref<32768x80xf32, #tpu.memory_space<hbm>>) target(%arg14 : memref<32x80xf32, #tpu.memory_space<vmem>>) offsets(%dma_start3A_529 : memref<32xi32, #tpu.memory_space<vmem>>) semaphore(%arg26 : memref<!tpu.dma_semaphore, #tpu.memory_space<semaphore_mem>>)
        %mul3A_533 = arith.constant 80 : i32
        %mul3A_534 = arith.muli %add3A_460, %mul3A_533 : i32
        %dma_start3A_535 = tpu.memref_slice %arg12[%mul3A_534] : memref<10240xi32, #tpu.memory_space<vmem>> -> memref<64xi32, #tpu.memory_space<vmem>>
        %dma_start3A_536 = arith.constant 0 : i32
        %dma_start3A_537 = arith.constant 0 : i32
        %dma_start3A_538 = tpu.memref_slice %arg4[%dma_start3A_536, %dma_start3A_537] : memref<32768x80xf32, #tpu.memory_space<hbm>> -> memref<32768x80xf32, #tpu.memory_space<hbm>>
        tpu.enqueue_indirect_dma source(%dma_start3A_538 : memref<32768x80xf32, #tpu.memory_space<hbm>>) target(%arg15 : memref<64x80xf32, #tpu.memory_space<vmem>>) offsets(%dma_start3A_535 : memref<64xi32, #tpu.memory_space<vmem>>) semaphore(%arg27 : memref<!tpu.dma_semaphore, #tpu.memory_space<semaphore_mem>>)
      } else {
      }
      %add3A_464 = arith.constant 1 : i32
      %add3A_465 = arith.addi %mul3A_268, %add3A_464 : i32
      %add3A_466 = arith.constant 4 : i32
      %add3A_467 = arith.addi %add3A_465, %add3A_466 : i32
      %lt3A_468 = arith.constant 128 : i32
      %lt3A_469 = arith.cmpi slt, %add3A_467, %lt3A_468 : i32
      %convert_element_type3A_470 = arith.extui %lt3A_469 : i1 to i32
      %cond3A_471 = arith.constant 0 : i32
      %cond3A_472 = arith.cmpi ne, %convert_element_type3A_470, %cond3A_471 : i32
      scf.if %cond3A_472 {
        %sub3A_492 = arith.constant 4 : i32
        %sub3A_493 = arith.subi %add3A_467, %sub3A_492 : i32
        %mul3A_494 = arith.constant 128 : i32
        %mul3A_495 = arith.muli %add3A, %mul3A_494 : i32
        %add3A_496 = arith.addi %mul3A_495, %sub3A_493 : i32
        %mul3A_497 = arith.constant 16 : i32
        %mul3A_498 = arith.muli %add3A_496, %mul3A_497 : i32
        %dma_wait3A_499 = arith.constant 0 : i32
        %dma_wait3A_500 = tpu.memref_slice %arg5[%mul3A_498, %dma_wait3A_499] : memref<65536x80xf32, #tpu.memory_space<hbm>> -> memref<16x80xf32, #tpu.memory_space<hbm>>
        %dma_wait3A_501 = arith.constant 0 : i32
        %dma_wait3A_502 = tpu.memref_slice %arg5[%mul3A_498, %dma_wait3A_501] : memref<65536x80xf32, #tpu.memory_space<hbm>> -> memref<16x80xf32, #tpu.memory_space<hbm>>
        tpu.wait_dma2 semaphore(%arg40 : memref<!tpu.dma_semaphore, #tpu.memory_space<semaphore_mem>>) src(%arg16 : memref<16x80xf32, #tpu.memory_space<vmem>>) dst(%dma_wait3A_502 : memref<16x80xf32, #tpu.memory_space<hbm>>)
        %mul3A_503 = arith.constant 128 : i32
        %mul3A_504 = arith.muli %add3A, %mul3A_503 : i32
        %add3A_505 = arith.addi %mul3A_504, %sub3A_493 : i32
        %mul3A_506 = arith.constant 32 : i32
        %mul3A_507 = arith.muli %add3A_505, %mul3A_506 : i32
        %dma_wait3A_508 = arith.constant 0 : i32
        %dma_wait3A_509 = tpu.memref_slice %arg6[%mul3A_507, %dma_wait3A_508] : memref<131072x80xf32, #tpu.memory_space<hbm>> -> memref<32x80xf32, #tpu.memory_space<hbm>>
        %dma_wait3A_510 = arith.constant 0 : i32
        %dma_wait3A_511 = tpu.memref_slice %arg6[%mul3A_507, %dma_wait3A_510] : memref<131072x80xf32, #tpu.memory_space<hbm>> -> memref<32x80xf32, #tpu.memory_space<hbm>>
        tpu.wait_dma2 semaphore(%arg41 : memref<!tpu.dma_semaphore, #tpu.memory_space<semaphore_mem>>) src(%arg17 : memref<32x80xf32, #tpu.memory_space<vmem>>) dst(%dma_wait3A_511 : memref<32x80xf32, #tpu.memory_space<hbm>>)
        %mul3A_512 = arith.constant 128 : i32
        %mul3A_513 = arith.muli %add3A, %mul3A_512 : i32
        %add3A_514 = arith.addi %mul3A_513, %sub3A_493 : i32
        %mul3A_515 = arith.constant 64 : i32
        %mul3A_516 = arith.muli %add3A_514, %mul3A_515 : i32
        %dma_wait3A_517 = arith.constant 0 : i32
        %dma_wait3A_518 = tpu.memref_slice %arg7[%mul3A_516, %dma_wait3A_517] : memref<262144x80xf32, #tpu.memory_space<hbm>> -> memref<64x80xf32, #tpu.memory_space<hbm>>
        %dma_wait3A_519 = arith.constant 0 : i32
        %dma_wait3A_520 = tpu.memref_slice %arg7[%mul3A_516, %dma_wait3A_519] : memref<262144x80xf32, #tpu.memory_space<hbm>> -> memref<64x80xf32, #tpu.memory_space<hbm>>
        tpu.wait_dma2 semaphore(%arg42 : memref<!tpu.dma_semaphore, #tpu.memory_space<semaphore_mem>>) src(%arg18 : memref<64x80xf32, #tpu.memory_space<vmem>>) dst(%dma_wait3A_520 : memref<64x80xf32, #tpu.memory_space<hbm>>)
        %mul3A_521 = arith.constant 32 : i32
        %mul3A_522 = arith.muli %add3A_467, %mul3A_521 : i32
        %dma_start3A_523 = tpu.memref_slice %arg10[%mul3A_522] : memref<4096xi32, #tpu.memory_space<vmem>> -> memref<16xi32, #tpu.memory_space<vmem>>
        %dma_start3A_524 = arith.constant 0 : i32
        %dma_start3A_525 = arith.constant 0 : i32
        %dma_start3A_526 = tpu.memref_slice %arg4[%dma_start3A_524, %dma_start3A_525] : memref<32768x80xf32, #tpu.memory_space<hbm>> -> memref<32768x80xf32, #tpu.memory_space<hbm>>
        tpu.enqueue_indirect_dma source(%dma_start3A_526 : memref<32768x80xf32, #tpu.memory_space<hbm>>) target(%arg16 : memref<16x80xf32, #tpu.memory_space<vmem>>) offsets(%dma_start3A_523 : memref<16xi32, #tpu.memory_space<vmem>>) semaphore(%arg28 : memref<!tpu.dma_semaphore, #tpu.memory_space<semaphore_mem>>)
        %mul3A_527 = arith.constant 48 : i32
        %mul3A_528 = arith.muli %add3A_467, %mul3A_527 : i32
        %dma_start3A_529 = tpu.memref_slice %arg11[%mul3A_528] : memref<6144xi32, #tpu.memory_space<vmem>> -> memref<32xi32, #tpu.memory_space<vmem>>
        %dma_start3A_530 = arith.constant 0 : i32
        %dma_start3A_531 = arith.constant 0 : i32
        %dma_start3A_532 = tpu.memref_slice %arg4[%dma_start3A_530, %dma_start3A_531] : memref<32768x80xf32, #tpu.memory_space<hbm>> -> memref<32768x80xf32, #tpu.memory_space<hbm>>
        tpu.enqueue_indirect_dma source(%dma_start3A_532 : memref<32768x80xf32, #tpu.memory_space<hbm>>) target(%arg17 : memref<32x80xf32, #tpu.memory_space<vmem>>) offsets(%dma_start3A_529 : memref<32xi32, #tpu.memory_space<vmem>>) semaphore(%arg29 : memref<!tpu.dma_semaphore, #tpu.memory_space<semaphore_mem>>)
        %mul3A_533 = arith.constant 80 : i32
        %mul3A_534 = arith.muli %add3A_467, %mul3A_533 : i32
        %dma_start3A_535 = tpu.memref_slice %arg12[%mul3A_534] : memref<10240xi32, #tpu.memory_space<vmem>> -> memref<64xi32, #tpu.memory_space<vmem>>
        %dma_start3A_536 = arith.constant 0 : i32
        %dma_start3A_537 = arith.constant 0 : i32
        %dma_start3A_538 = tpu.memref_slice %arg4[%dma_start3A_536, %dma_start3A_537] : memref<32768x80xf32, #tpu.memory_space<hbm>> -> memref<32768x80xf32, #tpu.memory_space<hbm>>
        tpu.enqueue_indirect_dma source(%dma_start3A_538 : memref<32768x80xf32, #tpu.memory_space<hbm>>) target(%arg18 : memref<64x80xf32, #tpu.memory_space<vmem>>) offsets(%dma_start3A_535 : memref<64xi32, #tpu.memory_space<vmem>>) semaphore(%arg30 : memref<!tpu.dma_semaphore, #tpu.memory_space<semaphore_mem>>)
      } else {
      }
      %add3A_473 = arith.constant 2 : i32
      %add3A_474 = arith.addi %mul3A_268, %add3A_473 : i32
      %add3A_475 = arith.constant 4 : i32
      %add3A_476 = arith.addi %add3A_474, %add3A_475 : i32
      %lt3A_477 = arith.constant 128 : i32
      %lt3A_478 = arith.cmpi slt, %add3A_476, %lt3A_477 : i32
      %convert_element_type3A_479 = arith.extui %lt3A_478 : i1 to i32
      %cond3A_480 = arith.constant 0 : i32
      %cond3A_481 = arith.cmpi ne, %convert_element_type3A_479, %cond3A_480 : i32
      scf.if %cond3A_481 {
        %sub3A_492 = arith.constant 4 : i32
        %sub3A_493 = arith.subi %add3A_476, %sub3A_492 : i32
        %mul3A_494 = arith.constant 128 : i32
        %mul3A_495 = arith.muli %add3A, %mul3A_494 : i32
        %add3A_496 = arith.addi %mul3A_495, %sub3A_493 : i32
        %mul3A_497 = arith.constant 16 : i32
        %mul3A_498 = arith.muli %add3A_496, %mul3A_497 : i32
        %dma_wait3A_499 = arith.constant 0 : i32
        %dma_wait3A_500 = tpu.memref_slice %arg5[%mul3A_498, %dma_wait3A_499] : memref<65536x80xf32, #tpu.memory_space<hbm>> -> memref<16x80xf32, #tpu.memory_space<hbm>>
        %dma_wait3A_501 = arith.constant 0 : i32
        %dma_wait3A_502 = tpu.memref_slice %arg5[%mul3A_498, %dma_wait3A_501] : memref<65536x80xf32, #tpu.memory_space<hbm>> -> memref<16x80xf32, #tpu.memory_space<hbm>>
        tpu.wait_dma2 semaphore(%arg43 : memref<!tpu.dma_semaphore, #tpu.memory_space<semaphore_mem>>) src(%arg19 : memref<16x80xf32, #tpu.memory_space<vmem>>) dst(%dma_wait3A_502 : memref<16x80xf32, #tpu.memory_space<hbm>>)
        %mul3A_503 = arith.constant 128 : i32
        %mul3A_504 = arith.muli %add3A, %mul3A_503 : i32
        %add3A_505 = arith.addi %mul3A_504, %sub3A_493 : i32
        %mul3A_506 = arith.constant 32 : i32
        %mul3A_507 = arith.muli %add3A_505, %mul3A_506 : i32
        %dma_wait3A_508 = arith.constant 0 : i32
        %dma_wait3A_509 = tpu.memref_slice %arg6[%mul3A_507, %dma_wait3A_508] : memref<131072x80xf32, #tpu.memory_space<hbm>> -> memref<32x80xf32, #tpu.memory_space<hbm>>
        %dma_wait3A_510 = arith.constant 0 : i32
        %dma_wait3A_511 = tpu.memref_slice %arg6[%mul3A_507, %dma_wait3A_510] : memref<131072x80xf32, #tpu.memory_space<hbm>> -> memref<32x80xf32, #tpu.memory_space<hbm>>
        tpu.wait_dma2 semaphore(%arg44 : memref<!tpu.dma_semaphore, #tpu.memory_space<semaphore_mem>>) src(%arg20 : memref<32x80xf32, #tpu.memory_space<vmem>>) dst(%dma_wait3A_511 : memref<32x80xf32, #tpu.memory_space<hbm>>)
        %mul3A_512 = arith.constant 128 : i32
        %mul3A_513 = arith.muli %add3A, %mul3A_512 : i32
        %add3A_514 = arith.addi %mul3A_513, %sub3A_493 : i32
        %mul3A_515 = arith.constant 64 : i32
        %mul3A_516 = arith.muli %add3A_514, %mul3A_515 : i32
        %dma_wait3A_517 = arith.constant 0 : i32
        %dma_wait3A_518 = tpu.memref_slice %arg7[%mul3A_516, %dma_wait3A_517] : memref<262144x80xf32, #tpu.memory_space<hbm>> -> memref<64x80xf32, #tpu.memory_space<hbm>>
        %dma_wait3A_519 = arith.constant 0 : i32
        %dma_wait3A_520 = tpu.memref_slice %arg7[%mul3A_516, %dma_wait3A_519] : memref<262144x80xf32, #tpu.memory_space<hbm>> -> memref<64x80xf32, #tpu.memory_space<hbm>>
        tpu.wait_dma2 semaphore(%arg45 : memref<!tpu.dma_semaphore, #tpu.memory_space<semaphore_mem>>) src(%arg21 : memref<64x80xf32, #tpu.memory_space<vmem>>) dst(%dma_wait3A_520 : memref<64x80xf32, #tpu.memory_space<hbm>>)
        %mul3A_521 = arith.constant 32 : i32
        %mul3A_522 = arith.muli %add3A_476, %mul3A_521 : i32
        %dma_start3A_523 = tpu.memref_slice %arg10[%mul3A_522] : memref<4096xi32, #tpu.memory_space<vmem>> -> memref<16xi32, #tpu.memory_space<vmem>>
        %dma_start3A_524 = arith.constant 0 : i32
        %dma_start3A_525 = arith.constant 0 : i32
        %dma_start3A_526 = tpu.memref_slice %arg4[%dma_start3A_524, %dma_start3A_525] : memref<32768x80xf32, #tpu.memory_space<hbm>> -> memref<32768x80xf32, #tpu.memory_space<hbm>>
        tpu.enqueue_indirect_dma source(%dma_start3A_526 : memref<32768x80xf32, #tpu.memory_space<hbm>>) target(%arg19 : memref<16x80xf32, #tpu.memory_space<vmem>>) offsets(%dma_start3A_523 : memref<16xi32, #tpu.memory_space<vmem>>) semaphore(%arg31 : memref<!tpu.dma_semaphore, #tpu.memory_space<semaphore_mem>>)
        %mul3A_527 = arith.constant 48 : i32
        %mul3A_528 = arith.muli %add3A_476, %mul3A_527 : i32
        %dma_start3A_529 = tpu.memref_slice %arg11[%mul3A_528] : memref<6144xi32, #tpu.memory_space<vmem>> -> memref<32xi32, #tpu.memory_space<vmem>>
        %dma_start3A_530 = arith.constant 0 : i32
        %dma_start3A_531 = arith.constant 0 : i32
        %dma_start3A_532 = tpu.memref_slice %arg4[%dma_start3A_530, %dma_start3A_531] : memref<32768x80xf32, #tpu.memory_space<hbm>> -> memref<32768x80xf32, #tpu.memory_space<hbm>>
        tpu.enqueue_indirect_dma source(%dma_start3A_532 : memref<32768x80xf32, #tpu.memory_space<hbm>>) target(%arg20 : memref<32x80xf32, #tpu.memory_space<vmem>>) offsets(%dma_start3A_529 : memref<32xi32, #tpu.memory_space<vmem>>) semaphore(%arg32 : memref<!tpu.dma_semaphore, #tpu.memory_space<semaphore_mem>>)
        %mul3A_533 = arith.constant 80 : i32
        %mul3A_534 = arith.muli %add3A_476, %mul3A_533 : i32
        %dma_start3A_535 = tpu.memref_slice %arg12[%mul3A_534] : memref<10240xi32, #tpu.memory_space<vmem>> -> memref<64xi32, #tpu.memory_space<vmem>>
        %dma_start3A_536 = arith.constant 0 : i32
        %dma_start3A_537 = arith.constant 0 : i32
        %dma_start3A_538 = tpu.memref_slice %arg4[%dma_start3A_536, %dma_start3A_537] : memref<32768x80xf32, #tpu.memory_space<hbm>> -> memref<32768x80xf32, #tpu.memory_space<hbm>>
        tpu.enqueue_indirect_dma source(%dma_start3A_538 : memref<32768x80xf32, #tpu.memory_space<hbm>>) target(%arg21 : memref<64x80xf32, #tpu.memory_space<vmem>>) offsets(%dma_start3A_535 : memref<64xi32, #tpu.memory_space<vmem>>) semaphore(%arg33 : memref<!tpu.dma_semaphore, #tpu.memory_space<semaphore_mem>>)
      } else {
      }
      %add3A_482 = arith.constant 3 : i32
      %add3A_483 = arith.addi %mul3A_268, %add3A_482 : i32
      %add3A_484 = arith.constant 4 : i32
      %add3A_485 = arith.addi %add3A_483, %add3A_484 : i32
      %lt3A_486 = arith.constant 128 : i32
      %lt3A_487 = arith.cmpi slt, %add3A_485, %lt3A_486 : i32
      %convert_element_type3A_488 = arith.extui %lt3A_487 : i1 to i32
      %cond3A_489 = arith.constant 0 : i32
      %cond3A_490 = arith.cmpi ne, %convert_element_type3A_488, %cond3A_489 : i32
      scf.if %cond3A_490 {
        %sub3A_492 = arith.constant 4 : i32
        %sub3A_493 = arith.subi %add3A_485, %sub3A_492 : i32
        %mul3A_494 = arith.constant 128 : i32
        %mul3A_495 = arith.muli %add3A, %mul3A_494 : i32
        %add3A_496 = arith.addi %mul3A_495, %sub3A_493 : i32
        %mul3A_497 = arith.constant 16 : i32
        %mul3A_498 = arith.muli %add3A_496, %mul3A_497 : i32
        %dma_wait3A_499 = arith.constant 0 : i32
        %dma_wait3A_500 = tpu.memref_slice %arg5[%mul3A_498, %dma_wait3A_499] : memref<65536x80xf32, #tpu.memory_space<hbm>> -> memref<16x80xf32, #tpu.memory_space<hbm>>
        %dma_wait3A_501 = arith.constant 0 : i32
        %dma_wait3A_502 = tpu.memref_slice %arg5[%mul3A_498, %dma_wait3A_501] : memref<65536x80xf32, #tpu.memory_space<hbm>> -> memref<16x80xf32, #tpu.memory_space<hbm>>
        tpu.wait_dma2 semaphore(%arg46 : memref<!tpu.dma_semaphore, #tpu.memory_space<semaphore_mem>>) src(%arg22 : memref<16x80xf32, #tpu.memory_space<vmem>>) dst(%dma_wait3A_502 : memref<16x80xf32, #tpu.memory_space<hbm>>)
        %mul3A_503 = arith.constant 128 : i32
        %mul3A_504 = arith.muli %add3A, %mul3A_503 : i32
        %add3A_505 = arith.addi %mul3A_504, %sub3A_493 : i32
        %mul3A_506 = arith.constant 32 : i32
        %mul3A_507 = arith.muli %add3A_505, %mul3A_506 : i32
        %dma_wait3A_508 = arith.constant 0 : i32
        %dma_wait3A_509 = tpu.memref_slice %arg6[%mul3A_507, %dma_wait3A_508] : memref<131072x80xf32, #tpu.memory_space<hbm>> -> memref<32x80xf32, #tpu.memory_space<hbm>>
        %dma_wait3A_510 = arith.constant 0 : i32
        %dma_wait3A_511 = tpu.memref_slice %arg6[%mul3A_507, %dma_wait3A_510] : memref<131072x80xf32, #tpu.memory_space<hbm>> -> memref<32x80xf32, #tpu.memory_space<hbm>>
        tpu.wait_dma2 semaphore(%arg47 : memref<!tpu.dma_semaphore, #tpu.memory_space<semaphore_mem>>) src(%arg23 : memref<32x80xf32, #tpu.memory_space<vmem>>) dst(%dma_wait3A_511 : memref<32x80xf32, #tpu.memory_space<hbm>>)
        %mul3A_512 = arith.constant 128 : i32
        %mul3A_513 = arith.muli %add3A, %mul3A_512 : i32
        %add3A_514 = arith.addi %mul3A_513, %sub3A_493 : i32
        %mul3A_515 = arith.constant 64 : i32
        %mul3A_516 = arith.muli %add3A_514, %mul3A_515 : i32
        %dma_wait3A_517 = arith.constant 0 : i32
        %dma_wait3A_518 = tpu.memref_slice %arg7[%mul3A_516, %dma_wait3A_517] : memref<262144x80xf32, #tpu.memory_space<hbm>> -> memref<64x80xf32, #tpu.memory_space<hbm>>
        %dma_wait3A_519 = arith.constant 0 : i32
        %dma_wait3A_520 = tpu.memref_slice %arg7[%mul3A_516, %dma_wait3A_519] : memref<262144x80xf32, #tpu.memory_space<hbm>> -> memref<64x80xf32, #tpu.memory_space<hbm>>
        tpu.wait_dma2 semaphore(%arg48 : memref<!tpu.dma_semaphore, #tpu.memory_space<semaphore_mem>>) src(%arg24 : memref<64x80xf32, #tpu.memory_space<vmem>>) dst(%dma_wait3A_520 : memref<64x80xf32, #tpu.memory_space<hbm>>)
        %mul3A_521 = arith.constant 32 : i32
        %mul3A_522 = arith.muli %add3A_485, %mul3A_521 : i32
        %dma_start3A_523 = tpu.memref_slice %arg10[%mul3A_522] : memref<4096xi32, #tpu.memory_space<vmem>> -> memref<16xi32, #tpu.memory_space<vmem>>
        %dma_start3A_524 = arith.constant 0 : i32
        %dma_start3A_525 = arith.constant 0 : i32
        %dma_start3A_526 = tpu.memref_slice %arg4[%dma_start3A_524, %dma_start3A_525] : memref<32768x80xf32, #tpu.memory_space<hbm>> -> memref<32768x80xf32, #tpu.memory_space<hbm>>
        tpu.enqueue_indirect_dma source(%dma_start3A_526 : memref<32768x80xf32, #tpu.memory_space<hbm>>) target(%arg22 : memref<16x80xf32, #tpu.memory_space<vmem>>) offsets(%dma_start3A_523 : memref<16xi32, #tpu.memory_space<vmem>>) semaphore(%arg34 : memref<!tpu.dma_semaphore, #tpu.memory_space<semaphore_mem>>)
        %mul3A_527 = arith.constant 48 : i32
        %mul3A_528 = arith.muli %add3A_485, %mul3A_527 : i32
        %dma_start3A_529 = tpu.memref_slice %arg11[%mul3A_528] : memref<6144xi32, #tpu.memory_space<vmem>> -> memref<32xi32, #tpu.memory_space<vmem>>
        %dma_start3A_530 = arith.constant 0 : i32
        %dma_start3A_531 = arith.constant 0 : i32
        %dma_start3A_532 = tpu.memref_slice %arg4[%dma_start3A_530, %dma_start3A_531] : memref<32768x80xf32, #tpu.memory_space<hbm>> -> memref<32768x80xf32, #tpu.memory_space<hbm>>
        tpu.enqueue_indirect_dma source(%dma_start3A_532 : memref<32768x80xf32, #tpu.memory_space<hbm>>) target(%arg23 : memref<32x80xf32, #tpu.memory_space<vmem>>) offsets(%dma_start3A_529 : memref<32xi32, #tpu.memory_space<vmem>>) semaphore(%arg35 : memref<!tpu.dma_semaphore, #tpu.memory_space<semaphore_mem>>)
        %mul3A_533 = arith.constant 80 : i32
        %mul3A_534 = arith.muli %add3A_485, %mul3A_533 : i32
        %dma_start3A_535 = tpu.memref_slice %arg12[%mul3A_534] : memref<10240xi32, #tpu.memory_space<vmem>> -> memref<64xi32, #tpu.memory_space<vmem>>
        %dma_start3A_536 = arith.constant 0 : i32
        %dma_start3A_537 = arith.constant 0 : i32
        %dma_start3A_538 = tpu.memref_slice %arg4[%dma_start3A_536, %dma_start3A_537] : memref<32768x80xf32, #tpu.memory_space<hbm>> -> memref<32768x80xf32, #tpu.memory_space<hbm>>
        tpu.enqueue_indirect_dma source(%dma_start3A_538 : memref<32768x80xf32, #tpu.memory_space<hbm>>) target(%arg24 : memref<64x80xf32, #tpu.memory_space<vmem>>) offsets(%dma_start3A_535 : memref<64xi32, #tpu.memory_space<vmem>>) semaphore(%arg36 : memref<!tpu.dma_semaphore, #tpu.memory_space<semaphore_mem>>)
      } else {
      }
      %scan3A_491 = arith.constant 0 : i32
      scf.yield %scan3A_491 : i32
    }
    %scan3A_145 = arith.constant 32 : i32
    %mul3A_146 = arith.constant 128 : i32
    %mul3A_147 = arith.muli %add3A, %mul3A_146 : i32
    %add3A_148 = arith.constant 124 : i32
    %add3A_149 = arith.addi %mul3A_147, %add3A_148 : i32
    %mul3A_150 = arith.constant 16 : i32
    %mul3A_151 = arith.muli %add3A_149, %mul3A_150 : i32
    %dma_wait3A = arith.constant 0 : i32
    %dma_wait3A_152 = tpu.memref_slice %arg5[%mul3A_151, %dma_wait3A] : memref<65536x80xf32, #tpu.memory_space<hbm>> -> memref<16x80xf32, #tpu.memory_space<hbm>>
    %dma_wait3A_153 = arith.constant 0 : i32
    %dma_wait3A_154 = tpu.memref_slice %arg5[%mul3A_151, %dma_wait3A_153] : memref<65536x80xf32, #tpu.memory_space<hbm>> -> memref<16x80xf32, #tpu.memory_space<hbm>>
    tpu.wait_dma2 semaphore(%arg37 : memref<!tpu.dma_semaphore, #tpu.memory_space<semaphore_mem>>) src(%arg13 : memref<16x80xf32, #tpu.memory_space<vmem>>) dst(%dma_wait3A_154 : memref<16x80xf32, #tpu.memory_space<hbm>>)
    %mul3A_155 = arith.constant 128 : i32
    %mul3A_156 = arith.muli %add3A, %mul3A_155 : i32
    %add3A_157 = arith.constant 124 : i32
    %add3A_158 = arith.addi %mul3A_156, %add3A_157 : i32
    %mul3A_159 = arith.constant 32 : i32
    %mul3A_160 = arith.muli %add3A_158, %mul3A_159 : i32
    %dma_wait3A_161 = arith.constant 0 : i32
    %dma_wait3A_162 = tpu.memref_slice %arg6[%mul3A_160, %dma_wait3A_161] : memref<131072x80xf32, #tpu.memory_space<hbm>> -> memref<32x80xf32, #tpu.memory_space<hbm>>
    %dma_wait3A_163 = arith.constant 0 : i32
    %dma_wait3A_164 = tpu.memref_slice %arg6[%mul3A_160, %dma_wait3A_163] : memref<131072x80xf32, #tpu.memory_space<hbm>> -> memref<32x80xf32, #tpu.memory_space<hbm>>
    tpu.wait_dma2 semaphore(%arg38 : memref<!tpu.dma_semaphore, #tpu.memory_space<semaphore_mem>>) src(%arg14 : memref<32x80xf32, #tpu.memory_space<vmem>>) dst(%dma_wait3A_164 : memref<32x80xf32, #tpu.memory_space<hbm>>)
    %mul3A_165 = arith.constant 128 : i32
    %mul3A_166 = arith.muli %add3A, %mul3A_165 : i32
    %add3A_167 = arith.constant 124 : i32
    %add3A_168 = arith.addi %mul3A_166, %add3A_167 : i32
    %mul3A_169 = arith.constant 64 : i32
    %mul3A_170 = arith.muli %add3A_168, %mul3A_169 : i32
    %dma_wait3A_171 = arith.constant 0 : i32
    %dma_wait3A_172 = tpu.memref_slice %arg7[%mul3A_170, %dma_wait3A_171] : memref<262144x80xf32, #tpu.memory_space<hbm>> -> memref<64x80xf32, #tpu.memory_space<hbm>>
    %dma_wait3A_173 = arith.constant 0 : i32
    %dma_wait3A_174 = tpu.memref_slice %arg7[%mul3A_170, %dma_wait3A_173] : memref<262144x80xf32, #tpu.memory_space<hbm>> -> memref<64x80xf32, #tpu.memory_space<hbm>>
    tpu.wait_dma2 semaphore(%arg39 : memref<!tpu.dma_semaphore, #tpu.memory_space<semaphore_mem>>) src(%arg15 : memref<64x80xf32, #tpu.memory_space<vmem>>) dst(%dma_wait3A_174 : memref<64x80xf32, #tpu.memory_space<hbm>>)
    %mul3A_175 = arith.constant 128 : i32
    %mul3A_176 = arith.muli %add3A, %mul3A_175 : i32
    %add3A_177 = arith.constant 125 : i32
    %add3A_178 = arith.addi %mul3A_176, %add3A_177 : i32
    %mul3A_179 = arith.constant 16 : i32
    %mul3A_180 = arith.muli %add3A_178, %mul3A_179 : i32
    %dma_wait3A_181 = arith.constant 0 : i32
    %dma_wait3A_182 = tpu.memref_slice %arg5[%mul3A_180, %dma_wait3A_181] : memref<65536x80xf32, #tpu.memory_space<hbm>> -> memref<16x80xf32, #tpu.memory_space<hbm>>
    %dma_wait3A_183 = arith.constant 0 : i32
    %dma_wait3A_184 = tpu.memref_slice %arg5[%mul3A_180, %dma_wait3A_183] : memref<65536x80xf32, #tpu.memory_space<hbm>> -> memref<16x80xf32, #tpu.memory_space<hbm>>
    tpu.wait_dma2 semaphore(%arg40 : memref<!tpu.dma_semaphore, #tpu.memory_space<semaphore_mem>>) src(%arg16 : memref<16x80xf32, #tpu.memory_space<vmem>>) dst(%dma_wait3A_184 : memref<16x80xf32, #tpu.memory_space<hbm>>)
    %mul3A_185 = arith.constant 128 : i32
    %mul3A_186 = arith.muli %add3A, %mul3A_185 : i32
    %add3A_187 = arith.constant 125 : i32
    %add3A_188 = arith.addi %mul3A_186, %add3A_187 : i32
    %mul3A_189 = arith.constant 32 : i32
    %mul3A_190 = arith.muli %add3A_188, %mul3A_189 : i32
    %dma_wait3A_191 = arith.constant 0 : i32
    %dma_wait3A_192 = tpu.memref_slice %arg6[%mul3A_190, %dma_wait3A_191] : memref<131072x80xf32, #tpu.memory_space<hbm>> -> memref<32x80xf32, #tpu.memory_space<hbm>>
    %dma_wait3A_193 = arith.constant 0 : i32
    %dma_wait3A_194 = tpu.memref_slice %arg6[%mul3A_190, %dma_wait3A_193] : memref<131072x80xf32, #tpu.memory_space<hbm>> -> memref<32x80xf32, #tpu.memory_space<hbm>>
    tpu.wait_dma2 semaphore(%arg41 : memref<!tpu.dma_semaphore, #tpu.memory_space<semaphore_mem>>) src(%arg17 : memref<32x80xf32, #tpu.memory_space<vmem>>) dst(%dma_wait3A_194 : memref<32x80xf32, #tpu.memory_space<hbm>>)
    %mul3A_195 = arith.constant 128 : i32
    %mul3A_196 = arith.muli %add3A, %mul3A_195 : i32
    %add3A_197 = arith.constant 125 : i32
    %add3A_198 = arith.addi %mul3A_196, %add3A_197 : i32
    %mul3A_199 = arith.constant 64 : i32
    %mul3A_200 = arith.muli %add3A_198, %mul3A_199 : i32
    %dma_wait3A_201 = arith.constant 0 : i32
    %dma_wait3A_202 = tpu.memref_slice %arg7[%mul3A_200, %dma_wait3A_201] : memref<262144x80xf32, #tpu.memory_space<hbm>> -> memref<64x80xf32, #tpu.memory_space<hbm>>
    %dma_wait3A_203 = arith.constant 0 : i32
    %dma_wait3A_204 = tpu.memref_slice %arg7[%mul3A_200, %dma_wait3A_203] : memref<262144x80xf32, #tpu.memory_space<hbm>> -> memref<64x80xf32, #tpu.memory_space<hbm>>
    tpu.wait_dma2 semaphore(%arg42 : memref<!tpu.dma_semaphore, #tpu.memory_space<semaphore_mem>>) src(%arg18 : memref<64x80xf32, #tpu.memory_space<vmem>>) dst(%dma_wait3A_204 : memref<64x80xf32, #tpu.memory_space<hbm>>)
    %mul3A_205 = arith.constant 128 : i32
    %mul3A_206 = arith.muli %add3A, %mul3A_205 : i32
    %add3A_207 = arith.constant 126 : i32
    %add3A_208 = arith.addi %mul3A_206, %add3A_207 : i32
    %mul3A_209 = arith.constant 16 : i32
    %mul3A_210 = arith.muli %add3A_208, %mul3A_209 : i32
    %dma_wait3A_211 = arith.constant 0 : i32
    %dma_wait3A_212 = tpu.memref_slice %arg5[%mul3A_210, %dma_wait3A_211] : memref<65536x80xf32, #tpu.memory_space<hbm>> -> memref<16x80xf32, #tpu.memory_space<hbm>>
    %dma_wait3A_213 = arith.constant 0 : i32
    %dma_wait3A_214 = tpu.memref_slice %arg5[%mul3A_210, %dma_wait3A_213] : memref<65536x80xf32, #tpu.memory_space<hbm>> -> memref<16x80xf32, #tpu.memory_space<hbm>>
    tpu.wait_dma2 semaphore(%arg43 : memref<!tpu.dma_semaphore, #tpu.memory_space<semaphore_mem>>) src(%arg19 : memref<16x80xf32, #tpu.memory_space<vmem>>) dst(%dma_wait3A_214 : memref<16x80xf32, #tpu.memory_space<hbm>>)
    %mul3A_215 = arith.constant 128 : i32
    %mul3A_216 = arith.muli %add3A, %mul3A_215 : i32
    %add3A_217 = arith.constant 126 : i32
    %add3A_218 = arith.addi %mul3A_216, %add3A_217 : i32
    %mul3A_219 = arith.constant 32 : i32
    %mul3A_220 = arith.muli %add3A_218, %mul3A_219 : i32
    %dma_wait3A_221 = arith.constant 0 : i32
    %dma_wait3A_222 = tpu.memref_slice %arg6[%mul3A_220, %dma_wait3A_221] : memref<131072x80xf32, #tpu.memory_space<hbm>> -> memref<32x80xf32, #tpu.memory_space<hbm>>
    %dma_wait3A_223 = arith.constant 0 : i32
    %dma_wait3A_224 = tpu.memref_slice %arg6[%mul3A_220, %dma_wait3A_223] : memref<131072x80xf32, #tpu.memory_space<hbm>> -> memref<32x80xf32, #tpu.memory_space<hbm>>
    tpu.wait_dma2 semaphore(%arg44 : memref<!tpu.dma_semaphore, #tpu.memory_space<semaphore_mem>>) src(%arg20 : memref<32x80xf32, #tpu.memory_space<vmem>>) dst(%dma_wait3A_224 : memref<32x80xf32, #tpu.memory_space<hbm>>)
    %mul3A_225 = arith.constant 128 : i32
    %mul3A_226 = arith.muli %add3A, %mul3A_225 : i32
    %add3A_227 = arith.constant 126 : i32
    %add3A_228 = arith.addi %mul3A_226, %add3A_227 : i32
    %mul3A_229 = arith.constant 64 : i32
    %mul3A_230 = arith.muli %add3A_228, %mul3A_229 : i32
    %dma_wait3A_231 = arith.constant 0 : i32
    %dma_wait3A_232 = tpu.memref_slice %arg7[%mul3A_230, %dma_wait3A_231] : memref<262144x80xf32, #tpu.memory_space<hbm>> -> memref<64x80xf32, #tpu.memory_space<hbm>>
    %dma_wait3A_233 = arith.constant 0 : i32
    %dma_wait3A_234 = tpu.memref_slice %arg7[%mul3A_230, %dma_wait3A_233] : memref<262144x80xf32, #tpu.memory_space<hbm>> -> memref<64x80xf32, #tpu.memory_space<hbm>>
    tpu.wait_dma2 semaphore(%arg45 : memref<!tpu.dma_semaphore, #tpu.memory_space<semaphore_mem>>) src(%arg21 : memref<64x80xf32, #tpu.memory_space<vmem>>) dst(%dma_wait3A_234 : memref<64x80xf32, #tpu.memory_space<hbm>>)
    %mul3A_235 = arith.constant 128 : i32
    %mul3A_236 = arith.muli %add3A, %mul3A_235 : i32
    %add3A_237 = arith.constant 127 : i32
    %add3A_238 = arith.addi %mul3A_236, %add3A_237 : i32
    %mul3A_239 = arith.constant 16 : i32
    %mul3A_240 = arith.muli %add3A_238, %mul3A_239 : i32
    %dma_wait3A_241 = arith.constant 0 : i32
    %dma_wait3A_242 = tpu.memref_slice %arg5[%mul3A_240, %dma_wait3A_241] : memref<65536x80xf32, #tpu.memory_space<hbm>> -> memref<16x80xf32, #tpu.memory_space<hbm>>
    %dma_wait3A_243 = arith.constant 0 : i32
    %dma_wait3A_244 = tpu.memref_slice %arg5[%mul3A_240, %dma_wait3A_243] : memref<65536x80xf32, #tpu.memory_space<hbm>> -> memref<16x80xf32, #tpu.memory_space<hbm>>
    tpu.wait_dma2 semaphore(%arg46 : memref<!tpu.dma_semaphore, #tpu.memory_space<semaphore_mem>>) src(%arg22 : memref<16x80xf32, #tpu.memory_space<vmem>>) dst(%dma_wait3A_244 : memref<16x80xf32, #tpu.memory_space<hbm>>)
    %mul3A_245 = arith.constant 128 : i32
    %mul3A_246 = arith.muli %add3A, %mul3A_245 : i32
    %add3A_247 = arith.constant 127 : i32
    %add3A_248 = arith.addi %mul3A_246, %add3A_247 : i32
    %mul3A_249 = arith.constant 32 : i32
    %mul3A_250 = arith.muli %add3A_248, %mul3A_249 : i32
    %dma_wait3A_251 = arith.constant 0 : i32
    %dma_wait3A_252 = tpu.memref_slice %arg6[%mul3A_250, %dma_wait3A_251] : memref<131072x80xf32, #tpu.memory_space<hbm>> -> memref<32x80xf32, #tpu.memory_space<hbm>>
    %dma_wait3A_253 = arith.constant 0 : i32
    %dma_wait3A_254 = tpu.memref_slice %arg6[%mul3A_250, %dma_wait3A_253] : memref<131072x80xf32, #tpu.memory_space<hbm>> -> memref<32x80xf32, #tpu.memory_space<hbm>>
    tpu.wait_dma2 semaphore(%arg47 : memref<!tpu.dma_semaphore, #tpu.memory_space<semaphore_mem>>) src(%arg23 : memref<32x80xf32, #tpu.memory_space<vmem>>) dst(%dma_wait3A_254 : memref<32x80xf32, #tpu.memory_space<hbm>>)
    %mul3A_255 = arith.constant 128 : i32
    %mul3A_256 = arith.muli %add3A, %mul3A_255 : i32
    %add3A_257 = arith.constant 127 : i32
    %add3A_258 = arith.addi %mul3A_256, %add3A_257 : i32
    %mul3A_259 = arith.constant 64 : i32
    %mul3A_260 = arith.muli %add3A_258, %mul3A_259 : i32
    %dma_wait3A_261 = arith.constant 0 : i32
    %dma_wait3A_262 = tpu.memref_slice %arg7[%mul3A_260, %dma_wait3A_261] : memref<262144x80xf32, #tpu.memory_space<hbm>> -> memref<64x80xf32, #tpu.memory_space<hbm>>
    %dma_wait3A_263 = arith.constant 0 : i32
    %dma_wait3A_264 = tpu.memref_slice %arg7[%mul3A_260, %dma_wait3A_263] : memref<262144x80xf32, #tpu.memory_space<hbm>> -> memref<64x80xf32, #tpu.memory_space<hbm>>
    tpu.wait_dma2 semaphore(%arg48 : memref<!tpu.dma_semaphore, #tpu.memory_space<semaphore_mem>>) src(%arg24 : memref<64x80xf32, #tpu.memory_space<vmem>>) dst(%dma_wait3A_264 : memref<64x80xf32, #tpu.memory_space<hbm>>)
    return
  }
}

module attributes {stable_mosaic.version = 14 : i64} {
  func.func @_fps_body(%arg0: memref<3x4x64x128xf32, #tpu.memory_space<vmem>>, %arg1: memref<3x4x8x128xf32, #tpu.memory_space<vmem>>, %arg2: memref<4x64x128xf32, #tpu.memory_space<vmem>>) attributes {dimension_semantics = [], scalar_prefetch = 0 : i64, scratch_operands = 1 : i64, tpu.core_type = #tpu.core_type<tc>} {
    %get3A = arith.constant 0 : index
    %get3A_0 = arith.constant 0 : index
    %get3A_1 = arith.constant 0 : index
    %get3A_2 = arith.constant 0 : index
    %get3A_3 = vector.load %arg0[%get3A, %get3A_0, %get3A_1, %get3A_2] : memref<3x4x64x128xf32, #tpu.memory_space<vmem>>, vector<1x4x64x128xf32>
    %get3A_4 = vector.shape_cast %get3A_3 : vector<1x4x64x128xf32> to vector<4x64x128xf32>
    %get3A_5 = arith.constant 1 : index
    %get3A_6 = arith.constant 0 : index
    %get3A_7 = arith.constant 0 : index
    %get3A_8 = arith.constant 0 : index
    %get3A_9 = vector.load %arg0[%get3A_5, %get3A_6, %get3A_7, %get3A_8] : memref<3x4x64x128xf32, #tpu.memory_space<vmem>>, vector<1x4x64x128xf32>
    %get3A_10 = vector.shape_cast %get3A_9 : vector<1x4x64x128xf32> to vector<4x64x128xf32>
    %get3A_11 = arith.constant 2 : index
    %get3A_12 = arith.constant 0 : index
    %get3A_13 = arith.constant 0 : index
    %get3A_14 = arith.constant 0 : index
    %get3A_15 = vector.load %arg0[%get3A_11, %get3A_12, %get3A_13, %get3A_14] : memref<3x4x64x128xf32, #tpu.memory_space<vmem>>, vector<1x4x64x128xf32>
    %get3A_16 = vector.shape_cast %get3A_15 : vector<1x4x64x128xf32> to vector<4x64x128xf32>
    %broadcast_in_dim3A = arith.constant 1.000000e+10 : f32
    %broadcast_in_dim3A_17 = vector.broadcast %broadcast_in_dim3A : f32 to vector<4x64x128xf32>
    %swap3A = arith.constant 0 : index
    %swap3A_18 = arith.constant 0 : index
    %swap3A_19 = arith.constant 0 : index
    %swap3A_20 = vector.load %arg2[%swap3A, %swap3A_18, %swap3A_19] : memref<4x64x128xf32, #tpu.memory_space<vmem>>, vector<4x64x128xf32>
    tpu.vector_store %arg2[%swap3A, %swap3A_18, %swap3A_19], %broadcast_in_dim3A_17 {strides = array<i32>} : memref<4x64x128xf32, #tpu.memory_space<vmem>>, vector<4x64x128xf32>,
    %iota3A = tpu.iota {dimensions = array<i32: 1>} : vector<4x64x128xi32>
    %mul3A = arith.constant 128 : i32
    %mul3A_21 = vector.broadcast %mul3A : i32 to vector<4x64x128xi32>
    %mul3A_22 = arith.muli %iota3A, %mul3A_21 : vector<4x64x128xi32>
    %iota3A_23 = tpu.iota {dimensions = array<i32: 2>} : vector<4x64x128xi32>
    %add3A = arith.addi %mul3A_22, %iota3A_23 : vector<4x64x128xi32>
    %iota3A_24 = tpu.iota {dimensions = array<i32: 1>} : vector<4x8x128xi32>
    %mul3A_25 = arith.constant 128 : i32
    %mul3A_26 = vector.broadcast %mul3A_25 : i32 to vector<4x8x128xi32>
    %mul3A_27 = arith.muli %iota3A_24, %mul3A_26 : vector<4x8x128xi32>
    %iota3A_28 = tpu.iota {dimensions = array<i32: 2>} : vector<4x8x128xi32>
    %add3A_29 = arith.addi %mul3A_27, %iota3A_28 : vector<4x8x128xi32>
    %broadcast_in_dim3A_30 = arith.constant 0.000000e+00 : f32
    %broadcast_in_dim3A_31 = vector.broadcast %broadcast_in_dim3A_30 : f32 to vector<4x8x128xf32>
    %broadcast_in_dim3A_32 = arith.constant 0 : i32
    %broadcast_in_dim3A_33 = vector.broadcast %broadcast_in_dim3A_32 : i32 to vector<4x1x1xi32>
    %scan3A = arith.constant 0 : i32
    %scan3A_34 = arith.constant 1024 : i32
    %scan3A_35 = arith.addi %scan3A, %scan3A_34 : i32
    %scan3A_36 = arith.constant 1 : i32
    %scan3A_37:4 = scf.for %scan3A_47 = %scan3A to %scan3A_35 step %scan3A_36 iter_args(%scan3A_48 = %broadcast_in_dim3A_33, %scan3A_49 = %broadcast_in_dim3A_31, %scan3A_50 = %broadcast_in_dim3A_31, %scan3A_51 = %broadcast_in_dim3A_31) -> (vector<4x1x1xi32>, vector<4x8x128xf32>, vector<4x8x128xf32>, vector<4x8x128xf32>)  : i32 {
      %eq3A = vector.broadcast %scan3A_48 : vector<4x1x1xi32> to vector<4x64x128xi32>
      %eq3A_52 = arith.cmpi eq, %add3A, %eq3A : vector<4x64x128xi32>
      %jit3A = arith.constant 0.000000e+00 : f32
      %broadcast_in_dim3A_53 = vector.broadcast %jit3A : f32 to vector<4x64x128xf32>
      %select_n3A = arith.select %eq3A_52, %get3A_4, %broadcast_in_dim3A_53 : vector<4x64x128xi1>, vector<4x64x128xf32>
      %reduce_sum3A = arith.constant dense<0.000000e+00> : vector<4x64xf32>
      %reduce_sum3A_54 = vector.multi_reduction <add>, %select_n3A, %reduce_sum3A [2] : vector<4x64x128xf32> to vector<4x64xf32>
      %broadcast_in_dim3A_55 = vector.shape_cast %reduce_sum3A_54 : vector<4x64xf32> to vector<4x64x1xf32>
      %reduce_sum3A_56 = arith.constant dense<0.000000e+00> : vector<4x1xf32>
      %reduce_sum3A_57 = vector.multi_reduction <add>, %broadcast_in_dim3A_55, %reduce_sum3A_56 [1] : vector<4x64x1xf32> to vector<4x1xf32>
      %broadcast_in_dim3A_58 = vector.shape_cast %reduce_sum3A_57 : vector<4x1xf32> to vector<4x1x1xf32>
      %jit3A_59 = arith.constant 0.000000e+00 : f32
      %broadcast_in_dim3A_60 = vector.broadcast %jit3A_59 : f32 to vector<4x64x128xf32>
      %select_n3A_61 = arith.select %eq3A_52, %get3A_10, %broadcast_in_dim3A_60 : vector<4x64x128xi1>, vector<4x64x128xf32>
      %reduce_sum3A_62 = arith.constant dense<0.000000e+00> : vector<4x64xf32>
      %reduce_sum3A_63 = vector.multi_reduction <add>, %select_n3A_61, %reduce_sum3A_62 [2] : vector<4x64x128xf32> to vector<4x64xf32>
      %broadcast_in_dim3A_64 = vector.shape_cast %reduce_sum3A_63 : vector<4x64xf32> to vector<4x64x1xf32>
      %reduce_sum3A_65 = arith.constant dense<0.000000e+00> : vector<4x1xf32>
      %reduce_sum3A_66 = vector.multi_reduction <add>, %broadcast_in_dim3A_64, %reduce_sum3A_65 [1] : vector<4x64x1xf32> to vector<4x1xf32>
      %broadcast_in_dim3A_67 = vector.shape_cast %reduce_sum3A_66 : vector<4x1xf32> to vector<4x1x1xf32>
      %jit3A_68 = arith.constant 0.000000e+00 : f32
      %broadcast_in_dim3A_69 = vector.broadcast %jit3A_68 : f32 to vector<4x64x128xf32>
      %select_n3A_70 = arith.select %eq3A_52, %get3A_16, %broadcast_in_dim3A_69 : vector<4x64x128xi1>, vector<4x64x128xf32>
      %reduce_sum3A_71 = arith.constant dense<0.000000e+00> : vector<4x64xf32>
      %reduce_sum3A_72 = vector.multi_reduction <add>, %select_n3A_70, %reduce_sum3A_71 [2] : vector<4x64x128xf32> to vector<4x64xf32>
      %broadcast_in_dim3A_73 = vector.shape_cast %reduce_sum3A_72 : vector<4x64xf32> to vector<4x64x1xf32>
      %reduce_sum3A_74 = arith.constant dense<0.000000e+00> : vector<4x1xf32>
      %reduce_sum3A_75 = vector.multi_reduction <add>, %broadcast_in_dim3A_73, %reduce_sum3A_74 [1] : vector<4x64x1xf32> to vector<4x1xf32>
      %broadcast_in_dim3A_76 = vector.shape_cast %reduce_sum3A_75 : vector<4x1xf32> to vector<4x1x1xf32>
      %eq3A_77 = vector.broadcast %scan3A_47 : i32 to vector<4x8x128xi32>
      %eq3A_78 = arith.cmpi eq, %add3A_29, %eq3A_77 : vector<4x8x128xi32>
      %jit3A_79 = arith.constant 0.000000e+00 : f32
      %broadcast_in_dim3A_80 = vector.shape_cast %broadcast_in_dim3A_58 : vector<4x1x1xf32> to vector<4x1x1xf32>
      %broadcast_in_dim3A_81 = vector.broadcast %broadcast_in_dim3A_80 : vector<4x1x1xf32> to vector<4x8x128xf32>
      %broadcast_in_dim3A_82 = vector.broadcast %jit3A_79 : f32 to vector<4x8x128xf32>
      %select_n3A_83 = arith.select %eq3A_78, %broadcast_in_dim3A_81, %broadcast_in_dim3A_82 : vector<4x8x128xi1>, vector<4x8x128xf32>
      %add3A_84 = arith.addf %scan3A_49, %select_n3A_83 : vector<4x8x128xf32>
      %jit3A_85 = arith.constant 0.000000e+00 : f32
      %broadcast_in_dim3A_86 = vector.shape_cast %broadcast_in_dim3A_67 : vector<4x1x1xf32> to vector<4x1x1xf32>
      %broadcast_in_dim3A_87 = vector.broadcast %broadcast_in_dim3A_86 : vector<4x1x1xf32> to vector<4x8x128xf32>
      %broadcast_in_dim3A_88 = vector.broadcast %jit3A_85 : f32 to vector<4x8x128xf32>
      %select_n3A_89 = arith.select %eq3A_78, %broadcast_in_dim3A_87, %broadcast_in_dim3A_88 : vector<4x8x128xi1>, vector<4x8x128xf32>
      %add3A_90 = arith.addf %scan3A_50, %select_n3A_89 : vector<4x8x128xf32>
      %jit3A_91 = arith.constant 0.000000e+00 : f32
      %broadcast_in_dim3A_92 = vector.shape_cast %broadcast_in_dim3A_76 : vector<4x1x1xf32> to vector<4x1x1xf32>
      %broadcast_in_dim3A_93 = vector.broadcast %broadcast_in_dim3A_92 : vector<4x1x1xf32> to vector<4x8x128xf32>
      %broadcast_in_dim3A_94 = vector.broadcast %jit3A_91 : f32 to vector<4x8x128xf32>
      %select_n3A_95 = arith.select %eq3A_78, %broadcast_in_dim3A_93, %broadcast_in_dim3A_94 : vector<4x8x128xi1>, vector<4x8x128xf32>
      %add3A_96 = arith.addf %scan3A_51, %select_n3A_95 : vector<4x8x128xf32>
      %sub3A = vector.broadcast %broadcast_in_dim3A_58 : vector<4x1x1xf32> to vector<4x64x128xf32>
      %sub3A_97 = arith.subf %get3A_4, %sub3A : vector<4x64x128xf32>
      %sub3A_98 = vector.broadcast %broadcast_in_dim3A_67 : vector<4x1x1xf32> to vector<4x64x128xf32>
      %sub3A_99 = arith.subf %get3A_10, %sub3A_98 : vector<4x64x128xf32>
      %sub3A_100 = vector.broadcast %broadcast_in_dim3A_76 : vector<4x1x1xf32> to vector<4x64x128xf32>
      %sub3A_101 = arith.subf %get3A_16, %sub3A_100 : vector<4x64x128xf32>
      %mul3A_102 = arith.mulf %sub3A_97, %sub3A_97 : vector<4x64x128xf32>
      %mul3A_103 = arith.mulf %sub3A_99, %sub3A_99 : vector<4x64x128xf32>
      %add3A_104 = arith.addf %mul3A_102, %mul3A_103 : vector<4x64x128xf32>
      %mul3A_105 = arith.mulf %sub3A_101, %sub3A_101 : vector<4x64x128xf32>
      %add3A_106 = arith.addf %add3A_104, %mul3A_105 : vector<4x64x128xf32>
      %get3A_107 = arith.constant 0 : index
      %get3A_108 = arith.constant 0 : index
      %get3A_109 = arith.constant 0 : index
      %get3A_110 = vector.load %arg2[%get3A_107, %get3A_108, %get3A_109] : memref<4x64x128xf32, #tpu.memory_space<vmem>>, vector<4x64x128xf32>
      %min3A = arith.minimumf %get3A_110, %add3A_106 : vector<4x64x128xf32>
      %swap3A_111 = arith.constant 0 : index
      %swap3A_112 = arith.constant 0 : index
      %swap3A_113 = arith.constant 0 : index
      %swap3A_114 = vector.load %arg2[%swap3A_111, %swap3A_112, %swap3A_113] : memref<4x64x128xf32, #tpu.memory_space<vmem>>, vector<4x64x128xf32>
      tpu.vector_store %arg2[%swap3A_111, %swap3A_112, %swap3A_113], %min3A {strides = array<i32>} : memref<4x64x128xf32, #tpu.memory_space<vmem>>, vector<4x64x128xf32>,
      %reduce_max3A = arith.constant dense<0xFF800000> : vector<4x64xf32>
      %reduce_max3A_115 = vector.multi_reduction <maximumf>, %min3A, %reduce_max3A [2] : vector<4x64x128xf32> to vector<4x64xf32>
      %broadcast_in_dim3A_116 = vector.shape_cast %reduce_max3A_115 : vector<4x64xf32> to vector<4x64x1xf32>
      %reduce_max3A_117 = arith.constant dense<0xFF800000> : vector<4x1xf32>
      %reduce_max3A_118 = vector.multi_reduction <maximumf>, %broadcast_in_dim3A_116, %reduce_max3A_117 [1] : vector<4x64x1xf32> to vector<4x1xf32>
      %broadcast_in_dim3A_119 = vector.shape_cast %reduce_max3A_118 : vector<4x1xf32> to vector<4x1x1xf32>
      %eq3A_120 = vector.broadcast %broadcast_in_dim3A_119 : vector<4x1x1xf32> to vector<4x64x128xf32>
      %eq3A_121 = arith.cmpf oeq, %min3A, %eq3A_120 : vector<4x64x128xf32>
      %jit3A_122 = arith.constant 1073741824 : i32
      %broadcast_in_dim3A_123 = vector.broadcast %jit3A_122 : i32 to vector<4x64x128xi32>
      %select_n3A_124 = arith.select %eq3A_121, %add3A, %broadcast_in_dim3A_123 : vector<4x64x128xi1>, vector<4x64x128xi32>
      %reduce_min3A = arith.constant dense<2147483647> : vector<4x64xi32>
      %reduce_min3A_125 = vector.multi_reduction <minsi>, %select_n3A_124, %reduce_min3A [2] : vector<4x64x128xi32> to vector<4x64xi32>
      %broadcast_in_dim3A_126 = vector.shape_cast %reduce_min3A_125 : vector<4x64xi32> to vector<4x64x1xi32>
      %reduce_min3A_127 = arith.constant dense<2147483647> : vector<4x1xi32>
      %reduce_min3A_128 = vector.multi_reduction <minsi>, %broadcast_in_dim3A_126, %reduce_min3A_127 [1] : vector<4x64x1xi32> to vector<4x1xi32>
      %broadcast_in_dim3A_129 = vector.shape_cast %reduce_min3A_128 : vector<4x1xi32> to vector<4x1x1xi32>
      scf.yield %broadcast_in_dim3A_129, %add3A_84, %add3A_90, %add3A_96 : vector<4x1x1xi32>, vector<4x8x128xf32>, vector<4x8x128xf32>, vector<4x8x128xf32>
    }
    %scan3A_38 = arith.constant 1024 : i32
    %stack3A = vector.shape_cast %scan3A_37#1 : vector<4x8x128xf32> to vector<1x4x8x128xf32>
    %stack3A_39 = vector.shape_cast %scan3A_37#2 : vector<4x8x128xf32> to vector<1x4x8x128xf32>
    %stack3A_40 = vector.shape_cast %scan3A_37#3 : vector<4x8x128xf32> to vector<1x4x8x128xf32>
    %stack3A_41 = tpu.concatenate %stack3A, %stack3A_39, %stack3A_40 in 0 : vector<1x4x8x128xf32>, vector<1x4x8x128xf32>, vector<1x4x8x128xf32> -> vector<3x4x8x128xf32>
    %swap3A_42 = arith.constant 0 : index
    %swap3A_43 = arith.constant 0 : index
    %swap3A_44 = arith.constant 0 : index
    %swap3A_45 = arith.constant 0 : index
    %swap3A_46 = vector.load %arg1[%swap3A_42, %swap3A_43, %swap3A_44, %swap3A_45] : memref<3x4x8x128xf32, #tpu.memory_space<vmem>>, vector<3x4x8x128xf32>
    tpu.vector_store %arg1[%swap3A_42, %swap3A_43, %swap3A_44, %swap3A_45], %stack3A_41 {strides = array<i32>} : memref<3x4x8x128xf32, #tpu.memory_space<vmem>>, vector<3x4x8x128xf32>,
    return
  }
}

module attributes {stable_mosaic.version = 14 : i64} {
  func.func @_l1_body(%arg0: i32, %arg1: memref<128x16x80xf32, #tpu.memory_space<vmem>>, %arg2: memref<128x8xf32, #tpu.memory_space<vmem>>, %arg3: memref<80x32xf32, #tpu.memory_space<vmem>>, %arg4: memref<8x32xf32, #tpu.memory_space<vmem>>, %arg5: memref<128x16x32xf32, #tpu.memory_space<vmem>>, %arg6: memref<2x32xf32, #tpu.memory_space<vmem>>) attributes {dimension_semantics = [#tpu.dimension_semantics<arbitrary>], iteration_bounds = array<i64: 32>, scalar_prefetch = 0 : i64, scratch_operands = 0 : i64, tpu.core_type = #tpu.core_type<tc>, window_params = [{transform_indices = @transform_0, window_bounds = array<i64: 128, 16, 80>}, {transform_indices = @transform_1, window_bounds = array<i64: 128, 8>}, {pipeline_mode = #tpu.pipeline_mode<synchronous>, transform_indices = @transform_2, window_bounds = array<i64: 80, 32>}, {pipeline_mode = #tpu.pipeline_mode<synchronous>, transform_indices = @transform_3, window_bounds = array<i64: 8, 32>}, {transform_indices = @transform_4, window_bounds = array<i64: 128, 16, 32>}, {pipeline_mode = #tpu.pipeline_mode<synchronous>, transform_indices = @transform_5, window_bounds = array<i64: 2, 32>}]} {
    %get3A = arith.constant 0 : index
    %get3A_0 = arith.constant 0 : index
    %get3A_1 = arith.constant 0 : index
    %get3A_2 = vector.load %arg1[%get3A, %get3A_0, %get3A_1] : memref<128x16x80xf32, #tpu.memory_space<vmem>>, vector<128x16x80xf32>
    %reshape3A = vector.shape_cast %get3A_2 : vector<128x16x80xf32> to vector<2048x80xf32>
    %get3A_3 = arith.constant 0 : index
    %get3A_4 = arith.constant 0 : index
    %get3A_5 = vector.load %arg3[%get3A_3, %get3A_4] : memref<80x32xf32, #tpu.memory_space<vmem>>, vector<80x32xf32>
    %dot_general3A = arith.constant dense<0.000000e+00> : vector<2048x32xf32>
    %dot_general3A_6 = tpu.matmul %reshape3A, %get3A_5, %dot_general3A {dimension_numbers = #tpu.dot_dimension_numbers<[1], [0], [0], [1], [0, 0, 1, 1], [], []>, transpose_lhs_hint = false} : vector<2048x80xf32>, vector<80x32xf32>, vector<2048x32xf32> -> vector<2048x32xf32>
    %get3A_7 = arith.constant 0 : index
    %get3A_8 = arith.constant 0 : index
    %get3A_9 = vector.load %arg2[%get3A_7, %get3A_8] : memref<128x8xf32, #tpu.memory_space<vmem>>, vector<128x8xf32>
    %get3A_10 = arith.constant 0 : index
    %get3A_11 = arith.constant 0 : index
    %get3A_12 = vector.load %arg4[%get3A_10, %get3A_11] : memref<8x32xf32, #tpu.memory_space<vmem>>, vector<8x32xf32>
    %dot_general3A_13 = arith.constant dense<0.000000e+00> : vector<128x32xf32>
    %dot_general3A_14 = tpu.matmul %get3A_9, %get3A_12, %dot_general3A_13 {dimension_numbers = #tpu.dot_dimension_numbers<[1], [0], [0], [1], [0, 0, 1, 1], [], []>, transpose_lhs_hint = false} : vector<128x8xf32>, vector<8x32xf32>, vector<128x32xf32> -> vector<128x32xf32>
    %reshape3A_15 = vector.shape_cast %dot_general3A_6 : vector<2048x32xf32> to vector<128x16x32xf32>
    %broadcast_in_dim3A = vector.shape_cast %dot_general3A_14 : vector<128x32xf32> to vector<128x1x32xf32>
    %sub3A = vector.broadcast %broadcast_in_dim3A : vector<128x1x32xf32> to vector<128x16x32xf32>
    %sub3A_16 = arith.subf %reshape3A_15, %sub3A : vector<128x16x32xf32>
    %swap3A = arith.constant 0 : index
    %swap3A_17 = arith.constant 0 : index
    %swap3A_18 = arith.constant 0 : index
    %swap3A_19 = vector.load %arg5[%swap3A, %swap3A_17, %swap3A_18] : memref<128x16x32xf32, #tpu.memory_space<vmem>>, vector<128x16x32xf32>
    tpu.vector_store %arg5[%swap3A, %swap3A_17, %swap3A_18], %sub3A_16 {strides = array<i32>} : memref<128x16x32xf32, #tpu.memory_space<vmem>>, vector<128x16x32xf32>,
    %reduce_sum3A = arith.constant dense<0.000000e+00> : vector<16x32xf32>
    %reduce_sum3A_20 = vector.multi_reduction <add>, %sub3A_16, %reduce_sum3A [0] : vector<128x16x32xf32> to vector<16x32xf32>
    %reduce_sum3A_21 = arith.constant dense<0.000000e+00> : vector<32xf32>
    %reduce_sum3A_22 = vector.multi_reduction <add>, %reduce_sum3A_20, %reduce_sum3A_21 [0] : vector<16x32xf32> to vector<32xf32>
    %mul3A = arith.mulf %sub3A_16, %sub3A_16 : vector<128x16x32xf32>
    %reduce_sum3A_23 = arith.constant dense<0.000000e+00> : vector<16x32xf32>
    %reduce_sum3A_24 = vector.multi_reduction <add>, %mul3A, %reduce_sum3A_23 [0] : vector<128x16x32xf32> to vector<16x32xf32>
    %reduce_sum3A_25 = arith.constant dense<0.000000e+00> : vector<32xf32>
    %reduce_sum3A_26 = vector.multi_reduction <add>, %reduce_sum3A_24, %reduce_sum3A_25 [0] : vector<16x32xf32> to vector<32xf32>
    %stack3A = vector.shape_cast %reduce_sum3A_22 : vector<32xf32> to vector<1x32xf32>
    %stack3A_27 = vector.shape_cast %reduce_sum3A_26 : vector<32xf32> to vector<1x32xf32>
    %stack3A_28 = tpu.concatenate %stack3A, %stack3A_27 in 0 : vector<1x32xf32>, vector<1x32xf32> -> vector<2x32xf32>
    %eq3A = arith.constant 0 : i32
    %eq3A_29 = arith.cmpi eq, %arg0, %eq3A : i32
    %convert_element_type3A = arith.extui %eq3A_29 : i1 to i32
    %cond3A = arith.constant 0 : i32
    %cond3A_30 = arith.cmpi ne, %convert_element_type3A, %cond3A : i32
    scf.if %cond3A_30 {
      %swap3A_35 = arith.constant 0 : index
      %swap3A_36 = arith.constant 0 : index
      %swap3A_37 = vector.load %arg6[%swap3A_35, %swap3A_36] : memref<2x32xf32, #tpu.memory_space<vmem>>, vector<2x32xf32>
      tpu.vector_store %arg6[%swap3A_35, %swap3A_36], %stack3A_28 {strides = array<i32>} : memref<2x32xf32, #tpu.memory_space<vmem>>, vector<2x32xf32>,
    } else {
    }
    %gt3A = arith.constant 0 : i32
    %gt3A_31 = arith.cmpi sgt, %arg0, %gt3A : i32
    %convert_element_type3A_32 = arith.extui %gt3A_31 : i1 to i32
    %cond3A_33 = arith.constant 0 : i32
    %cond3A_34 = arith.cmpi ne, %convert_element_type3A_32, %cond3A_33 : i32
    scf.if %cond3A_34 {
      %get3A_35 = arith.constant 0 : index
      %get3A_36 = arith.constant 0 : index
      %get3A_37 = vector.load %arg6[%get3A_35, %get3A_36] : memref<2x32xf32, #tpu.memory_space<vmem>>, vector<2x32xf32>
      %add3A = arith.addf %get3A_37, %stack3A_28 : vector<2x32xf32>
      %swap3A_38 = arith.constant 0 : index
      %swap3A_39 = arith.constant 0 : index
      %swap3A_40 = vector.load %arg6[%swap3A_38, %swap3A_39] : memref<2x32xf32, #tpu.memory_space<vmem>>, vector<2x32xf32>
      tpu.vector_store %arg6[%swap3A_38, %swap3A_39], %add3A {strides = array<i32>} : memref<2x32xf32, #tpu.memory_space<vmem>>, vector<2x32xf32>,
    } else {
    }
    return
  }
  func.func @transform_0(%arg0: i32) -> (i32, i32, i32) {
    %c0_i32 = arith.constant 0 : i32
    %c0_i32_0 = arith.constant 0 : i32
    %c0_i32_1 = arith.constant 0 : i32
    return %arg0, %c0_i32, %c0_i32_0 : i32, i32, i32
  }
  func.func @transform_1(%arg0: i32) -> (i32, i32) {
    %c0_i32 = arith.constant 0 : i32
    %c0_i32_0 = arith.constant 0 : i32
    return %arg0, %c0_i32 : i32, i32
  }
  func.func @transform_2(%arg0: i32) -> (i32, i32) {
    %c0_i32 = arith.constant 0 : i32
    %c0_i32_0 = arith.constant 0 : i32
    %c0_i32_1 = arith.constant 0 : i32
    return %c0_i32, %c0_i32_0 : i32, i32
  }
  func.func @transform_3(%arg0: i32) -> (i32, i32) {
    %c0_i32 = arith.constant 0 : i32
    %c0_i32_0 = arith.constant 0 : i32
    %c0_i32_1 = arith.constant 0 : i32
    return %c0_i32, %c0_i32_0 : i32, i32
  }
  func.func @transform_4(%arg0: i32) -> (i32, i32, i32) {
    %c0_i32 = arith.constant 0 : i32
    %c0_i32_0 = arith.constant 0 : i32
    %c0_i32_1 = arith.constant 0 : i32
    return %arg0, %c0_i32, %c0_i32_0 : i32, i32, i32
  }
  func.func @transform_5(%arg0: i32) -> (i32, i32) {
    %c0_i32 = arith.constant 0 : i32
    %c0_i32_0 = arith.constant 0 : i32
    %c0_i32_1 = arith.constant 0 : i32
    return %c0_i32, %c0_i32_0 : i32, i32
  }
}

module attributes {stable_mosaic.version = 14 : i64} {
  func.func @_mid_body(%arg0: i32, %arg1: memref<128x16x32xf32, #tpu.memory_space<vmem>>, %arg2: memref<1x1x32xf32, #tpu.memory_space<vmem>>, %arg3: memref<1x1x32xf32, #tpu.memory_space<vmem>>, %arg4: memref<32x32xf32, #tpu.memory_space<vmem>>, %arg5: memref<128x16x32xf32, #tpu.memory_space<vmem>>, %arg6: memref<2x32xf32, #tpu.memory_space<vmem>>) attributes {dimension_semantics = [#tpu.dimension_semantics<arbitrary>], iteration_bounds = array<i64: 32>, scalar_prefetch = 0 : i64, scratch_operands = 0 : i64, tpu.core_type = #tpu.core_type<tc>, window_params = [{transform_indices = @transform_0, window_bounds = array<i64: 128, 16, 32>}, {pipeline_mode = #tpu.pipeline_mode<synchronous>, transform_indices = @transform_1, window_bounds = array<i64: 1, 1, 32>}, {pipeline_mode = #tpu.pipeline_mode<synchronous>, transform_indices = @transform_2, window_bounds = array<i64: 1, 1, 32>}, {pipeline_mode = #tpu.pipeline_mode<synchronous>, transform_indices = @transform_3, window_bounds = array<i64: 32, 32>}, {transform_indices = @transform_4, window_bounds = array<i64: 128, 16, 32>}, {pipeline_mode = #tpu.pipeline_mode<synchronous>, transform_indices = @transform_5, window_bounds = array<i64: 2, 32>}]} {
    %get3A = arith.constant 0 : index
    %get3A_0 = arith.constant 0 : index
    %get3A_1 = arith.constant 0 : index
    %get3A_2 = vector.load %arg1[%get3A, %get3A_0, %get3A_1] : memref<128x16x32xf32, #tpu.memory_space<vmem>>, vector<128x16x32xf32>
    %get3A_3 = arith.constant 0 : index
    %get3A_4 = arith.constant 0 : index
    %get3A_5 = arith.constant 0 : index
    %get3A_6 = vector.load %arg2[%get3A_3, %get3A_4, %get3A_5] : memref<1x1x32xf32, #tpu.memory_space<vmem>>, vector<1x1x32xf32>
    %mul3A = vector.broadcast %get3A_6 : vector<1x1x32xf32> to vector<128x16x32xf32>
    %mul3A_7 = arith.mulf %get3A_2, %mul3A : vector<128x16x32xf32>
    %get3A_8 = arith.constant 0 : index
    %get3A_9 = arith.constant 0 : index
    %get3A_10 = arith.constant 0 : index
    %get3A_11 = vector.load %arg3[%get3A_8, %get3A_9, %get3A_10] : memref<1x1x32xf32, #tpu.memory_space<vmem>>, vector<1x1x32xf32>
    %add3A = vector.broadcast %get3A_11 : vector<1x1x32xf32> to vector<128x16x32xf32>
    %add3A_12 = arith.addf %mul3A_7, %add3A : vector<128x16x32xf32>
    %mul3A_13 = arith.constant 5.000000e-01 : f32
    %mul3A_14 = vector.broadcast %mul3A_13 : f32 to vector<128x16x32xf32>
    %mul3A_15 = arith.mulf %add3A_12, %mul3A_14 : vector<128x16x32xf32>
    %mul3A_16 = arith.constant 0.707106769 : f32
    %mul3A_17 = vector.broadcast %mul3A_16 : f32 to vector<128x16x32xf32>
    %mul3A_18 = arith.mulf %add3A_12, %mul3A_17 : vector<128x16x32xf32>
    %erf3A = math.erf %mul3A_18 : vector<128x16x32xf32>
    %add3A_19 = arith.constant 1.000000e+00 : f32
    %add3A_20 = vector.broadcast %add3A_19 : f32 to vector<128x16x32xf32>
    %add3A_21 = arith.addf %add3A_20, %erf3A : vector<128x16x32xf32>
    %mul3A_22 = arith.mulf %mul3A_15, %add3A_21 : vector<128x16x32xf32>
    %reshape3A = vector.shape_cast %mul3A_22 : vector<128x16x32xf32> to vector<2048x32xf32>
    %get3A_23 = arith.constant 0 : index
    %get3A_24 = arith.constant 0 : index
    %get3A_25 = vector.load %arg4[%get3A_23, %get3A_24] : memref<32x32xf32, #tpu.memory_space<vmem>>, vector<32x32xf32>
    %dot_general3A = arith.constant dense<0.000000e+00> : vector<2048x32xf32>
    %dot_general3A_26 = tpu.matmul %reshape3A, %get3A_25, %dot_general3A {dimension_numbers = #tpu.dot_dimension_numbers<[1], [0], [0], [1], [0, 0, 1, 1], [], []>, transpose_lhs_hint = false} : vector<2048x32xf32>, vector<32x32xf32>, vector<2048x32xf32> -> vector<2048x32xf32>
    %reshape3A_27 = vector.shape_cast %dot_general3A_26 : vector<2048x32xf32> to vector<128x16x32xf32>
    %swap3A = arith.constant 0 : index
    %swap3A_28 = arith.constant 0 : index
    %swap3A_29 = arith.constant 0 : index
    %swap3A_30 = vector.load %arg5[%swap3A, %swap3A_28, %swap3A_29] : memref<128x16x32xf32, #tpu.memory_space<vmem>>, vector<128x16x32xf32>
    tpu.vector_store %arg5[%swap3A, %swap3A_28, %swap3A_29], %reshape3A_27 {strides = array<i32>} : memref<128x16x32xf32, #tpu.memory_space<vmem>>, vector<128x16x32xf32>,
    %reduce_sum3A = arith.constant dense<0.000000e+00> : vector<16x32xf32>
    %reduce_sum3A_31 = vector.multi_reduction <add>, %reshape3A_27, %reduce_sum3A [0] : vector<128x16x32xf32> to vector<16x32xf32>
    %reduce_sum3A_32 = arith.constant dense<0.000000e+00> : vector<32xf32>
    %reduce_sum3A_33 = vector.multi_reduction <add>, %reduce_sum3A_31, %reduce_sum3A_32 [0] : vector<16x32xf32> to vector<32xf32>
    %mul3A_34 = arith.mulf %reshape3A_27, %reshape3A_27 : vector<128x16x32xf32>
    %reduce_sum3A_35 = arith.constant dense<0.000000e+00> : vector<16x32xf32>
    %reduce_sum3A_36 = vector.multi_reduction <add>, %mul3A_34, %reduce_sum3A_35 [0] : vector<128x16x32xf32> to vector<16x32xf32>
    %reduce_sum3A_37 = arith.constant dense<0.000000e+00> : vector<32xf32>
    %reduce_sum3A_38 = vector.multi_reduction <add>, %reduce_sum3A_36, %reduce_sum3A_37 [0] : vector<16x32xf32> to vector<32xf32>
    %stack3A = vector.shape_cast %reduce_sum3A_33 : vector<32xf32> to vector<1x32xf32>
    %stack3A_39 = vector.shape_cast %reduce_sum3A_38 : vector<32xf32> to vector<1x32xf32>
    %stack3A_40 = tpu.concatenate %stack3A, %stack3A_39 in 0 : vector<1x32xf32>, vector<1x32xf32> -> vector<2x32xf32>
    %eq3A = arith.constant 0 : i32
    %eq3A_41 = arith.cmpi eq, %arg0, %eq3A : i32
    %convert_element_type3A = arith.extui %eq3A_41 : i1 to i32
    %cond3A = arith.constant 0 : i32
    %cond3A_42 = arith.cmpi ne, %convert_element_type3A, %cond3A : i32
    scf.if %cond3A_42 {
      %swap3A_47 = arith.constant 0 : index
      %swap3A_48 = arith.constant 0 : index
      %swap3A_49 = vector.load %arg6[%swap3A_47, %swap3A_48] : memref<2x32xf32, #tpu.memory_space<vmem>>, vector<2x32xf32>
      tpu.vector_store %arg6[%swap3A_47, %swap3A_48], %stack3A_40 {strides = array<i32>} : memref<2x32xf32, #tpu.memory_space<vmem>>, vector<2x32xf32>,
    } else {
    }
    %gt3A = arith.constant 0 : i32
    %gt3A_43 = arith.cmpi sgt, %arg0, %gt3A : i32
    %convert_element_type3A_44 = arith.extui %gt3A_43 : i1 to i32
    %cond3A_45 = arith.constant 0 : i32
    %cond3A_46 = arith.cmpi ne, %convert_element_type3A_44, %cond3A_45 : i32
    scf.if %cond3A_46 {
      %get3A_47 = arith.constant 0 : index
      %get3A_48 = arith.constant 0 : index
      %get3A_49 = vector.load %arg6[%get3A_47, %get3A_48] : memref<2x32xf32, #tpu.memory_space<vmem>>, vector<2x32xf32>
      %add3A_50 = arith.addf %get3A_49, %stack3A_40 : vector<2x32xf32>
      %swap3A_51 = arith.constant 0 : index
      %swap3A_52 = arith.constant 0 : index
      %swap3A_53 = vector.load %arg6[%swap3A_51, %swap3A_52] : memref<2x32xf32, #tpu.memory_space<vmem>>, vector<2x32xf32>
      tpu.vector_store %arg6[%swap3A_51, %swap3A_52], %add3A_50 {strides = array<i32>} : memref<2x32xf32, #tpu.memory_space<vmem>>, vector<2x32xf32>,
    } else {
    }
    return
  }
  func.func @transform_0(%arg0: i32) -> (i32, i32, i32) {
    %c0_i32 = arith.constant 0 : i32
    %c0_i32_0 = arith.constant 0 : i32
    %c0_i32_1 = arith.constant 0 : i32
    return %arg0, %c0_i32, %c0_i32_0 : i32, i32, i32
  }
  func.func @transform_1(%arg0: i32) -> (i32, i32, i32) {
    %c0_i32 = arith.constant 0 : i32
    %c0_i32_0 = arith.constant 0 : i32
    %c0_i32_1 = arith.constant 0 : i32
    %c0_i32_2 = arith.constant 0 : i32
    return %c0_i32, %c0_i32_0, %c0_i32_1 : i32, i32, i32
  }
  func.func @transform_2(%arg0: i32) -> (i32, i32, i32) {
    %c0_i32 = arith.constant 0 : i32
    %c0_i32_0 = arith.constant 0 : i32
    %c0_i32_1 = arith.constant 0 : i32
    %c0_i32_2 = arith.constant 0 : i32
    return %c0_i32, %c0_i32_0, %c0_i32_1 : i32, i32, i32
  }
  func.func @transform_3(%arg0: i32) -> (i32, i32) {
    %c0_i32 = arith.constant 0 : i32
    %c0_i32_0 = arith.constant 0 : i32
    %c0_i32_1 = arith.constant 0 : i32
    return %c0_i32, %c0_i32_0 : i32, i32
  }
  func.func @transform_4(%arg0: i32) -> (i32, i32, i32) {
    %c0_i32 = arith.constant 0 : i32
    %c0_i32_0 = arith.constant 0 : i32
    %c0_i32_1 = arith.constant 0 : i32
    return %arg0, %c0_i32, %c0_i32_0 : i32, i32, i32
  }
  func.func @transform_5(%arg0: i32) -> (i32, i32) {
    %c0_i32 = arith.constant 0 : i32
    %c0_i32_0 = arith.constant 0 : i32
    %c0_i32_1 = arith.constant 0 : i32
    return %c0_i32, %c0_i32_0 : i32, i32
  }
}

module attributes {stable_mosaic.version = 14 : i64} {
  func.func @_mid_body(%arg0: i32, %arg1: memref<128x16x32xf32, #tpu.memory_space<vmem>>, %arg2: memref<1x1x32xf32, #tpu.memory_space<vmem>>, %arg3: memref<1x1x32xf32, #tpu.memory_space<vmem>>, %arg4: memref<32x64xf32, #tpu.memory_space<vmem>>, %arg5: memref<128x16x64xf32, #tpu.memory_space<vmem>>, %arg6: memref<2x64xf32, #tpu.memory_space<vmem>>) attributes {dimension_semantics = [#tpu.dimension_semantics<arbitrary>], iteration_bounds = array<i64: 32>, scalar_prefetch = 0 : i64, scratch_operands = 0 : i64, tpu.core_type = #tpu.core_type<tc>, window_params = [{transform_indices = @transform_0, window_bounds = array<i64: 128, 16, 32>}, {pipeline_mode = #tpu.pipeline_mode<synchronous>, transform_indices = @transform_1, window_bounds = array<i64: 1, 1, 32>}, {pipeline_mode = #tpu.pipeline_mode<synchronous>, transform_indices = @transform_2, window_bounds = array<i64: 1, 1, 32>}, {pipeline_mode = #tpu.pipeline_mode<synchronous>, transform_indices = @transform_3, window_bounds = array<i64: 32, 64>}, {transform_indices = @transform_4, window_bounds = array<i64: 128, 16, 64>}, {pipeline_mode = #tpu.pipeline_mode<synchronous>, transform_indices = @transform_5, window_bounds = array<i64: 2, 64>}]} {
    %get3A = arith.constant 0 : index
    %get3A_0 = arith.constant 0 : index
    %get3A_1 = arith.constant 0 : index
    %get3A_2 = vector.load %arg1[%get3A, %get3A_0, %get3A_1] : memref<128x16x32xf32, #tpu.memory_space<vmem>>, vector<128x16x32xf32>
    %get3A_3 = arith.constant 0 : index
    %get3A_4 = arith.constant 0 : index
    %get3A_5 = arith.constant 0 : index
    %get3A_6 = vector.load %arg2[%get3A_3, %get3A_4, %get3A_5] : memref<1x1x32xf32, #tpu.memory_space<vmem>>, vector<1x1x32xf32>
    %mul3A = vector.broadcast %get3A_6 : vector<1x1x32xf32> to vector<128x16x32xf32>
    %mul3A_7 = arith.mulf %get3A_2, %mul3A : vector<128x16x32xf32>
    %get3A_8 = arith.constant 0 : index
    %get3A_9 = arith.constant 0 : index
    %get3A_10 = arith.constant 0 : index
    %get3A_11 = vector.load %arg3[%get3A_8, %get3A_9, %get3A_10] : memref<1x1x32xf32, #tpu.memory_space<vmem>>, vector<1x1x32xf32>
    %add3A = vector.broadcast %get3A_11 : vector<1x1x32xf32> to vector<128x16x32xf32>
    %add3A_12 = arith.addf %mul3A_7, %add3A : vector<128x16x32xf32>
    %mul3A_13 = arith.constant 5.000000e-01 : f32
    %mul3A_14 = vector.broadcast %mul3A_13 : f32 to vector<128x16x32xf32>
    %mul3A_15 = arith.mulf %add3A_12, %mul3A_14 : vector<128x16x32xf32>
    %mul3A_16 = arith.constant 0.707106769 : f32
    %mul3A_17 = vector.broadcast %mul3A_16 : f32 to vector<128x16x32xf32>
    %mul3A_18 = arith.mulf %add3A_12, %mul3A_17 : vector<128x16x32xf32>
    %erf3A = math.erf %mul3A_18 : vector<128x16x32xf32>
    %add3A_19 = arith.constant 1.000000e+00 : f32
    %add3A_20 = vector.broadcast %add3A_19 : f32 to vector<128x16x32xf32>
    %add3A_21 = arith.addf %add3A_20, %erf3A : vector<128x16x32xf32>
    %mul3A_22 = arith.mulf %mul3A_15, %add3A_21 : vector<128x16x32xf32>
    %reshape3A = vector.shape_cast %mul3A_22 : vector<128x16x32xf32> to vector<2048x32xf32>
    %get3A_23 = arith.constant 0 : index
    %get3A_24 = arith.constant 0 : index
    %get3A_25 = vector.load %arg4[%get3A_23, %get3A_24] : memref<32x64xf32, #tpu.memory_space<vmem>>, vector<32x64xf32>
    %dot_general3A = arith.constant dense<0.000000e+00> : vector<2048x64xf32>
    %dot_general3A_26 = tpu.matmul %reshape3A, %get3A_25, %dot_general3A {dimension_numbers = #tpu.dot_dimension_numbers<[1], [0], [0], [1], [0, 0, 1, 1], [], []>, transpose_lhs_hint = false} : vector<2048x32xf32>, vector<32x64xf32>, vector<2048x64xf32> -> vector<2048x64xf32>
    %reshape3A_27 = vector.shape_cast %dot_general3A_26 : vector<2048x64xf32> to vector<128x16x64xf32>
    %swap3A = arith.constant 0 : index
    %swap3A_28 = arith.constant 0 : index
    %swap3A_29 = arith.constant 0 : index
    %swap3A_30 = vector.load %arg5[%swap3A, %swap3A_28, %swap3A_29] : memref<128x16x64xf32, #tpu.memory_space<vmem>>, vector<128x16x64xf32>
    tpu.vector_store %arg5[%swap3A, %swap3A_28, %swap3A_29], %reshape3A_27 {strides = array<i32>} : memref<128x16x64xf32, #tpu.memory_space<vmem>>, vector<128x16x64xf32>,
    %reduce_sum3A = arith.constant dense<0.000000e+00> : vector<16x64xf32>
    %reduce_sum3A_31 = vector.multi_reduction <add>, %reshape3A_27, %reduce_sum3A [0] : vector<128x16x64xf32> to vector<16x64xf32>
    %reduce_sum3A_32 = arith.constant dense<0.000000e+00> : vector<64xf32>
    %reduce_sum3A_33 = vector.multi_reduction <add>, %reduce_sum3A_31, %reduce_sum3A_32 [0] : vector<16x64xf32> to vector<64xf32>
    %mul3A_34 = arith.mulf %reshape3A_27, %reshape3A_27 : vector<128x16x64xf32>
    %reduce_sum3A_35 = arith.constant dense<0.000000e+00> : vector<16x64xf32>
    %reduce_sum3A_36 = vector.multi_reduction <add>, %mul3A_34, %reduce_sum3A_35 [0] : vector<128x16x64xf32> to vector<16x64xf32>
    %reduce_sum3A_37 = arith.constant dense<0.000000e+00> : vector<64xf32>
    %reduce_sum3A_38 = vector.multi_reduction <add>, %reduce_sum3A_36, %reduce_sum3A_37 [0] : vector<16x64xf32> to vector<64xf32>
    %stack3A = vector.shape_cast %reduce_sum3A_33 : vector<64xf32> to vector<1x64xf32>
    %stack3A_39 = vector.shape_cast %reduce_sum3A_38 : vector<64xf32> to vector<1x64xf32>
    %stack3A_40 = tpu.concatenate %stack3A, %stack3A_39 in 0 : vector<1x64xf32>, vector<1x64xf32> -> vector<2x64xf32>
    %eq3A = arith.constant 0 : i32
    %eq3A_41 = arith.cmpi eq, %arg0, %eq3A : i32
    %convert_element_type3A = arith.extui %eq3A_41 : i1 to i32
    %cond3A = arith.constant 0 : i32
    %cond3A_42 = arith.cmpi ne, %convert_element_type3A, %cond3A : i32
    scf.if %cond3A_42 {
      %swap3A_47 = arith.constant 0 : index
      %swap3A_48 = arith.constant 0 : index
      %swap3A_49 = vector.load %arg6[%swap3A_47, %swap3A_48] : memref<2x64xf32, #tpu.memory_space<vmem>>, vector<2x64xf32>
      tpu.vector_store %arg6[%swap3A_47, %swap3A_48], %stack3A_40 {strides = array<i32>} : memref<2x64xf32, #tpu.memory_space<vmem>>, vector<2x64xf32>,
    } else {
    }
    %gt3A = arith.constant 0 : i32
    %gt3A_43 = arith.cmpi sgt, %arg0, %gt3A : i32
    %convert_element_type3A_44 = arith.extui %gt3A_43 : i1 to i32
    %cond3A_45 = arith.constant 0 : i32
    %cond3A_46 = arith.cmpi ne, %convert_element_type3A_44, %cond3A_45 : i32
    scf.if %cond3A_46 {
      %get3A_47 = arith.constant 0 : index
      %get3A_48 = arith.constant 0 : index
      %get3A_49 = vector.load %arg6[%get3A_47, %get3A_48] : memref<2x64xf32, #tpu.memory_space<vmem>>, vector<2x64xf32>
      %add3A_50 = arith.addf %get3A_49, %stack3A_40 : vector<2x64xf32>
      %swap3A_51 = arith.constant 0 : index
      %swap3A_52 = arith.constant 0 : index
      %swap3A_53 = vector.load %arg6[%swap3A_51, %swap3A_52] : memref<2x64xf32, #tpu.memory_space<vmem>>, vector<2x64xf32>
      tpu.vector_store %arg6[%swap3A_51, %swap3A_52], %add3A_50 {strides = array<i32>} : memref<2x64xf32, #tpu.memory_space<vmem>>, vector<2x64xf32>,
    } else {
    }
    return
  }
  func.func @transform_0(%arg0: i32) -> (i32, i32, i32) {
    %c0_i32 = arith.constant 0 : i32
    %c0_i32_0 = arith.constant 0 : i32
    %c0_i32_1 = arith.constant 0 : i32
    return %arg0, %c0_i32, %c0_i32_0 : i32, i32, i32
  }
  func.func @transform_1(%arg0: i32) -> (i32, i32, i32) {
    %c0_i32 = arith.constant 0 : i32
    %c0_i32_0 = arith.constant 0 : i32
    %c0_i32_1 = arith.constant 0 : i32
    %c0_i32_2 = arith.constant 0 : i32
    return %c0_i32, %c0_i32_0, %c0_i32_1 : i32, i32, i32
  }
  func.func @transform_2(%arg0: i32) -> (i32, i32, i32) {
    %c0_i32 = arith.constant 0 : i32
    %c0_i32_0 = arith.constant 0 : i32
    %c0_i32_1 = arith.constant 0 : i32
    %c0_i32_2 = arith.constant 0 : i32
    return %c0_i32, %c0_i32_0, %c0_i32_1 : i32, i32, i32
  }
  func.func @transform_3(%arg0: i32) -> (i32, i32) {
    %c0_i32 = arith.constant 0 : i32
    %c0_i32_0 = arith.constant 0 : i32
    %c0_i32_1 = arith.constant 0 : i32
    return %c0_i32, %c0_i32_0 : i32, i32
  }
  func.func @transform_4(%arg0: i32) -> (i32, i32, i32) {
    %c0_i32 = arith.constant 0 : i32
    %c0_i32_0 = arith.constant 0 : i32
    %c0_i32_1 = arith.constant 0 : i32
    return %arg0, %c0_i32, %c0_i32_0 : i32, i32, i32
  }
  func.func @transform_5(%arg0: i32) -> (i32, i32) {
    %c0_i32 = arith.constant 0 : i32
    %c0_i32_0 = arith.constant 0 : i32
    %c0_i32_1 = arith.constant 0 : i32
    return %c0_i32, %c0_i32_0 : i32, i32
  }
}

module attributes {stable_mosaic.version = 14 : i64} {
  func.func @_last_body(%arg0: i32, %arg1: memref<128x16x64xf32, #tpu.memory_space<vmem>>, %arg2: memref<1x1x64xf32, #tpu.memory_space<vmem>>, %arg3: memref<1x1x64xf32, #tpu.memory_space<vmem>>, %arg4: memref<128x64xf32, #tpu.memory_space<vmem>>) attributes {dimension_semantics = [#tpu.dimension_semantics<arbitrary>], iteration_bounds = array<i64: 32>, scalar_prefetch = 0 : i64, scratch_operands = 0 : i64, tpu.core_type = #tpu.core_type<tc>, window_params = [{transform_indices = @transform_0, window_bounds = array<i64: 128, 16, 64>}, {pipeline_mode = #tpu.pipeline_mode<synchronous>, transform_indices = @transform_1, window_bounds = array<i64: 1, 1, 64>}, {pipeline_mode = #tpu.pipeline_mode<synchronous>, transform_indices = @transform_2, window_bounds = array<i64: 1, 1, 64>}, {transform_indices = @transform_3, window_bounds = array<i64: 128, 64>}]} {
    %get3A = arith.constant 0 : index
    %get3A_0 = arith.constant 0 : index
    %get3A_1 = arith.constant 0 : index
    %get3A_2 = vector.load %arg1[%get3A, %get3A_0, %get3A_1] : memref<128x16x64xf32, #tpu.memory_space<vmem>>, vector<128x16x64xf32>
    %get3A_3 = arith.constant 0 : index
    %get3A_4 = arith.constant 0 : index
    %get3A_5 = arith.constant 0 : index
    %get3A_6 = vector.load %arg2[%get3A_3, %get3A_4, %get3A_5] : memref<1x1x64xf32, #tpu.memory_space<vmem>>, vector<1x1x64xf32>
    %mul3A = vector.broadcast %get3A_6 : vector<1x1x64xf32> to vector<128x16x64xf32>
    %mul3A_7 = arith.mulf %get3A_2, %mul3A : vector<128x16x64xf32>
    %get3A_8 = arith.constant 0 : index
    %get3A_9 = arith.constant 0 : index
    %get3A_10 = arith.constant 0 : index
    %get3A_11 = vector.load %arg3[%get3A_8, %get3A_9, %get3A_10] : memref<1x1x64xf32, #tpu.memory_space<vmem>>, vector<1x1x64xf32>
    %add3A = vector.broadcast %get3A_11 : vector<1x1x64xf32> to vector<128x16x64xf32>
    %add3A_12 = arith.addf %mul3A_7, %add3A : vector<128x16x64xf32>
    %mul3A_13 = arith.constant 5.000000e-01 : f32
    %mul3A_14 = vector.broadcast %mul3A_13 : f32 to vector<128x16x64xf32>
    %mul3A_15 = arith.mulf %add3A_12, %mul3A_14 : vector<128x16x64xf32>
    %mul3A_16 = arith.constant 0.707106769 : f32
    %mul3A_17 = vector.broadcast %mul3A_16 : f32 to vector<128x16x64xf32>
    %mul3A_18 = arith.mulf %add3A_12, %mul3A_17 : vector<128x16x64xf32>
    %erf3A = math.erf %mul3A_18 : vector<128x16x64xf32>
    %add3A_19 = arith.constant 1.000000e+00 : f32
    %add3A_20 = vector.broadcast %add3A_19 : f32 to vector<128x16x64xf32>
    %add3A_21 = arith.addf %add3A_20, %erf3A : vector<128x16x64xf32>
    %mul3A_22 = arith.mulf %mul3A_15, %add3A_21 : vector<128x16x64xf32>
    %slice3A = vector.extract_strided_slice %mul3A_22 {offsets = [0, 0, 0], sizes = [128, 1, 64], strides = [1, 1, 1]} : vector<128x16x64xf32> to vector<128x1x64xf32>
    %squeeze3A = vector.shape_cast %slice3A : vector<128x1x64xf32> to vector<128x64xf32>
    %slice3A_23 = vector.extract_strided_slice %mul3A_22 {offsets = [0, 1, 0], sizes = [128, 1, 64], strides = [1, 1, 1]} : vector<128x16x64xf32> to vector<128x1x64xf32>
    %squeeze3A_24 = vector.shape_cast %slice3A_23 : vector<128x1x64xf32> to vector<128x64xf32>
    %max3A = arith.maximumf %squeeze3A, %squeeze3A_24 : vector<128x64xf32>
    %slice3A_25 = vector.extract_strided_slice %mul3A_22 {offsets = [0, 2, 0], sizes = [128, 1, 64], strides = [1, 1, 1]} : vector<128x16x64xf32> to vector<128x1x64xf32>
    %squeeze3A_26 = vector.shape_cast %slice3A_25 : vector<128x1x64xf32> to vector<128x64xf32>
    %max3A_27 = arith.maximumf %max3A, %squeeze3A_26 : vector<128x64xf32>
    %slice3A_28 = vector.extract_strided_slice %mul3A_22 {offsets = [0, 3, 0], sizes = [128, 1, 64], strides = [1, 1, 1]} : vector<128x16x64xf32> to vector<128x1x64xf32>
    %squeeze3A_29 = vector.shape_cast %slice3A_28 : vector<128x1x64xf32> to vector<128x64xf32>
    %max3A_30 = arith.maximumf %max3A_27, %squeeze3A_29 : vector<128x64xf32>
    %slice3A_31 = vector.extract_strided_slice %mul3A_22 {offsets = [0, 4, 0], sizes = [128, 1, 64], strides = [1, 1, 1]} : vector<128x16x64xf32> to vector<128x1x64xf32>
    %squeeze3A_32 = vector.shape_cast %slice3A_31 : vector<128x1x64xf32> to vector<128x64xf32>
    %max3A_33 = arith.maximumf %max3A_30, %squeeze3A_32 : vector<128x64xf32>
    %slice3A_34 = vector.extract_strided_slice %mul3A_22 {offsets = [0, 5, 0], sizes = [128, 1, 64], strides = [1, 1, 1]} : vector<128x16x64xf32> to vector<128x1x64xf32>
    %squeeze3A_35 = vector.shape_cast %slice3A_34 : vector<128x1x64xf32> to vector<128x64xf32>
    %max3A_36 = arith.maximumf %max3A_33, %squeeze3A_35 : vector<128x64xf32>
    %slice3A_37 = vector.extract_strided_slice %mul3A_22 {offsets = [0, 6, 0], sizes = [128, 1, 64], strides = [1, 1, 1]} : vector<128x16x64xf32> to vector<128x1x64xf32>
    %squeeze3A_38 = vector.shape_cast %slice3A_37 : vector<128x1x64xf32> to vector<128x64xf32>
    %max3A_39 = arith.maximumf %max3A_36, %squeeze3A_38 : vector<128x64xf32>
    %slice3A_40 = vector.extract_strided_slice %mul3A_22 {offsets = [0, 7, 0], sizes = [128, 1, 64], strides = [1, 1, 1]} : vector<128x16x64xf32> to vector<128x1x64xf32>
    %squeeze3A_41 = vector.shape_cast %slice3A_40 : vector<128x1x64xf32> to vector<128x64xf32>
    %max3A_42 = arith.maximumf %max3A_39, %squeeze3A_41 : vector<128x64xf32>
    %slice3A_43 = vector.extract_strided_slice %mul3A_22 {offsets = [0, 8, 0], sizes = [128, 1, 64], strides = [1, 1, 1]} : vector<128x16x64xf32> to vector<128x1x64xf32>
    %squeeze3A_44 = vector.shape_cast %slice3A_43 : vector<128x1x64xf32> to vector<128x64xf32>
    %max3A_45 = arith.maximumf %max3A_42, %squeeze3A_44 : vector<128x64xf32>
    %slice3A_46 = vector.extract_strided_slice %mul3A_22 {offsets = [0, 9, 0], sizes = [128, 1, 64], strides = [1, 1, 1]} : vector<128x16x64xf32> to vector<128x1x64xf32>
    %squeeze3A_47 = vector.shape_cast %slice3A_46 : vector<128x1x64xf32> to vector<128x64xf32>
    %max3A_48 = arith.maximumf %max3A_45, %squeeze3A_47 : vector<128x64xf32>
    %slice3A_49 = vector.extract_strided_slice %mul3A_22 {offsets = [0, 10, 0], sizes = [128, 1, 64], strides = [1, 1, 1]} : vector<128x16x64xf32> to vector<128x1x64xf32>
    %squeeze3A_50 = vector.shape_cast %slice3A_49 : vector<128x1x64xf32> to vector<128x64xf32>
    %max3A_51 = arith.maximumf %max3A_48, %squeeze3A_50 : vector<128x64xf32>
    %slice3A_52 = vector.extract_strided_slice %mul3A_22 {offsets = [0, 11, 0], sizes = [128, 1, 64], strides = [1, 1, 1]} : vector<128x16x64xf32> to vector<128x1x64xf32>
    %squeeze3A_53 = vector.shape_cast %slice3A_52 : vector<128x1x64xf32> to vector<128x64xf32>
    %max3A_54 = arith.maximumf %max3A_51, %squeeze3A_53 : vector<128x64xf32>
    %slice3A_55 = vector.extract_strided_slice %mul3A_22 {offsets = [0, 12, 0], sizes = [128, 1, 64], strides = [1, 1, 1]} : vector<128x16x64xf32> to vector<128x1x64xf32>
    %squeeze3A_56 = vector.shape_cast %slice3A_55 : vector<128x1x64xf32> to vector<128x64xf32>
    %max3A_57 = arith.maximumf %max3A_54, %squeeze3A_56 : vector<128x64xf32>
    %slice3A_58 = vector.extract_strided_slice %mul3A_22 {offsets = [0, 13, 0], sizes = [128, 1, 64], strides = [1, 1, 1]} : vector<128x16x64xf32> to vector<128x1x64xf32>
    %squeeze3A_59 = vector.shape_cast %slice3A_58 : vector<128x1x64xf32> to vector<128x64xf32>
    %max3A_60 = arith.maximumf %max3A_57, %squeeze3A_59 : vector<128x64xf32>
    %slice3A_61 = vector.extract_strided_slice %mul3A_22 {offsets = [0, 14, 0], sizes = [128, 1, 64], strides = [1, 1, 1]} : vector<128x16x64xf32> to vector<128x1x64xf32>
    %squeeze3A_62 = vector.shape_cast %slice3A_61 : vector<128x1x64xf32> to vector<128x64xf32>
    %max3A_63 = arith.maximumf %max3A_60, %squeeze3A_62 : vector<128x64xf32>
    %slice3A_64 = vector.extract_strided_slice %mul3A_22 {offsets = [0, 15, 0], sizes = [128, 1, 64], strides = [1, 1, 1]} : vector<128x16x64xf32> to vector<128x1x64xf32>
    %squeeze3A_65 = vector.shape_cast %slice3A_64 : vector<128x1x64xf32> to vector<128x64xf32>
    %max3A_66 = arith.maximumf %max3A_63, %squeeze3A_65 : vector<128x64xf32>
    %swap3A = arith.constant 0 : index
    %swap3A_67 = arith.constant 0 : index
    %swap3A_68 = vector.load %arg4[%swap3A, %swap3A_67] : memref<128x64xf32, #tpu.memory_space<vmem>>, vector<128x64xf32>
    tpu.vector_store %arg4[%swap3A, %swap3A_67], %max3A_66 {strides = array<i32>} : memref<128x64xf32, #tpu.memory_space<vmem>>, vector<128x64xf32>,
    return
  }
  func.func @transform_0(%arg0: i32) -> (i32, i32, i32) {
    %c0_i32 = arith.constant 0 : i32
    %c0_i32_0 = arith.constant 0 : i32
    %c0_i32_1 = arith.constant 0 : i32
    return %arg0, %c0_i32, %c0_i32_0 : i32, i32, i32
  }
  func.func @transform_1(%arg0: i32) -> (i32, i32, i32) {
    %c0_i32 = arith.constant 0 : i32
    %c0_i32_0 = arith.constant 0 : i32
    %c0_i32_1 = arith.constant 0 : i32
    %c0_i32_2 = arith.constant 0 : i32
    return %c0_i32, %c0_i32_0, %c0_i32_1 : i32, i32, i32
  }
  func.func @transform_2(%arg0: i32) -> (i32, i32, i32) {
    %c0_i32 = arith.constant 0 : i32
    %c0_i32_0 = arith.constant 0 : i32
    %c0_i32_1 = arith.constant 0 : i32
    %c0_i32_2 = arith.constant 0 : i32
    return %c0_i32, %c0_i32_0, %c0_i32_1 : i32, i32, i32
  }
  func.func @transform_3(%arg0: i32) -> (i32, i32) {
    %c0_i32 = arith.constant 0 : i32
    %c0_i32_0 = arith.constant 0 : i32
    return %arg0, %c0_i32 : i32, i32
  }
}

module attributes {stable_mosaic.version = 14 : i64} {
  func.func @_l1_body(%arg0: i32, %arg1: memref<64x32x80xf32, #tpu.memory_space<vmem>>, %arg2: memref<64x8xf32, #tpu.memory_space<vmem>>, %arg3: memref<80x64xf32, #tpu.memory_space<vmem>>, %arg4: memref<8x64xf32, #tpu.memory_space<vmem>>, %arg5: memref<64x32x64xf32, #tpu.memory_space<vmem>>, %arg6: memref<2x64xf32, #tpu.memory_space<vmem>>) attributes {dimension_semantics = [#tpu.dimension_semantics<arbitrary>], iteration_bounds = array<i64: 64>, scalar_prefetch = 0 : i64, scratch_operands = 0 : i64, tpu.core_type = #tpu.core_type<tc>, window_params = [{transform_indices = @transform_0, window_bounds = array<i64: 64, 32, 80>}, {transform_indices = @transform_1, window_bounds = array<i64: 64, 8>}, {pipeline_mode = #tpu.pipeline_mode<synchronous>, transform_indices = @transform_2, window_bounds = array<i64: 80, 64>}, {pipeline_mode = #tpu.pipeline_mode<synchronous>, transform_indices = @transform_3, window_bounds = array<i64: 8, 64>}, {transform_indices = @transform_4, window_bounds = array<i64: 64, 32, 64>}, {pipeline_mode = #tpu.pipeline_mode<synchronous>, transform_indices = @transform_5, window_bounds = array<i64: 2, 64>}]} {
    %get3A = arith.constant 0 : index
    %get3A_0 = arith.constant 0 : index
    %get3A_1 = arith.constant 0 : index
    %get3A_2 = vector.load %arg1[%get3A, %get3A_0, %get3A_1] : memref<64x32x80xf32, #tpu.memory_space<vmem>>, vector<64x32x80xf32>
    %reshape3A = vector.shape_cast %get3A_2 : vector<64x32x80xf32> to vector<2048x80xf32>
    %get3A_3 = arith.constant 0 : index
    %get3A_4 = arith.constant 0 : index
    %get3A_5 = vector.load %arg3[%get3A_3, %get3A_4] : memref<80x64xf32, #tpu.memory_space<vmem>>, vector<80x64xf32>
    %dot_general3A = arith.constant dense<0.000000e+00> : vector<2048x64xf32>
    %dot_general3A_6 = tpu.matmul %reshape3A, %get3A_5, %dot_general3A {dimension_numbers = #tpu.dot_dimension_numbers<[1], [0], [0], [1], [0, 0, 1, 1], [], []>, transpose_lhs_hint = false} : vector<2048x80xf32>, vector<80x64xf32>, vector<2048x64xf32> -> vector<2048x64xf32>
    %get3A_7 = arith.constant 0 : index
    %get3A_8 = arith.constant 0 : index
    %get3A_9 = vector.load %arg2[%get3A_7, %get3A_8] : memref<64x8xf32, #tpu.memory_space<vmem>>, vector<64x8xf32>
    %get3A_10 = arith.constant 0 : index
    %get3A_11 = arith.constant 0 : index
    %get3A_12 = vector.load %arg4[%get3A_10, %get3A_11] : memref<8x64xf32, #tpu.memory_space<vmem>>, vector<8x64xf32>
    %dot_general3A_13 = arith.constant dense<0.000000e+00> : vector<64x64xf32>
    %dot_general3A_14 = tpu.matmul %get3A_9, %get3A_12, %dot_general3A_13 {dimension_numbers = #tpu.dot_dimension_numbers<[1], [0], [0], [1], [0, 0, 1, 1], [], []>, transpose_lhs_hint = false} : vector<64x8xf32>, vector<8x64xf32>, vector<64x64xf32> -> vector<64x64xf32>
    %reshape3A_15 = vector.shape_cast %dot_general3A_6 : vector<2048x64xf32> to vector<64x32x64xf32>
    %broadcast_in_dim3A = vector.shape_cast %dot_general3A_14 : vector<64x64xf32> to vector<64x1x64xf32>
    %sub3A = vector.broadcast %broadcast_in_dim3A : vector<64x1x64xf32> to vector<64x32x64xf32>
    %sub3A_16 = arith.subf %reshape3A_15, %sub3A : vector<64x32x64xf32>
    %swap3A = arith.constant 0 : index
    %swap3A_17 = arith.constant 0 : index
    %swap3A_18 = arith.constant 0 : index
    %swap3A_19 = vector.load %arg5[%swap3A, %swap3A_17, %swap3A_18] : memref<64x32x64xf32, #tpu.memory_space<vmem>>, vector<64x32x64xf32>
    tpu.vector_store %arg5[%swap3A, %swap3A_17, %swap3A_18], %sub3A_16 {strides = array<i32>} : memref<64x32x64xf32, #tpu.memory_space<vmem>>, vector<64x32x64xf32>,
    %reduce_sum3A = arith.constant dense<0.000000e+00> : vector<32x64xf32>
    %reduce_sum3A_20 = vector.multi_reduction <add>, %sub3A_16, %reduce_sum3A [0] : vector<64x32x64xf32> to vector<32x64xf32>
    %reduce_sum3A_21 = arith.constant dense<0.000000e+00> : vector<64xf32>
    %reduce_sum3A_22 = vector.multi_reduction <add>, %reduce_sum3A_20, %reduce_sum3A_21 [0] : vector<32x64xf32> to vector<64xf32>
    %mul3A = arith.mulf %sub3A_16, %sub3A_16 : vector<64x32x64xf32>
    %reduce_sum3A_23 = arith.constant dense<0.000000e+00> : vector<32x64xf32>
    %reduce_sum3A_24 = vector.multi_reduction <add>, %mul3A, %reduce_sum3A_23 [0] : vector<64x32x64xf32> to vector<32x64xf32>
    %reduce_sum3A_25 = arith.constant dense<0.000000e+00> : vector<64xf32>
    %reduce_sum3A_26 = vector.multi_reduction <add>, %reduce_sum3A_24, %reduce_sum3A_25 [0] : vector<32x64xf32> to vector<64xf32>
    %stack3A = vector.shape_cast %reduce_sum3A_22 : vector<64xf32> to vector<1x64xf32>
    %stack3A_27 = vector.shape_cast %reduce_sum3A_26 : vector<64xf32> to vector<1x64xf32>
    %stack3A_28 = tpu.concatenate %stack3A, %stack3A_27 in 0 : vector<1x64xf32>, vector<1x64xf32> -> vector<2x64xf32>
    %eq3A = arith.constant 0 : i32
    %eq3A_29 = arith.cmpi eq, %arg0, %eq3A : i32
    %convert_element_type3A = arith.extui %eq3A_29 : i1 to i32
    %cond3A = arith.constant 0 : i32
    %cond3A_30 = arith.cmpi ne, %convert_element_type3A, %cond3A : i32
    scf.if %cond3A_30 {
      %swap3A_35 = arith.constant 0 : index
      %swap3A_36 = arith.constant 0 : index
      %swap3A_37 = vector.load %arg6[%swap3A_35, %swap3A_36] : memref<2x64xf32, #tpu.memory_space<vmem>>, vector<2x64xf32>
      tpu.vector_store %arg6[%swap3A_35, %swap3A_36], %stack3A_28 {strides = array<i32>} : memref<2x64xf32, #tpu.memory_space<vmem>>, vector<2x64xf32>,
    } else {
    }
    %gt3A = arith.constant 0 : i32
    %gt3A_31 = arith.cmpi sgt, %arg0, %gt3A : i32
    %convert_element_type3A_32 = arith.extui %gt3A_31 : i1 to i32
    %cond3A_33 = arith.constant 0 : i32
    %cond3A_34 = arith.cmpi ne, %convert_element_type3A_32, %cond3A_33 : i32
    scf.if %cond3A_34 {
      %get3A_35 = arith.constant 0 : index
      %get3A_36 = arith.constant 0 : index
      %get3A_37 = vector.load %arg6[%get3A_35, %get3A_36] : memref<2x64xf32, #tpu.memory_space<vmem>>, vector<2x64xf32>
      %add3A = arith.addf %get3A_37, %stack3A_28 : vector<2x64xf32>
      %swap3A_38 = arith.constant 0 : index
      %swap3A_39 = arith.constant 0 : index
      %swap3A_40 = vector.load %arg6[%swap3A_38, %swap3A_39] : memref<2x64xf32, #tpu.memory_space<vmem>>, vector<2x64xf32>
      tpu.vector_store %arg6[%swap3A_38, %swap3A_39], %add3A {strides = array<i32>} : memref<2x64xf32, #tpu.memory_space<vmem>>, vector<2x64xf32>,
    } else {
    }
    return
  }
  func.func @transform_0(%arg0: i32) -> (i32, i32, i32) {
    %c0_i32 = arith.constant 0 : i32
    %c0_i32_0 = arith.constant 0 : i32
    %c0_i32_1 = arith.constant 0 : i32
    return %arg0, %c0_i32, %c0_i32_0 : i32, i32, i32
  }
  func.func @transform_1(%arg0: i32) -> (i32, i32) {
    %c0_i32 = arith.constant 0 : i32
    %c0_i32_0 = arith.constant 0 : i32
    return %arg0, %c0_i32 : i32, i32
  }
  func.func @transform_2(%arg0: i32) -> (i32, i32) {
    %c0_i32 = arith.constant 0 : i32
    %c0_i32_0 = arith.constant 0 : i32
    %c0_i32_1 = arith.constant 0 : i32
    return %c0_i32, %c0_i32_0 : i32, i32
  }
  func.func @transform_3(%arg0: i32) -> (i32, i32) {
    %c0_i32 = arith.constant 0 : i32
    %c0_i32_0 = arith.constant 0 : i32
    %c0_i32_1 = arith.constant 0 : i32
    return %c0_i32, %c0_i32_0 : i32, i32
  }
  func.func @transform_4(%arg0: i32) -> (i32, i32, i32) {
    %c0_i32 = arith.constant 0 : i32
    %c0_i32_0 = arith.constant 0 : i32
    %c0_i32_1 = arith.constant 0 : i32
    return %arg0, %c0_i32, %c0_i32_0 : i32, i32, i32
  }
  func.func @transform_5(%arg0: i32) -> (i32, i32) {
    %c0_i32 = arith.constant 0 : i32
    %c0_i32_0 = arith.constant 0 : i32
    %c0_i32_1 = arith.constant 0 : i32
    return %c0_i32, %c0_i32_0 : i32, i32
  }
}

module attributes {stable_mosaic.version = 14 : i64} {
  func.func @_mid_body(%arg0: i32, %arg1: memref<64x32x64xf32, #tpu.memory_space<vmem>>, %arg2: memref<1x1x64xf32, #tpu.memory_space<vmem>>, %arg3: memref<1x1x64xf32, #tpu.memory_space<vmem>>, %arg4: memref<64x64xf32, #tpu.memory_space<vmem>>, %arg5: memref<64x32x64xf32, #tpu.memory_space<vmem>>, %arg6: memref<2x64xf32, #tpu.memory_space<vmem>>) attributes {dimension_semantics = [#tpu.dimension_semantics<arbitrary>], iteration_bounds = array<i64: 64>, scalar_prefetch = 0 : i64, scratch_operands = 0 : i64, tpu.core_type = #tpu.core_type<tc>, window_params = [{transform_indices = @transform_0, window_bounds = array<i64: 64, 32, 64>}, {pipeline_mode = #tpu.pipeline_mode<synchronous>, transform_indices = @transform_1, window_bounds = array<i64: 1, 1, 64>}, {pipeline_mode = #tpu.pipeline_mode<synchronous>, transform_indices = @transform_2, window_bounds = array<i64: 1, 1, 64>}, {pipeline_mode = #tpu.pipeline_mode<synchronous>, transform_indices = @transform_3, window_bounds = array<i64: 64, 64>}, {transform_indices = @transform_4, window_bounds = array<i64: 64, 32, 64>}, {pipeline_mode = #tpu.pipeline_mode<synchronous>, transform_indices = @transform_5, window_bounds = array<i64: 2, 64>}]} {
    %get3A = arith.constant 0 : index
    %get3A_0 = arith.constant 0 : index
    %get3A_1 = arith.constant 0 : index
    %get3A_2 = vector.load %arg1[%get3A, %get3A_0, %get3A_1] : memref<64x32x64xf32, #tpu.memory_space<vmem>>, vector<64x32x64xf32>
    %get3A_3 = arith.constant 0 : index
    %get3A_4 = arith.constant 0 : index
    %get3A_5 = arith.constant 0 : index
    %get3A_6 = vector.load %arg2[%get3A_3, %get3A_4, %get3A_5] : memref<1x1x64xf32, #tpu.memory_space<vmem>>, vector<1x1x64xf32>
    %mul3A = vector.broadcast %get3A_6 : vector<1x1x64xf32> to vector<64x32x64xf32>
    %mul3A_7 = arith.mulf %get3A_2, %mul3A : vector<64x32x64xf32>
    %get3A_8 = arith.constant 0 : index
    %get3A_9 = arith.constant 0 : index
    %get3A_10 = arith.constant 0 : index
    %get3A_11 = vector.load %arg3[%get3A_8, %get3A_9, %get3A_10] : memref<1x1x64xf32, #tpu.memory_space<vmem>>, vector<1x1x64xf32>
    %add3A = vector.broadcast %get3A_11 : vector<1x1x64xf32> to vector<64x32x64xf32>
    %add3A_12 = arith.addf %mul3A_7, %add3A : vector<64x32x64xf32>
    %mul3A_13 = arith.constant 5.000000e-01 : f32
    %mul3A_14 = vector.broadcast %mul3A_13 : f32 to vector<64x32x64xf32>
    %mul3A_15 = arith.mulf %add3A_12, %mul3A_14 : vector<64x32x64xf32>
    %mul3A_16 = arith.constant 0.707106769 : f32
    %mul3A_17 = vector.broadcast %mul3A_16 : f32 to vector<64x32x64xf32>
    %mul3A_18 = arith.mulf %add3A_12, %mul3A_17 : vector<64x32x64xf32>
    %erf3A = math.erf %mul3A_18 : vector<64x32x64xf32>
    %add3A_19 = arith.constant 1.000000e+00 : f32
    %add3A_20 = vector.broadcast %add3A_19 : f32 to vector<64x32x64xf32>
    %add3A_21 = arith.addf %add3A_20, %erf3A : vector<64x32x64xf32>
    %mul3A_22 = arith.mulf %mul3A_15, %add3A_21 : vector<64x32x64xf32>
    %reshape3A = vector.shape_cast %mul3A_22 : vector<64x32x64xf32> to vector<2048x64xf32>
    %get3A_23 = arith.constant 0 : index
    %get3A_24 = arith.constant 0 : index
    %get3A_25 = vector.load %arg4[%get3A_23, %get3A_24] : memref<64x64xf32, #tpu.memory_space<vmem>>, vector<64x64xf32>
    %dot_general3A = arith.constant dense<0.000000e+00> : vector<2048x64xf32>
    %dot_general3A_26 = tpu.matmul %reshape3A, %get3A_25, %dot_general3A {dimension_numbers = #tpu.dot_dimension_numbers<[1], [0], [0], [1], [0, 0, 1, 1], [], []>, transpose_lhs_hint = false} : vector<2048x64xf32>, vector<64x64xf32>, vector<2048x64xf32> -> vector<2048x64xf32>
    %reshape3A_27 = vector.shape_cast %dot_general3A_26 : vector<2048x64xf32> to vector<64x32x64xf32>
    %swap3A = arith.constant 0 : index
    %swap3A_28 = arith.constant 0 : index
    %swap3A_29 = arith.constant 0 : index
    %swap3A_30 = vector.load %arg5[%swap3A, %swap3A_28, %swap3A_29] : memref<64x32x64xf32, #tpu.memory_space<vmem>>, vector<64x32x64xf32>
    tpu.vector_store %arg5[%swap3A, %swap3A_28, %swap3A_29], %reshape3A_27 {strides = array<i32>} : memref<64x32x64xf32, #tpu.memory_space<vmem>>, vector<64x32x64xf32>,
    %reduce_sum3A = arith.constant dense<0.000000e+00> : vector<32x64xf32>
    %reduce_sum3A_31 = vector.multi_reduction <add>, %reshape3A_27, %reduce_sum3A [0] : vector<64x32x64xf32> to vector<32x64xf32>
    %reduce_sum3A_32 = arith.constant dense<0.000000e+00> : vector<64xf32>
    %reduce_sum3A_33 = vector.multi_reduction <add>, %reduce_sum3A_31, %reduce_sum3A_32 [0] : vector<32x64xf32> to vector<64xf32>
    %mul3A_34 = arith.mulf %reshape3A_27, %reshape3A_27 : vector<64x32x64xf32>
    %reduce_sum3A_35 = arith.constant dense<0.000000e+00> : vector<32x64xf32>
    %reduce_sum3A_36 = vector.multi_reduction <add>, %mul3A_34, %reduce_sum3A_35 [0] : vector<64x32x64xf32> to vector<32x64xf32>
    %reduce_sum3A_37 = arith.constant dense<0.000000e+00> : vector<64xf32>
    %reduce_sum3A_38 = vector.multi_reduction <add>, %reduce_sum3A_36, %reduce_sum3A_37 [0] : vector<32x64xf32> to vector<64xf32>
    %stack3A = vector.shape_cast %reduce_sum3A_33 : vector<64xf32> to vector<1x64xf32>
    %stack3A_39 = vector.shape_cast %reduce_sum3A_38 : vector<64xf32> to vector<1x64xf32>
    %stack3A_40 = tpu.concatenate %stack3A, %stack3A_39 in 0 : vector<1x64xf32>, vector<1x64xf32> -> vector<2x64xf32>
    %eq3A = arith.constant 0 : i32
    %eq3A_41 = arith.cmpi eq, %arg0, %eq3A : i32
    %convert_element_type3A = arith.extui %eq3A_41 : i1 to i32
    %cond3A = arith.constant 0 : i32
    %cond3A_42 = arith.cmpi ne, %convert_element_type3A, %cond3A : i32
    scf.if %cond3A_42 {
      %swap3A_47 = arith.constant 0 : index
      %swap3A_48 = arith.constant 0 : index
      %swap3A_49 = vector.load %arg6[%swap3A_47, %swap3A_48] : memref<2x64xf32, #tpu.memory_space<vmem>>, vector<2x64xf32>
      tpu.vector_store %arg6[%swap3A_47, %swap3A_48], %stack3A_40 {strides = array<i32>} : memref<2x64xf32, #tpu.memory_space<vmem>>, vector<2x64xf32>,
    } else {
    }
    %gt3A = arith.constant 0 : i32
    %gt3A_43 = arith.cmpi sgt, %arg0, %gt3A : i32
    %convert_element_type3A_44 = arith.extui %gt3A_43 : i1 to i32
    %cond3A_45 = arith.constant 0 : i32
    %cond3A_46 = arith.cmpi ne, %convert_element_type3A_44, %cond3A_45 : i32
    scf.if %cond3A_46 {
      %get3A_47 = arith.constant 0 : index
      %get3A_48 = arith.constant 0 : index
      %get3A_49 = vector.load %arg6[%get3A_47, %get3A_48] : memref<2x64xf32, #tpu.memory_space<vmem>>, vector<2x64xf32>
      %add3A_50 = arith.addf %get3A_49, %stack3A_40 : vector<2x64xf32>
      %swap3A_51 = arith.constant 0 : index
      %swap3A_52 = arith.constant 0 : index
      %swap3A_53 = vector.load %arg6[%swap3A_51, %swap3A_52] : memref<2x64xf32, #tpu.memory_space<vmem>>, vector<2x64xf32>
      tpu.vector_store %arg6[%swap3A_51, %swap3A_52], %add3A_50 {strides = array<i32>} : memref<2x64xf32, #tpu.memory_space<vmem>>, vector<2x64xf32>,
    } else {
    }
    return
  }
  func.func @transform_0(%arg0: i32) -> (i32, i32, i32) {
    %c0_i32 = arith.constant 0 : i32
    %c0_i32_0 = arith.constant 0 : i32
    %c0_i32_1 = arith.constant 0 : i32
    return %arg0, %c0_i32, %c0_i32_0 : i32, i32, i32
  }
  func.func @transform_1(%arg0: i32) -> (i32, i32, i32) {
    %c0_i32 = arith.constant 0 : i32
    %c0_i32_0 = arith.constant 0 : i32
    %c0_i32_1 = arith.constant 0 : i32
    %c0_i32_2 = arith.constant 0 : i32
    return %c0_i32, %c0_i32_0, %c0_i32_1 : i32, i32, i32
  }
  func.func @transform_2(%arg0: i32) -> (i32, i32, i32) {
    %c0_i32 = arith.constant 0 : i32
    %c0_i32_0 = arith.constant 0 : i32
    %c0_i32_1 = arith.constant 0 : i32
    %c0_i32_2 = arith.constant 0 : i32
    return %c0_i32, %c0_i32_0, %c0_i32_1 : i32, i32, i32
  }
  func.func @transform_3(%arg0: i32) -> (i32, i32) {
    %c0_i32 = arith.constant 0 : i32
    %c0_i32_0 = arith.constant 0 : i32
    %c0_i32_1 = arith.constant 0 : i32
    return %c0_i32, %c0_i32_0 : i32, i32
  }
  func.func @transform_4(%arg0: i32) -> (i32, i32, i32) {
    %c0_i32 = arith.constant 0 : i32
    %c0_i32_0 = arith.constant 0 : i32
    %c0_i32_1 = arith.constant 0 : i32
    return %arg0, %c0_i32, %c0_i32_0 : i32, i32, i32
  }
  func.func @transform_5(%arg0: i32) -> (i32, i32) {
    %c0_i32 = arith.constant 0 : i32
    %c0_i32_0 = arith.constant 0 : i32
    %c0_i32_1 = arith.constant 0 : i32
    return %c0_i32, %c0_i32_0 : i32, i32
  }
}

module attributes {stable_mosaic.version = 14 : i64} {
  func.func @_mid_body(%arg0: i32, %arg1: memref<64x32x64xf32, #tpu.memory_space<vmem>>, %arg2: memref<1x1x64xf32, #tpu.memory_space<vmem>>, %arg3: memref<1x1x64xf32, #tpu.memory_space<vmem>>, %arg4: memref<64x128xf32, #tpu.memory_space<vmem>>, %arg5: memref<64x32x128xf32, #tpu.memory_space<vmem>>, %arg6: memref<2x128xf32, #tpu.memory_space<vmem>>) attributes {dimension_semantics = [#tpu.dimension_semantics<arbitrary>], iteration_bounds = array<i64: 64>, scalar_prefetch = 0 : i64, scratch_operands = 0 : i64, tpu.core_type = #tpu.core_type<tc>, window_params = [{transform_indices = @transform_0, window_bounds = array<i64: 64, 32, 64>}, {pipeline_mode = #tpu.pipeline_mode<synchronous>, transform_indices = @transform_1, window_bounds = array<i64: 1, 1, 64>}, {pipeline_mode = #tpu.pipeline_mode<synchronous>, transform_indices = @transform_2, window_bounds = array<i64: 1, 1, 64>}, {pipeline_mode = #tpu.pipeline_mode<synchronous>, transform_indices = @transform_3, window_bounds = array<i64: 64, 128>}, {transform_indices = @transform_4, window_bounds = array<i64: 64, 32, 128>}, {pipeline_mode = #tpu.pipeline_mode<synchronous>, transform_indices = @transform_5, window_bounds = array<i64: 2, 128>}]} {
    %get3A = arith.constant 0 : index
    %get3A_0 = arith.constant 0 : index
    %get3A_1 = arith.constant 0 : index
    %get3A_2 = vector.load %arg1[%get3A, %get3A_0, %get3A_1] : memref<64x32x64xf32, #tpu.memory_space<vmem>>, vector<64x32x64xf32>
    %get3A_3 = arith.constant 0 : index
    %get3A_4 = arith.constant 0 : index
    %get3A_5 = arith.constant 0 : index
    %get3A_6 = vector.load %arg2[%get3A_3, %get3A_4, %get3A_5] : memref<1x1x64xf32, #tpu.memory_space<vmem>>, vector<1x1x64xf32>
    %mul3A = vector.broadcast %get3A_6 : vector<1x1x64xf32> to vector<64x32x64xf32>
    %mul3A_7 = arith.mulf %get3A_2, %mul3A : vector<64x32x64xf32>
    %get3A_8 = arith.constant 0 : index
    %get3A_9 = arith.constant 0 : index
    %get3A_10 = arith.constant 0 : index
    %get3A_11 = vector.load %arg3[%get3A_8, %get3A_9, %get3A_10] : memref<1x1x64xf32, #tpu.memory_space<vmem>>, vector<1x1x64xf32>
    %add3A = vector.broadcast %get3A_11 : vector<1x1x64xf32> to vector<64x32x64xf32>
    %add3A_12 = arith.addf %mul3A_7, %add3A : vector<64x32x64xf32>
    %mul3A_13 = arith.constant 5.000000e-01 : f32
    %mul3A_14 = vector.broadcast %mul3A_13 : f32 to vector<64x32x64xf32>
    %mul3A_15 = arith.mulf %add3A_12, %mul3A_14 : vector<64x32x64xf32>
    %mul3A_16 = arith.constant 0.707106769 : f32
    %mul3A_17 = vector.broadcast %mul3A_16 : f32 to vector<64x32x64xf32>
    %mul3A_18 = arith.mulf %add3A_12, %mul3A_17 : vector<64x32x64xf32>
    %erf3A = math.erf %mul3A_18 : vector<64x32x64xf32>
    %add3A_19 = arith.constant 1.000000e+00 : f32
    %add3A_20 = vector.broadcast %add3A_19 : f32 to vector<64x32x64xf32>
    %add3A_21 = arith.addf %add3A_20, %erf3A : vector<64x32x64xf32>
    %mul3A_22 = arith.mulf %mul3A_15, %add3A_21 : vector<64x32x64xf32>
    %reshape3A = vector.shape_cast %mul3A_22 : vector<64x32x64xf32> to vector<2048x64xf32>
    %get3A_23 = arith.constant 0 : index
    %get3A_24 = arith.constant 0 : index
    %get3A_25 = vector.load %arg4[%get3A_23, %get3A_24] : memref<64x128xf32, #tpu.memory_space<vmem>>, vector<64x128xf32>
    %dot_general3A = arith.constant dense<0.000000e+00> : vector<2048x128xf32>
    %dot_general3A_26 = tpu.matmul %reshape3A, %get3A_25, %dot_general3A {dimension_numbers = #tpu.dot_dimension_numbers<[1], [0], [0], [1], [0, 0, 1, 1], [], []>, transpose_lhs_hint = false} : vector<2048x64xf32>, vector<64x128xf32>, vector<2048x128xf32> -> vector<2048x128xf32>
    %reshape3A_27 = vector.shape_cast %dot_general3A_26 : vector<2048x128xf32> to vector<64x32x128xf32>
    %swap3A = arith.constant 0 : index
    %swap3A_28 = arith.constant 0 : index
    %swap3A_29 = arith.constant 0 : index
    %swap3A_30 = vector.load %arg5[%swap3A, %swap3A_28, %swap3A_29] : memref<64x32x128xf32, #tpu.memory_space<vmem>>, vector<64x32x128xf32>
    tpu.vector_store %arg5[%swap3A, %swap3A_28, %swap3A_29], %reshape3A_27 {strides = array<i32>} : memref<64x32x128xf32, #tpu.memory_space<vmem>>, vector<64x32x128xf32>,
    %reduce_sum3A = arith.constant dense<0.000000e+00> : vector<32x128xf32>
    %reduce_sum3A_31 = vector.multi_reduction <add>, %reshape3A_27, %reduce_sum3A [0] : vector<64x32x128xf32> to vector<32x128xf32>
    %reduce_sum3A_32 = arith.constant dense<0.000000e+00> : vector<128xf32>
    %reduce_sum3A_33 = vector.multi_reduction <add>, %reduce_sum3A_31, %reduce_sum3A_32 [0] : vector<32x128xf32> to vector<128xf32>
    %mul3A_34 = arith.mulf %reshape3A_27, %reshape3A_27 : vector<64x32x128xf32>
    %reduce_sum3A_35 = arith.constant dense<0.000000e+00> : vector<32x128xf32>
    %reduce_sum3A_36 = vector.multi_reduction <add>, %mul3A_34, %reduce_sum3A_35 [0] : vector<64x32x128xf32> to vector<32x128xf32>
    %reduce_sum3A_37 = arith.constant dense<0.000000e+00> : vector<128xf32>
    %reduce_sum3A_38 = vector.multi_reduction <add>, %reduce_sum3A_36, %reduce_sum3A_37 [0] : vector<32x128xf32> to vector<128xf32>
    %stack3A = vector.shape_cast %reduce_sum3A_33 : vector<128xf32> to vector<1x128xf32>
    %stack3A_39 = vector.shape_cast %reduce_sum3A_38 : vector<128xf32> to vector<1x128xf32>
    %stack3A_40 = tpu.concatenate %stack3A, %stack3A_39 in 0 : vector<1x128xf32>, vector<1x128xf32> -> vector<2x128xf32>
    %eq3A = arith.constant 0 : i32
    %eq3A_41 = arith.cmpi eq, %arg0, %eq3A : i32
    %convert_element_type3A = arith.extui %eq3A_41 : i1 to i32
    %cond3A = arith.constant 0 : i32
    %cond3A_42 = arith.cmpi ne, %convert_element_type3A, %cond3A : i32
    scf.if %cond3A_42 {
      %swap3A_47 = arith.constant 0 : index
      %swap3A_48 = arith.constant 0 : index
      %swap3A_49 = vector.load %arg6[%swap3A_47, %swap3A_48] : memref<2x128xf32, #tpu.memory_space<vmem>>, vector<2x128xf32>
      tpu.vector_store %arg6[%swap3A_47, %swap3A_48], %stack3A_40 {strides = array<i32>} : memref<2x128xf32, #tpu.memory_space<vmem>>, vector<2x128xf32>,
    } else {
    }
    %gt3A = arith.constant 0 : i32
    %gt3A_43 = arith.cmpi sgt, %arg0, %gt3A : i32
    %convert_element_type3A_44 = arith.extui %gt3A_43 : i1 to i32
    %cond3A_45 = arith.constant 0 : i32
    %cond3A_46 = arith.cmpi ne, %convert_element_type3A_44, %cond3A_45 : i32
    scf.if %cond3A_46 {
      %get3A_47 = arith.constant 0 : index
      %get3A_48 = arith.constant 0 : index
      %get3A_49 = vector.load %arg6[%get3A_47, %get3A_48] : memref<2x128xf32, #tpu.memory_space<vmem>>, vector<2x128xf32>
      %add3A_50 = arith.addf %get3A_49, %stack3A_40 : vector<2x128xf32>
      %swap3A_51 = arith.constant 0 : index
      %swap3A_52 = arith.constant 0 : index
      %swap3A_53 = vector.load %arg6[%swap3A_51, %swap3A_52] : memref<2x128xf32, #tpu.memory_space<vmem>>, vector<2x128xf32>
      tpu.vector_store %arg6[%swap3A_51, %swap3A_52], %add3A_50 {strides = array<i32>} : memref<2x128xf32, #tpu.memory_space<vmem>>, vector<2x128xf32>,
    } else {
    }
    return
  }
  func.func @transform_0(%arg0: i32) -> (i32, i32, i32) {
    %c0_i32 = arith.constant 0 : i32
    %c0_i32_0 = arith.constant 0 : i32
    %c0_i32_1 = arith.constant 0 : i32
    return %arg0, %c0_i32, %c0_i32_0 : i32, i32, i32
  }
  func.func @transform_1(%arg0: i32) -> (i32, i32, i32) {
    %c0_i32 = arith.constant 0 : i32
    %c0_i32_0 = arith.constant 0 : i32
    %c0_i32_1 = arith.constant 0 : i32
    %c0_i32_2 = arith.constant 0 : i32
    return %c0_i32, %c0_i32_0, %c0_i32_1 : i32, i32, i32
  }
  func.func @transform_2(%arg0: i32) -> (i32, i32, i32) {
    %c0_i32 = arith.constant 0 : i32
    %c0_i32_0 = arith.constant 0 : i32
    %c0_i32_1 = arith.constant 0 : i32
    %c0_i32_2 = arith.constant 0 : i32
    return %c0_i32, %c0_i32_0, %c0_i32_1 : i32, i32, i32
  }
  func.func @transform_3(%arg0: i32) -> (i32, i32) {
    %c0_i32 = arith.constant 0 : i32
    %c0_i32_0 = arith.constant 0 : i32
    %c0_i32_1 = arith.constant 0 : i32
    return %c0_i32, %c0_i32_0 : i32, i32
  }
  func.func @transform_4(%arg0: i32) -> (i32, i32, i32) {
    %c0_i32 = arith.constant 0 : i32
    %c0_i32_0 = arith.constant 0 : i32
    %c0_i32_1 = arith.constant 0 : i32
    return %arg0, %c0_i32, %c0_i32_0 : i32, i32, i32
  }
  func.func @transform_5(%arg0: i32) -> (i32, i32) {
    %c0_i32 = arith.constant 0 : i32
    %c0_i32_0 = arith.constant 0 : i32
    %c0_i32_1 = arith.constant 0 : i32
    return %c0_i32, %c0_i32_0 : i32, i32
  }
}

module attributes {stable_mosaic.version = 14 : i64} {
  func.func @_last_body(%arg0: i32, %arg1: memref<64x32x128xf32, #tpu.memory_space<vmem>>, %arg2: memref<1x1x128xf32, #tpu.memory_space<vmem>>, %arg3: memref<1x1x128xf32, #tpu.memory_space<vmem>>, %arg4: memref<64x128xf32, #tpu.memory_space<vmem>>) attributes {dimension_semantics = [#tpu.dimension_semantics<arbitrary>], iteration_bounds = array<i64: 64>, scalar_prefetch = 0 : i64, scratch_operands = 0 : i64, tpu.core_type = #tpu.core_type<tc>, window_params = [{transform_indices = @transform_0, window_bounds = array<i64: 64, 32, 128>}, {pipeline_mode = #tpu.pipeline_mode<synchronous>, transform_indices = @transform_1, window_bounds = array<i64: 1, 1, 128>}, {pipeline_mode = #tpu.pipeline_mode<synchronous>, transform_indices = @transform_2, window_bounds = array<i64: 1, 1, 128>}, {transform_indices = @transform_3, window_bounds = array<i64: 64, 128>}]} {
    %get3A = arith.constant 0 : index
    %get3A_0 = arith.constant 0 : index
    %get3A_1 = arith.constant 0 : index
    %get3A_2 = vector.load %arg1[%get3A, %get3A_0, %get3A_1] : memref<64x32x128xf32, #tpu.memory_space<vmem>>, vector<64x32x128xf32>
    %get3A_3 = arith.constant 0 : index
    %get3A_4 = arith.constant 0 : index
    %get3A_5 = arith.constant 0 : index
    %get3A_6 = vector.load %arg2[%get3A_3, %get3A_4, %get3A_5] : memref<1x1x128xf32, #tpu.memory_space<vmem>>, vector<1x1x128xf32>
    %mul3A = vector.broadcast %get3A_6 : vector<1x1x128xf32> to vector<64x32x128xf32>
    %mul3A_7 = arith.mulf %get3A_2, %mul3A : vector<64x32x128xf32>
    %get3A_8 = arith.constant 0 : index
    %get3A_9 = arith.constant 0 : index
    %get3A_10 = arith.constant 0 : index
    %get3A_11 = vector.load %arg3[%get3A_8, %get3A_9, %get3A_10] : memref<1x1x128xf32, #tpu.memory_space<vmem>>, vector<1x1x128xf32>
    %add3A = vector.broadcast %get3A_11 : vector<1x1x128xf32> to vector<64x32x128xf32>
    %add3A_12 = arith.addf %mul3A_7, %add3A : vector<64x32x128xf32>
    %mul3A_13 = arith.constant 5.000000e-01 : f32
    %mul3A_14 = vector.broadcast %mul3A_13 : f32 to vector<64x32x128xf32>
    %mul3A_15 = arith.mulf %add3A_12, %mul3A_14 : vector<64x32x128xf32>
    %mul3A_16 = arith.constant 0.707106769 : f32
    %mul3A_17 = vector.broadcast %mul3A_16 : f32 to vector<64x32x128xf32>
    %mul3A_18 = arith.mulf %add3A_12, %mul3A_17 : vector<64x32x128xf32>
    %erf3A = math.erf %mul3A_18 : vector<64x32x128xf32>
    %add3A_19 = arith.constant 1.000000e+00 : f32
    %add3A_20 = vector.broadcast %add3A_19 : f32 to vector<64x32x128xf32>
    %add3A_21 = arith.addf %add3A_20, %erf3A : vector<64x32x128xf32>
    %mul3A_22 = arith.mulf %mul3A_15, %add3A_21 : vector<64x32x128xf32>
    %slice3A = vector.extract_strided_slice %mul3A_22 {offsets = [0, 0, 0], sizes = [64, 1, 128], strides = [1, 1, 1]} : vector<64x32x128xf32> to vector<64x1x128xf32>
    %squeeze3A = vector.shape_cast %slice3A : vector<64x1x128xf32> to vector<64x128xf32>
    %slice3A_23 = vector.extract_strided_slice %mul3A_22 {offsets = [0, 1, 0], sizes = [64, 1, 128], strides = [1, 1, 1]} : vector<64x32x128xf32> to vector<64x1x128xf32>
    %squeeze3A_24 = vector.shape_cast %slice3A_23 : vector<64x1x128xf32> to vector<64x128xf32>
    %max3A = arith.maximumf %squeeze3A, %squeeze3A_24 : vector<64x128xf32>
    %slice3A_25 = vector.extract_strided_slice %mul3A_22 {offsets = [0, 2, 0], sizes = [64, 1, 128], strides = [1, 1, 1]} : vector<64x32x128xf32> to vector<64x1x128xf32>
    %squeeze3A_26 = vector.shape_cast %slice3A_25 : vector<64x1x128xf32> to vector<64x128xf32>
    %max3A_27 = arith.maximumf %max3A, %squeeze3A_26 : vector<64x128xf32>
    %slice3A_28 = vector.extract_strided_slice %mul3A_22 {offsets = [0, 3, 0], sizes = [64, 1, 128], strides = [1, 1, 1]} : vector<64x32x128xf32> to vector<64x1x128xf32>
    %squeeze3A_29 = vector.shape_cast %slice3A_28 : vector<64x1x128xf32> to vector<64x128xf32>
    %max3A_30 = arith.maximumf %max3A_27, %squeeze3A_29 : vector<64x128xf32>
    %slice3A_31 = vector.extract_strided_slice %mul3A_22 {offsets = [0, 4, 0], sizes = [64, 1, 128], strides = [1, 1, 1]} : vector<64x32x128xf32> to vector<64x1x128xf32>
    %squeeze3A_32 = vector.shape_cast %slice3A_31 : vector<64x1x128xf32> to vector<64x128xf32>
    %max3A_33 = arith.maximumf %max3A_30, %squeeze3A_32 : vector<64x128xf32>
    %slice3A_34 = vector.extract_strided_slice %mul3A_22 {offsets = [0, 5, 0], sizes = [64, 1, 128], strides = [1, 1, 1]} : vector<64x32x128xf32> to vector<64x1x128xf32>
    %squeeze3A_35 = vector.shape_cast %slice3A_34 : vector<64x1x128xf32> to vector<64x128xf32>
    %max3A_36 = arith.maximumf %max3A_33, %squeeze3A_35 : vector<64x128xf32>
    %slice3A_37 = vector.extract_strided_slice %mul3A_22 {offsets = [0, 6, 0], sizes = [64, 1, 128], strides = [1, 1, 1]} : vector<64x32x128xf32> to vector<64x1x128xf32>
    %squeeze3A_38 = vector.shape_cast %slice3A_37 : vector<64x1x128xf32> to vector<64x128xf32>
    %max3A_39 = arith.maximumf %max3A_36, %squeeze3A_38 : vector<64x128xf32>
    %slice3A_40 = vector.extract_strided_slice %mul3A_22 {offsets = [0, 7, 0], sizes = [64, 1, 128], strides = [1, 1, 1]} : vector<64x32x128xf32> to vector<64x1x128xf32>
    %squeeze3A_41 = vector.shape_cast %slice3A_40 : vector<64x1x128xf32> to vector<64x128xf32>
    %max3A_42 = arith.maximumf %max3A_39, %squeeze3A_41 : vector<64x128xf32>
    %slice3A_43 = vector.extract_strided_slice %mul3A_22 {offsets = [0, 8, 0], sizes = [64, 1, 128], strides = [1, 1, 1]} : vector<64x32x128xf32> to vector<64x1x128xf32>
    %squeeze3A_44 = vector.shape_cast %slice3A_43 : vector<64x1x128xf32> to vector<64x128xf32>
    %max3A_45 = arith.maximumf %max3A_42, %squeeze3A_44 : vector<64x128xf32>
    %slice3A_46 = vector.extract_strided_slice %mul3A_22 {offsets = [0, 9, 0], sizes = [64, 1, 128], strides = [1, 1, 1]} : vector<64x32x128xf32> to vector<64x1x128xf32>
    %squeeze3A_47 = vector.shape_cast %slice3A_46 : vector<64x1x128xf32> to vector<64x128xf32>
    %max3A_48 = arith.maximumf %max3A_45, %squeeze3A_47 : vector<64x128xf32>
    %slice3A_49 = vector.extract_strided_slice %mul3A_22 {offsets = [0, 10, 0], sizes = [64, 1, 128], strides = [1, 1, 1]} : vector<64x32x128xf32> to vector<64x1x128xf32>
    %squeeze3A_50 = vector.shape_cast %slice3A_49 : vector<64x1x128xf32> to vector<64x128xf32>
    %max3A_51 = arith.maximumf %max3A_48, %squeeze3A_50 : vector<64x128xf32>
    %slice3A_52 = vector.extract_strided_slice %mul3A_22 {offsets = [0, 11, 0], sizes = [64, 1, 128], strides = [1, 1, 1]} : vector<64x32x128xf32> to vector<64x1x128xf32>
    %squeeze3A_53 = vector.shape_cast %slice3A_52 : vector<64x1x128xf32> to vector<64x128xf32>
    %max3A_54 = arith.maximumf %max3A_51, %squeeze3A_53 : vector<64x128xf32>
    %slice3A_55 = vector.extract_strided_slice %mul3A_22 {offsets = [0, 12, 0], sizes = [64, 1, 128], strides = [1, 1, 1]} : vector<64x32x128xf32> to vector<64x1x128xf32>
    %squeeze3A_56 = vector.shape_cast %slice3A_55 : vector<64x1x128xf32> to vector<64x128xf32>
    %max3A_57 = arith.maximumf %max3A_54, %squeeze3A_56 : vector<64x128xf32>
    %slice3A_58 = vector.extract_strided_slice %mul3A_22 {offsets = [0, 13, 0], sizes = [64, 1, 128], strides = [1, 1, 1]} : vector<64x32x128xf32> to vector<64x1x128xf32>
    %squeeze3A_59 = vector.shape_cast %slice3A_58 : vector<64x1x128xf32> to vector<64x128xf32>
    %max3A_60 = arith.maximumf %max3A_57, %squeeze3A_59 : vector<64x128xf32>
    %slice3A_61 = vector.extract_strided_slice %mul3A_22 {offsets = [0, 14, 0], sizes = [64, 1, 128], strides = [1, 1, 1]} : vector<64x32x128xf32> to vector<64x1x128xf32>
    %squeeze3A_62 = vector.shape_cast %slice3A_61 : vector<64x1x128xf32> to vector<64x128xf32>
    %max3A_63 = arith.maximumf %max3A_60, %squeeze3A_62 : vector<64x128xf32>
    %slice3A_64 = vector.extract_strided_slice %mul3A_22 {offsets = [0, 15, 0], sizes = [64, 1, 128], strides = [1, 1, 1]} : vector<64x32x128xf32> to vector<64x1x128xf32>
    %squeeze3A_65 = vector.shape_cast %slice3A_64 : vector<64x1x128xf32> to vector<64x128xf32>
    %max3A_66 = arith.maximumf %max3A_63, %squeeze3A_65 : vector<64x128xf32>
    %slice3A_67 = vector.extract_strided_slice %mul3A_22 {offsets = [0, 16, 0], sizes = [64, 1, 128], strides = [1, 1, 1]} : vector<64x32x128xf32> to vector<64x1x128xf32>
    %squeeze3A_68 = vector.shape_cast %slice3A_67 : vector<64x1x128xf32> to vector<64x128xf32>
    %max3A_69 = arith.maximumf %max3A_66, %squeeze3A_68 : vector<64x128xf32>
    %slice3A_70 = vector.extract_strided_slice %mul3A_22 {offsets = [0, 17, 0], sizes = [64, 1, 128], strides = [1, 1, 1]} : vector<64x32x128xf32> to vector<64x1x128xf32>
    %squeeze3A_71 = vector.shape_cast %slice3A_70 : vector<64x1x128xf32> to vector<64x128xf32>
    %max3A_72 = arith.maximumf %max3A_69, %squeeze3A_71 : vector<64x128xf32>
    %slice3A_73 = vector.extract_strided_slice %mul3A_22 {offsets = [0, 18, 0], sizes = [64, 1, 128], strides = [1, 1, 1]} : vector<64x32x128xf32> to vector<64x1x128xf32>
    %squeeze3A_74 = vector.shape_cast %slice3A_73 : vector<64x1x128xf32> to vector<64x128xf32>
    %max3A_75 = arith.maximumf %max3A_72, %squeeze3A_74 : vector<64x128xf32>
    %slice3A_76 = vector.extract_strided_slice %mul3A_22 {offsets = [0, 19, 0], sizes = [64, 1, 128], strides = [1, 1, 1]} : vector<64x32x128xf32> to vector<64x1x128xf32>
    %squeeze3A_77 = vector.shape_cast %slice3A_76 : vector<64x1x128xf32> to vector<64x128xf32>
    %max3A_78 = arith.maximumf %max3A_75, %squeeze3A_77 : vector<64x128xf32>
    %slice3A_79 = vector.extract_strided_slice %mul3A_22 {offsets = [0, 20, 0], sizes = [64, 1, 128], strides = [1, 1, 1]} : vector<64x32x128xf32> to vector<64x1x128xf32>
    %squeeze3A_80 = vector.shape_cast %slice3A_79 : vector<64x1x128xf32> to vector<64x128xf32>
    %max3A_81 = arith.maximumf %max3A_78, %squeeze3A_80 : vector<64x128xf32>
    %slice3A_82 = vector.extract_strided_slice %mul3A_22 {offsets = [0, 21, 0], sizes = [64, 1, 128], strides = [1, 1, 1]} : vector<64x32x128xf32> to vector<64x1x128xf32>
    %squeeze3A_83 = vector.shape_cast %slice3A_82 : vector<64x1x128xf32> to vector<64x128xf32>
    %max3A_84 = arith.maximumf %max3A_81, %squeeze3A_83 : vector<64x128xf32>
    %slice3A_85 = vector.extract_strided_slice %mul3A_22 {offsets = [0, 22, 0], sizes = [64, 1, 128], strides = [1, 1, 1]} : vector<64x32x128xf32> to vector<64x1x128xf32>
    %squeeze3A_86 = vector.shape_cast %slice3A_85 : vector<64x1x128xf32> to vector<64x128xf32>
    %max3A_87 = arith.maximumf %max3A_84, %squeeze3A_86 : vector<64x128xf32>
    %slice3A_88 = vector.extract_strided_slice %mul3A_22 {offsets = [0, 23, 0], sizes = [64, 1, 128], strides = [1, 1, 1]} : vector<64x32x128xf32> to vector<64x1x128xf32>
    %squeeze3A_89 = vector.shape_cast %slice3A_88 : vector<64x1x128xf32> to vector<64x128xf32>
    %max3A_90 = arith.maximumf %max3A_87, %squeeze3A_89 : vector<64x128xf32>
    %slice3A_91 = vector.extract_strided_slice %mul3A_22 {offsets = [0, 24, 0], sizes = [64, 1, 128], strides = [1, 1, 1]} : vector<64x32x128xf32> to vector<64x1x128xf32>
    %squeeze3A_92 = vector.shape_cast %slice3A_91 : vector<64x1x128xf32> to vector<64x128xf32>
    %max3A_93 = arith.maximumf %max3A_90, %squeeze3A_92 : vector<64x128xf32>
    %slice3A_94 = vector.extract_strided_slice %mul3A_22 {offsets = [0, 25, 0], sizes = [64, 1, 128], strides = [1, 1, 1]} : vector<64x32x128xf32> to vector<64x1x128xf32>
    %squeeze3A_95 = vector.shape_cast %slice3A_94 : vector<64x1x128xf32> to vector<64x128xf32>
    %max3A_96 = arith.maximumf %max3A_93, %squeeze3A_95 : vector<64x128xf32>
    %slice3A_97 = vector.extract_strided_slice %mul3A_22 {offsets = [0, 26, 0], sizes = [64, 1, 128], strides = [1, 1, 1]} : vector<64x32x128xf32> to vector<64x1x128xf32>
    %squeeze3A_98 = vector.shape_cast %slice3A_97 : vector<64x1x128xf32> to vector<64x128xf32>
    %max3A_99 = arith.maximumf %max3A_96, %squeeze3A_98 : vector<64x128xf32>
    %slice3A_100 = vector.extract_strided_slice %mul3A_22 {offsets = [0, 27, 0], sizes = [64, 1, 128], strides = [1, 1, 1]} : vector<64x32x128xf32> to vector<64x1x128xf32>
    %squeeze3A_101 = vector.shape_cast %slice3A_100 : vector<64x1x128xf32> to vector<64x128xf32>
    %max3A_102 = arith.maximumf %max3A_99, %squeeze3A_101 : vector<64x128xf32>
    %slice3A_103 = vector.extract_strided_slice %mul3A_22 {offsets = [0, 28, 0], sizes = [64, 1, 128], strides = [1, 1, 1]} : vector<64x32x128xf32> to vector<64x1x128xf32>
    %squeeze3A_104 = vector.shape_cast %slice3A_103 : vector<64x1x128xf32> to vector<64x128xf32>
    %max3A_105 = arith.maximumf %max3A_102, %squeeze3A_104 : vector<64x128xf32>
    %slice3A_106 = vector.extract_strided_slice %mul3A_22 {offsets = [0, 29, 0], sizes = [64, 1, 128], strides = [1, 1, 1]} : vector<64x32x128xf32> to vector<64x1x128xf32>
    %squeeze3A_107 = vector.shape_cast %slice3A_106 : vector<64x1x128xf32> to vector<64x128xf32>
    %max3A_108 = arith.maximumf %max3A_105, %squeeze3A_107 : vector<64x128xf32>
    %slice3A_109 = vector.extract_strided_slice %mul3A_22 {offsets = [0, 30, 0], sizes = [64, 1, 128], strides = [1, 1, 1]} : vector<64x32x128xf32> to vector<64x1x128xf32>
    %squeeze3A_110 = vector.shape_cast %slice3A_109 : vector<64x1x128xf32> to vector<64x128xf32>
    %max3A_111 = arith.maximumf %max3A_108, %squeeze3A_110 : vector<64x128xf32>
    %slice3A_112 = vector.extract_strided_slice %mul3A_22 {offsets = [0, 31, 0], sizes = [64, 1, 128], strides = [1, 1, 1]} : vector<64x32x128xf32> to vector<64x1x128xf32>
    %squeeze3A_113 = vector.shape_cast %slice3A_112 : vector<64x1x128xf32> to vector<64x128xf32>
    %max3A_114 = arith.maximumf %max3A_111, %squeeze3A_113 : vector<64x128xf32>
    %swap3A = arith.constant 0 : index
    %swap3A_115 = arith.constant 0 : index
    %swap3A_116 = vector.load %arg4[%swap3A, %swap3A_115] : memref<64x128xf32, #tpu.memory_space<vmem>>, vector<64x128xf32>
    tpu.vector_store %arg4[%swap3A, %swap3A_115], %max3A_114 {strides = array<i32>} : memref<64x128xf32, #tpu.memory_space<vmem>>, vector<64x128xf32>,
    return
  }
  func.func @transform_0(%arg0: i32) -> (i32, i32, i32) {
    %c0_i32 = arith.constant 0 : i32
    %c0_i32_0 = arith.constant 0 : i32
    %c0_i32_1 = arith.constant 0 : i32
    return %arg0, %c0_i32, %c0_i32_0 : i32, i32, i32
  }
  func.func @transform_1(%arg0: i32) -> (i32, i32, i32) {
    %c0_i32 = arith.constant 0 : i32
    %c0_i32_0 = arith.constant 0 : i32
    %c0_i32_1 = arith.constant 0 : i32
    %c0_i32_2 = arith.constant 0 : i32
    return %c0_i32, %c0_i32_0, %c0_i32_1 : i32, i32, i32
  }
  func.func @transform_2(%arg0: i32) -> (i32, i32, i32) {
    %c0_i32 = arith.constant 0 : i32
    %c0_i32_0 = arith.constant 0 : i32
    %c0_i32_1 = arith.constant 0 : i32
    %c0_i32_2 = arith.constant 0 : i32
    return %c0_i32, %c0_i32_0, %c0_i32_1 : i32, i32, i32
  }
  func.func @transform_3(%arg0: i32) -> (i32, i32) {
    %c0_i32 = arith.constant 0 : i32
    %c0_i32_0 = arith.constant 0 : i32
    return %arg0, %c0_i32 : i32, i32
  }
}

module attributes {stable_mosaic.version = 14 : i64} {
  func.func @_l1_body(%arg0: i32, %arg1: memref<32x64x80xf32, #tpu.memory_space<vmem>>, %arg2: memref<32x8xf32, #tpu.memory_space<vmem>>, %arg3: memref<80x64xf32, #tpu.memory_space<vmem>>, %arg4: memref<8x64xf32, #tpu.memory_space<vmem>>, %arg5: memref<32x64x64xf32, #tpu.memory_space<vmem>>, %arg6: memref<2x64xf32, #tpu.memory_space<vmem>>) attributes {dimension_semantics = [#tpu.dimension_semantics<arbitrary>], iteration_bounds = array<i64: 128>, scalar_prefetch = 0 : i64, scratch_operands = 0 : i64, tpu.core_type = #tpu.core_type<tc>, window_params = [{transform_indices = @transform_0, window_bounds = array<i64: 32, 64, 80>}, {transform_indices = @transform_1, window_bounds = array<i64: 32, 8>}, {pipeline_mode = #tpu.pipeline_mode<synchronous>, transform_indices = @transform_2, window_bounds = array<i64: 80, 64>}, {pipeline_mode = #tpu.pipeline_mode<synchronous>, transform_indices = @transform_3, window_bounds = array<i64: 8, 64>}, {transform_indices = @transform_4, window_bounds = array<i64: 32, 64, 64>}, {pipeline_mode = #tpu.pipeline_mode<synchronous>, transform_indices = @transform_5, window_bounds = array<i64: 2, 64>}]} {
    %get3A = arith.constant 0 : index
    %get3A_0 = arith.constant 0 : index
    %get3A_1 = arith.constant 0 : index
    %get3A_2 = vector.load %arg1[%get3A, %get3A_0, %get3A_1] : memref<32x64x80xf32, #tpu.memory_space<vmem>>, vector<32x64x80xf32>
    %reshape3A = vector.shape_cast %get3A_2 : vector<32x64x80xf32> to vector<2048x80xf32>
    %get3A_3 = arith.constant 0 : index
    %get3A_4 = arith.constant 0 : index
    %get3A_5 = vector.load %arg3[%get3A_3, %get3A_4] : memref<80x64xf32, #tpu.memory_space<vmem>>, vector<80x64xf32>
    %dot_general3A = arith.constant dense<0.000000e+00> : vector<2048x64xf32>
    %dot_general3A_6 = tpu.matmul %reshape3A, %get3A_5, %dot_general3A {dimension_numbers = #tpu.dot_dimension_numbers<[1], [0], [0], [1], [0, 0, 1, 1], [], []>, transpose_lhs_hint = false} : vector<2048x80xf32>, vector<80x64xf32>, vector<2048x64xf32> -> vector<2048x64xf32>
    %get3A_7 = arith.constant 0 : index
    %get3A_8 = arith.constant 0 : index
    %get3A_9 = vector.load %arg2[%get3A_7, %get3A_8] : memref<32x8xf32, #tpu.memory_space<vmem>>, vector<32x8xf32>
    %get3A_10 = arith.constant 0 : index
    %get3A_11 = arith.constant 0 : index
    %get3A_12 = vector.load %arg4[%get3A_10, %get3A_11] : memref<8x64xf32, #tpu.memory_space<vmem>>, vector<8x64xf32>
    %dot_general3A_13 = arith.constant dense<0.000000e+00> : vector<32x64xf32>
    %dot_general3A_14 = tpu.matmul %get3A_9, %get3A_12, %dot_general3A_13 {dimension_numbers = #tpu.dot_dimension_numbers<[1], [0], [0], [1], [0, 0, 1, 1], [], []>, transpose_lhs_hint = false} : vector<32x8xf32>, vector<8x64xf32>, vector<32x64xf32> -> vector<32x64xf32>
    %reshape3A_15 = vector.shape_cast %dot_general3A_6 : vector<2048x64xf32> to vector<32x64x64xf32>
    %broadcast_in_dim3A = vector.shape_cast %dot_general3A_14 : vector<32x64xf32> to vector<32x1x64xf32>
    %sub3A = vector.broadcast %broadcast_in_dim3A : vector<32x1x64xf32> to vector<32x64x64xf32>
    %sub3A_16 = arith.subf %reshape3A_15, %sub3A : vector<32x64x64xf32>
    %swap3A = arith.constant 0 : index
    %swap3A_17 = arith.constant 0 : index
    %swap3A_18 = arith.constant 0 : index
    %swap3A_19 = vector.load %arg5[%swap3A, %swap3A_17, %swap3A_18] : memref<32x64x64xf32, #tpu.memory_space<vmem>>, vector<32x64x64xf32>
    tpu.vector_store %arg5[%swap3A, %swap3A_17, %swap3A_18], %sub3A_16 {strides = array<i32>} : memref<32x64x64xf32, #tpu.memory_space<vmem>>, vector<32x64x64xf32>,
    %reduce_sum3A = arith.constant dense<0.000000e+00> : vector<64x64xf32>
    %reduce_sum3A_20 = vector.multi_reduction <add>, %sub3A_16, %reduce_sum3A [0] : vector<32x64x64xf32> to vector<64x64xf32>
    %reduce_sum3A_21 = arith.constant dense<0.000000e+00> : vector<64xf32>
    %reduce_sum3A_22 = vector.multi_reduction <add>, %reduce_sum3A_20, %reduce_sum3A_21 [0] : vector<64x64xf32> to vector<64xf32>
    %mul3A = arith.mulf %sub3A_16, %sub3A_16 : vector<32x64x64xf32>
    %reduce_sum3A_23 = arith.constant dense<0.000000e+00> : vector<64x64xf32>
    %reduce_sum3A_24 = vector.multi_reduction <add>, %mul3A, %reduce_sum3A_23 [0] : vector<32x64x64xf32> to vector<64x64xf32>
    %reduce_sum3A_25 = arith.constant dense<0.000000e+00> : vector<64xf32>
    %reduce_sum3A_26 = vector.multi_reduction <add>, %reduce_sum3A_24, %reduce_sum3A_25 [0] : vector<64x64xf32> to vector<64xf32>
    %stack3A = vector.shape_cast %reduce_sum3A_22 : vector<64xf32> to vector<1x64xf32>
    %stack3A_27 = vector.shape_cast %reduce_sum3A_26 : vector<64xf32> to vector<1x64xf32>
    %stack3A_28 = tpu.concatenate %stack3A, %stack3A_27 in 0 : vector<1x64xf32>, vector<1x64xf32> -> vector<2x64xf32>
    %eq3A = arith.constant 0 : i32
    %eq3A_29 = arith.cmpi eq, %arg0, %eq3A : i32
    %convert_element_type3A = arith.extui %eq3A_29 : i1 to i32
    %cond3A = arith.constant 0 : i32
    %cond3A_30 = arith.cmpi ne, %convert_element_type3A, %cond3A : i32
    scf.if %cond3A_30 {
      %swap3A_35 = arith.constant 0 : index
      %swap3A_36 = arith.constant 0 : index
      %swap3A_37 = vector.load %arg6[%swap3A_35, %swap3A_36] : memref<2x64xf32, #tpu.memory_space<vmem>>, vector<2x64xf32>
      tpu.vector_store %arg6[%swap3A_35, %swap3A_36], %stack3A_28 {strides = array<i32>} : memref<2x64xf32, #tpu.memory_space<vmem>>, vector<2x64xf32>,
    } else {
    }
    %gt3A = arith.constant 0 : i32
    %gt3A_31 = arith.cmpi sgt, %arg0, %gt3A : i32
    %convert_element_type3A_32 = arith.extui %gt3A_31 : i1 to i32
    %cond3A_33 = arith.constant 0 : i32
    %cond3A_34 = arith.cmpi ne, %convert_element_type3A_32, %cond3A_33 : i32
    scf.if %cond3A_34 {
      %get3A_35 = arith.constant 0 : index
      %get3A_36 = arith.constant 0 : index
      %get3A_37 = vector.load %arg6[%get3A_35, %get3A_36] : memref<2x64xf32, #tpu.memory_space<vmem>>, vector<2x64xf32>
      %add3A = arith.addf %get3A_37, %stack3A_28 : vector<2x64xf32>
      %swap3A_38 = arith.constant 0 : index
      %swap3A_39 = arith.constant 0 : index
      %swap3A_40 = vector.load %arg6[%swap3A_38, %swap3A_39] : memref<2x64xf32, #tpu.memory_space<vmem>>, vector<2x64xf32>
      tpu.vector_store %arg6[%swap3A_38, %swap3A_39], %add3A {strides = array<i32>} : memref<2x64xf32, #tpu.memory_space<vmem>>, vector<2x64xf32>,
    } else {
    }
    return
  }
  func.func @transform_0(%arg0: i32) -> (i32, i32, i32) {
    %c0_i32 = arith.constant 0 : i32
    %c0_i32_0 = arith.constant 0 : i32
    %c0_i32_1 = arith.constant 0 : i32
    return %arg0, %c0_i32, %c0_i32_0 : i32, i32, i32
  }
  func.func @transform_1(%arg0: i32) -> (i32, i32) {
    %c0_i32 = arith.constant 0 : i32
    %c0_i32_0 = arith.constant 0 : i32
    return %arg0, %c0_i32 : i32, i32
  }
  func.func @transform_2(%arg0: i32) -> (i32, i32) {
    %c0_i32 = arith.constant 0 : i32
    %c0_i32_0 = arith.constant 0 : i32
    %c0_i32_1 = arith.constant 0 : i32
    return %c0_i32, %c0_i32_0 : i32, i32
  }
  func.func @transform_3(%arg0: i32) -> (i32, i32) {
    %c0_i32 = arith.constant 0 : i32
    %c0_i32_0 = arith.constant 0 : i32
    %c0_i32_1 = arith.constant 0 : i32
    return %c0_i32, %c0_i32_0 : i32, i32
  }
  func.func @transform_4(%arg0: i32) -> (i32, i32, i32) {
    %c0_i32 = arith.constant 0 : i32
    %c0_i32_0 = arith.constant 0 : i32
    %c0_i32_1 = arith.constant 0 : i32
    return %arg0, %c0_i32, %c0_i32_0 : i32, i32, i32
  }
  func.func @transform_5(%arg0: i32) -> (i32, i32) {
    %c0_i32 = arith.constant 0 : i32
    %c0_i32_0 = arith.constant 0 : i32
    %c0_i32_1 = arith.constant 0 : i32
    return %c0_i32, %c0_i32_0 : i32, i32
  }
}

module attributes {stable_mosaic.version = 14 : i64} {
  func.func @_mid_body(%arg0: i32, %arg1: memref<32x64x64xf32, #tpu.memory_space<vmem>>, %arg2: memref<1x1x64xf32, #tpu.memory_space<vmem>>, %arg3: memref<1x1x64xf32, #tpu.memory_space<vmem>>, %arg4: memref<64x96xf32, #tpu.memory_space<vmem>>, %arg5: memref<32x64x96xf32, #tpu.memory_space<vmem>>, %arg6: memref<2x96xf32, #tpu.memory_space<vmem>>) attributes {dimension_semantics = [#tpu.dimension_semantics<arbitrary>], iteration_bounds = array<i64: 128>, scalar_prefetch = 0 : i64, scratch_operands = 0 : i64, tpu.core_type = #tpu.core_type<tc>, window_params = [{transform_indices = @transform_0, window_bounds = array<i64: 32, 64, 64>}, {pipeline_mode = #tpu.pipeline_mode<synchronous>, transform_indices = @transform_1, window_bounds = array<i64: 1, 1, 64>}, {pipeline_mode = #tpu.pipeline_mode<synchronous>, transform_indices = @transform_2, window_bounds = array<i64: 1, 1, 64>}, {pipeline_mode = #tpu.pipeline_mode<synchronous>, transform_indices = @transform_3, window_bounds = array<i64: 64, 96>}, {transform_indices = @transform_4, window_bounds = array<i64: 32, 64, 96>}, {pipeline_mode = #tpu.pipeline_mode<synchronous>, transform_indices = @transform_5, window_bounds = array<i64: 2, 96>}]} {
    %get3A = arith.constant 0 : index
    %get3A_0 = arith.constant 0 : index
    %get3A_1 = arith.constant 0 : index
    %get3A_2 = vector.load %arg1[%get3A, %get3A_0, %get3A_1] : memref<32x64x64xf32, #tpu.memory_space<vmem>>, vector<32x64x64xf32>
    %get3A_3 = arith.constant 0 : index
    %get3A_4 = arith.constant 0 : index
    %get3A_5 = arith.constant 0 : index
    %get3A_6 = vector.load %arg2[%get3A_3, %get3A_4, %get3A_5] : memref<1x1x64xf32, #tpu.memory_space<vmem>>, vector<1x1x64xf32>
    %mul3A = vector.broadcast %get3A_6 : vector<1x1x64xf32> to vector<32x64x64xf32>
    %mul3A_7 = arith.mulf %get3A_2, %mul3A : vector<32x64x64xf32>
    %get3A_8 = arith.constant 0 : index
    %get3A_9 = arith.constant 0 : index
    %get3A_10 = arith.constant 0 : index
    %get3A_11 = vector.load %arg3[%get3A_8, %get3A_9, %get3A_10] : memref<1x1x64xf32, #tpu.memory_space<vmem>>, vector<1x1x64xf32>
    %add3A = vector.broadcast %get3A_11 : vector<1x1x64xf32> to vector<32x64x64xf32>
    %add3A_12 = arith.addf %mul3A_7, %add3A : vector<32x64x64xf32>
    %mul3A_13 = arith.constant 5.000000e-01 : f32
    %mul3A_14 = vector.broadcast %mul3A_13 : f32 to vector<32x64x64xf32>
    %mul3A_15 = arith.mulf %add3A_12, %mul3A_14 : vector<32x64x64xf32>
    %mul3A_16 = arith.constant 0.707106769 : f32
    %mul3A_17 = vector.broadcast %mul3A_16 : f32 to vector<32x64x64xf32>
    %mul3A_18 = arith.mulf %add3A_12, %mul3A_17 : vector<32x64x64xf32>
    %erf3A = math.erf %mul3A_18 : vector<32x64x64xf32>
    %add3A_19 = arith.constant 1.000000e+00 : f32
    %add3A_20 = vector.broadcast %add3A_19 : f32 to vector<32x64x64xf32>
    %add3A_21 = arith.addf %add3A_20, %erf3A : vector<32x64x64xf32>
    %mul3A_22 = arith.mulf %mul3A_15, %add3A_21 : vector<32x64x64xf32>
    %reshape3A = vector.shape_cast %mul3A_22 : vector<32x64x64xf32> to vector<2048x64xf32>
    %get3A_23 = arith.constant 0 : index
    %get3A_24 = arith.constant 0 : index
    %get3A_25 = vector.load %arg4[%get3A_23, %get3A_24] : memref<64x96xf32, #tpu.memory_space<vmem>>, vector<64x96xf32>
    %dot_general3A = arith.constant dense<0.000000e+00> : vector<2048x96xf32>
    %dot_general3A_26 = tpu.matmul %reshape3A, %get3A_25, %dot_general3A {dimension_numbers = #tpu.dot_dimension_numbers<[1], [0], [0], [1], [0, 0, 1, 1], [], []>, transpose_lhs_hint = false} : vector<2048x64xf32>, vector<64x96xf32>, vector<2048x96xf32> -> vector<2048x96xf32>
    %reshape3A_27 = vector.shape_cast %dot_general3A_26 : vector<2048x96xf32> to vector<32x64x96xf32>
    %swap3A = arith.constant 0 : index
    %swap3A_28 = arith.constant 0 : index
    %swap3A_29 = arith.constant 0 : index
    %swap3A_30 = vector.load %arg5[%swap3A, %swap3A_28, %swap3A_29] : memref<32x64x96xf32, #tpu.memory_space<vmem>>, vector<32x64x96xf32>
    tpu.vector_store %arg5[%swap3A, %swap3A_28, %swap3A_29], %reshape3A_27 {strides = array<i32>} : memref<32x64x96xf32, #tpu.memory_space<vmem>>, vector<32x64x96xf32>,
    %reduce_sum3A = arith.constant dense<0.000000e+00> : vector<64x96xf32>
    %reduce_sum3A_31 = vector.multi_reduction <add>, %reshape3A_27, %reduce_sum3A [0] : vector<32x64x96xf32> to vector<64x96xf32>
    %reduce_sum3A_32 = arith.constant dense<0.000000e+00> : vector<96xf32>
    %reduce_sum3A_33 = vector.multi_reduction <add>, %reduce_sum3A_31, %reduce_sum3A_32 [0] : vector<64x96xf32> to vector<96xf32>
    %mul3A_34 = arith.mulf %reshape3A_27, %reshape3A_27 : vector<32x64x96xf32>
    %reduce_sum3A_35 = arith.constant dense<0.000000e+00> : vector<64x96xf32>
    %reduce_sum3A_36 = vector.multi_reduction <add>, %mul3A_34, %reduce_sum3A_35 [0] : vector<32x64x96xf32> to vector<64x96xf32>
    %reduce_sum3A_37 = arith.constant dense<0.000000e+00> : vector<96xf32>
    %reduce_sum3A_38 = vector.multi_reduction <add>, %reduce_sum3A_36, %reduce_sum3A_37 [0] : vector<64x96xf32> to vector<96xf32>
    %stack3A = vector.shape_cast %reduce_sum3A_33 : vector<96xf32> to vector<1x96xf32>
    %stack3A_39 = vector.shape_cast %reduce_sum3A_38 : vector<96xf32> to vector<1x96xf32>
    %stack3A_40 = tpu.concatenate %stack3A, %stack3A_39 in 0 : vector<1x96xf32>, vector<1x96xf32> -> vector<2x96xf32>
    %eq3A = arith.constant 0 : i32
    %eq3A_41 = arith.cmpi eq, %arg0, %eq3A : i32
    %convert_element_type3A = arith.extui %eq3A_41 : i1 to i32
    %cond3A = arith.constant 0 : i32
    %cond3A_42 = arith.cmpi ne, %convert_element_type3A, %cond3A : i32
    scf.if %cond3A_42 {
      %swap3A_47 = arith.constant 0 : index
      %swap3A_48 = arith.constant 0 : index
      %swap3A_49 = vector.load %arg6[%swap3A_47, %swap3A_48] : memref<2x96xf32, #tpu.memory_space<vmem>>, vector<2x96xf32>
      tpu.vector_store %arg6[%swap3A_47, %swap3A_48], %stack3A_40 {strides = array<i32>} : memref<2x96xf32, #tpu.memory_space<vmem>>, vector<2x96xf32>,
    } else {
    }
    %gt3A = arith.constant 0 : i32
    %gt3A_43 = arith.cmpi sgt, %arg0, %gt3A : i32
    %convert_element_type3A_44 = arith.extui %gt3A_43 : i1 to i32
    %cond3A_45 = arith.constant 0 : i32
    %cond3A_46 = arith.cmpi ne, %convert_element_type3A_44, %cond3A_45 : i32
    scf.if %cond3A_46 {
      %get3A_47 = arith.constant 0 : index
      %get3A_48 = arith.constant 0 : index
      %get3A_49 = vector.load %arg6[%get3A_47, %get3A_48] : memref<2x96xf32, #tpu.memory_space<vmem>>, vector<2x96xf32>
      %add3A_50 = arith.addf %get3A_49, %stack3A_40 : vector<2x96xf32>
      %swap3A_51 = arith.constant 0 : index
      %swap3A_52 = arith.constant 0 : index
      %swap3A_53 = vector.load %arg6[%swap3A_51, %swap3A_52] : memref<2x96xf32, #tpu.memory_space<vmem>>, vector<2x96xf32>
      tpu.vector_store %arg6[%swap3A_51, %swap3A_52], %add3A_50 {strides = array<i32>} : memref<2x96xf32, #tpu.memory_space<vmem>>, vector<2x96xf32>,
    } else {
    }
    return
  }
  func.func @transform_0(%arg0: i32) -> (i32, i32, i32) {
    %c0_i32 = arith.constant 0 : i32
    %c0_i32_0 = arith.constant 0 : i32
    %c0_i32_1 = arith.constant 0 : i32
    return %arg0, %c0_i32, %c0_i32_0 : i32, i32, i32
  }
  func.func @transform_1(%arg0: i32) -> (i32, i32, i32) {
    %c0_i32 = arith.constant 0 : i32
    %c0_i32_0 = arith.constant 0 : i32
    %c0_i32_1 = arith.constant 0 : i32
    %c0_i32_2 = arith.constant 0 : i32
    return %c0_i32, %c0_i32_0, %c0_i32_1 : i32, i32, i32
  }
  func.func @transform_2(%arg0: i32) -> (i32, i32, i32) {
    %c0_i32 = arith.constant 0 : i32
    %c0_i32_0 = arith.constant 0 : i32
    %c0_i32_1 = arith.constant 0 : i32
    %c0_i32_2 = arith.constant 0 : i32
    return %c0_i32, %c0_i32_0, %c0_i32_1 : i32, i32, i32
  }
  func.func @transform_3(%arg0: i32) -> (i32, i32) {
    %c0_i32 = arith.constant 0 : i32
    %c0_i32_0 = arith.constant 0 : i32
    %c0_i32_1 = arith.constant 0 : i32
    return %c0_i32, %c0_i32_0 : i32, i32
  }
  func.func @transform_4(%arg0: i32) -> (i32, i32, i32) {
    %c0_i32 = arith.constant 0 : i32
    %c0_i32_0 = arith.constant 0 : i32
    %c0_i32_1 = arith.constant 0 : i32
    return %arg0, %c0_i32, %c0_i32_0 : i32, i32, i32
  }
  func.func @transform_5(%arg0: i32) -> (i32, i32) {
    %c0_i32 = arith.constant 0 : i32
    %c0_i32_0 = arith.constant 0 : i32
    %c0_i32_1 = arith.constant 0 : i32
    return %c0_i32, %c0_i32_0 : i32, i32
  }
}

module attributes {stable_mosaic.version = 14 : i64} {
  func.func @_mid_body(%arg0: i32, %arg1: memref<32x64x96xf32, #tpu.memory_space<vmem>>, %arg2: memref<1x1x96xf32, #tpu.memory_space<vmem>>, %arg3: memref<1x1x96xf32, #tpu.memory_space<vmem>>, %arg4: memref<96x128xf32, #tpu.memory_space<vmem>>, %arg5: memref<32x64x128xf32, #tpu.memory_space<vmem>>, %arg6: memref<2x128xf32, #tpu.memory_space<vmem>>) attributes {dimension_semantics = [#tpu.dimension_semantics<arbitrary>], iteration_bounds = array<i64: 128>, scalar_prefetch = 0 : i64, scratch_operands = 0 : i64, tpu.core_type = #tpu.core_type<tc>, window_params = [{transform_indices = @transform_0, window_bounds = array<i64: 32, 64, 96>}, {pipeline_mode = #tpu.pipeline_mode<synchronous>, transform_indices = @transform_1, window_bounds = array<i64: 1, 1, 96>}, {pipeline_mode = #tpu.pipeline_mode<synchronous>, transform_indices = @transform_2, window_bounds = array<i64: 1, 1, 96>}, {pipeline_mode = #tpu.pipeline_mode<synchronous>, transform_indices = @transform_3, window_bounds = array<i64: 96, 128>}, {transform_indices = @transform_4, window_bounds = array<i64: 32, 64, 128>}, {pipeline_mode = #tpu.pipeline_mode<synchronous>, transform_indices = @transform_5, window_bounds = array<i64: 2, 128>}]} {
    %get3A = arith.constant 0 : index
    %get3A_0 = arith.constant 0 : index
    %get3A_1 = arith.constant 0 : index
    %get3A_2 = vector.load %arg1[%get3A, %get3A_0, %get3A_1] : memref<32x64x96xf32, #tpu.memory_space<vmem>>, vector<32x64x96xf32>
    %get3A_3 = arith.constant 0 : index
    %get3A_4 = arith.constant 0 : index
    %get3A_5 = arith.constant 0 : index
    %get3A_6 = vector.load %arg2[%get3A_3, %get3A_4, %get3A_5] : memref<1x1x96xf32, #tpu.memory_space<vmem>>, vector<1x1x96xf32>
    %mul3A = vector.broadcast %get3A_6 : vector<1x1x96xf32> to vector<32x64x96xf32>
    %mul3A_7 = arith.mulf %get3A_2, %mul3A : vector<32x64x96xf32>
    %get3A_8 = arith.constant 0 : index
    %get3A_9 = arith.constant 0 : index
    %get3A_10 = arith.constant 0 : index
    %get3A_11 = vector.load %arg3[%get3A_8, %get3A_9, %get3A_10] : memref<1x1x96xf32, #tpu.memory_space<vmem>>, vector<1x1x96xf32>
    %add3A = vector.broadcast %get3A_11 : vector<1x1x96xf32> to vector<32x64x96xf32>
    %add3A_12 = arith.addf %mul3A_7, %add3A : vector<32x64x96xf32>
    %mul3A_13 = arith.constant 5.000000e-01 : f32
    %mul3A_14 = vector.broadcast %mul3A_13 : f32 to vector<32x64x96xf32>
    %mul3A_15 = arith.mulf %add3A_12, %mul3A_14 : vector<32x64x96xf32>
    %mul3A_16 = arith.constant 0.707106769 : f32
    %mul3A_17 = vector.broadcast %mul3A_16 : f32 to vector<32x64x96xf32>
    %mul3A_18 = arith.mulf %add3A_12, %mul3A_17 : vector<32x64x96xf32>
    %erf3A = math.erf %mul3A_18 : vector<32x64x96xf32>
    %add3A_19 = arith.constant 1.000000e+00 : f32
    %add3A_20 = vector.broadcast %add3A_19 : f32 to vector<32x64x96xf32>
    %add3A_21 = arith.addf %add3A_20, %erf3A : vector<32x64x96xf32>
    %mul3A_22 = arith.mulf %mul3A_15, %add3A_21 : vector<32x64x96xf32>
    %reshape3A = vector.shape_cast %mul3A_22 : vector<32x64x96xf32> to vector<2048x96xf32>
    %get3A_23 = arith.constant 0 : index
    %get3A_24 = arith.constant 0 : index
    %get3A_25 = vector.load %arg4[%get3A_23, %get3A_24] : memref<96x128xf32, #tpu.memory_space<vmem>>, vector<96x128xf32>
    %dot_general3A = arith.constant dense<0.000000e+00> : vector<2048x128xf32>
    %dot_general3A_26 = tpu.matmul %reshape3A, %get3A_25, %dot_general3A {dimension_numbers = #tpu.dot_dimension_numbers<[1], [0], [0], [1], [0, 0, 1, 1], [], []>, transpose_lhs_hint = false} : vector<2048x96xf32>, vector<96x128xf32>, vector<2048x128xf32> -> vector<2048x128xf32>
    %reshape3A_27 = vector.shape_cast %dot_general3A_26 : vector<2048x128xf32> to vector<32x64x128xf32>
    %swap3A = arith.constant 0 : index
    %swap3A_28 = arith.constant 0 : index
    %swap3A_29 = arith.constant 0 : index
    %swap3A_30 = vector.load %arg5[%swap3A, %swap3A_28, %swap3A_29] : memref<32x64x128xf32, #tpu.memory_space<vmem>>, vector<32x64x128xf32>
    tpu.vector_store %arg5[%swap3A, %swap3A_28, %swap3A_29], %reshape3A_27 {strides = array<i32>} : memref<32x64x128xf32, #tpu.memory_space<vmem>>, vector<32x64x128xf32>,
    %reduce_sum3A = arith.constant dense<0.000000e+00> : vector<64x128xf32>
    %reduce_sum3A_31 = vector.multi_reduction <add>, %reshape3A_27, %reduce_sum3A [0] : vector<32x64x128xf32> to vector<64x128xf32>
    %reduce_sum3A_32 = arith.constant dense<0.000000e+00> : vector<128xf32>
    %reduce_sum3A_33 = vector.multi_reduction <add>, %reduce_sum3A_31, %reduce_sum3A_32 [0] : vector<64x128xf32> to vector<128xf32>
    %mul3A_34 = arith.mulf %reshape3A_27, %reshape3A_27 : vector<32x64x128xf32>
    %reduce_sum3A_35 = arith.constant dense<0.000000e+00> : vector<64x128xf32>
    %reduce_sum3A_36 = vector.multi_reduction <add>, %mul3A_34, %reduce_sum3A_35 [0] : vector<32x64x128xf32> to vector<64x128xf32>
    %reduce_sum3A_37 = arith.constant dense<0.000000e+00> : vector<128xf32>
    %reduce_sum3A_38 = vector.multi_reduction <add>, %reduce_sum3A_36, %reduce_sum3A_37 [0] : vector<64x128xf32> to vector<128xf32>
    %stack3A = vector.shape_cast %reduce_sum3A_33 : vector<128xf32> to vector<1x128xf32>
    %stack3A_39 = vector.shape_cast %reduce_sum3A_38 : vector<128xf32> to vector<1x128xf32>
    %stack3A_40 = tpu.concatenate %stack3A, %stack3A_39 in 0 : vector<1x128xf32>, vector<1x128xf32> -> vector<2x128xf32>
    %eq3A = arith.constant 0 : i32
    %eq3A_41 = arith.cmpi eq, %arg0, %eq3A : i32
    %convert_element_type3A = arith.extui %eq3A_41 : i1 to i32
    %cond3A = arith.constant 0 : i32
    %cond3A_42 = arith.cmpi ne, %convert_element_type3A, %cond3A : i32
    scf.if %cond3A_42 {
      %swap3A_47 = arith.constant 0 : index
      %swap3A_48 = arith.constant 0 : index
      %swap3A_49 = vector.load %arg6[%swap3A_47, %swap3A_48] : memref<2x128xf32, #tpu.memory_space<vmem>>, vector<2x128xf32>
      tpu.vector_store %arg6[%swap3A_47, %swap3A_48], %stack3A_40 {strides = array<i32>} : memref<2x128xf32, #tpu.memory_space<vmem>>, vector<2x128xf32>,
    } else {
    }
    %gt3A = arith.constant 0 : i32
    %gt3A_43 = arith.cmpi sgt, %arg0, %gt3A : i32
    %convert_element_type3A_44 = arith.extui %gt3A_43 : i1 to i32
    %cond3A_45 = arith.constant 0 : i32
    %cond3A_46 = arith.cmpi ne, %convert_element_type3A_44, %cond3A_45 : i32
    scf.if %cond3A_46 {
      %get3A_47 = arith.constant 0 : index
      %get3A_48 = arith.constant 0 : index
      %get3A_49 = vector.load %arg6[%get3A_47, %get3A_48] : memref<2x128xf32, #tpu.memory_space<vmem>>, vector<2x128xf32>
      %add3A_50 = arith.addf %get3A_49, %stack3A_40 : vector<2x128xf32>
      %swap3A_51 = arith.constant 0 : index
      %swap3A_52 = arith.constant 0 : index
      %swap3A_53 = vector.load %arg6[%swap3A_51, %swap3A_52] : memref<2x128xf32, #tpu.memory_space<vmem>>, vector<2x128xf32>
      tpu.vector_store %arg6[%swap3A_51, %swap3A_52], %add3A_50 {strides = array<i32>} : memref<2x128xf32, #tpu.memory_space<vmem>>, vector<2x128xf32>,
    } else {
    }
    return
  }
  func.func @transform_0(%arg0: i32) -> (i32, i32, i32) {
    %c0_i32 = arith.constant 0 : i32
    %c0_i32_0 = arith.constant 0 : i32
    %c0_i32_1 = arith.constant 0 : i32
    return %arg0, %c0_i32, %c0_i32_0 : i32, i32, i32
  }
  func.func @transform_1(%arg0: i32) -> (i32, i32, i32) {
    %c0_i32 = arith.constant 0 : i32
    %c0_i32_0 = arith.constant 0 : i32
    %c0_i32_1 = arith.constant 0 : i32
    %c0_i32_2 = arith.constant 0 : i32
    return %c0_i32, %c0_i32_0, %c0_i32_1 : i32, i32, i32
  }
  func.func @transform_2(%arg0: i32) -> (i32, i32, i32) {
    %c0_i32 = arith.constant 0 : i32
    %c0_i32_0 = arith.constant 0 : i32
    %c0_i32_1 = arith.constant 0 : i32
    %c0_i32_2 = arith.constant 0 : i32
    return %c0_i32, %c0_i32_0, %c0_i32_1 : i32, i32, i32
  }
  func.func @transform_3(%arg0: i32) -> (i32, i32) {
    %c0_i32 = arith.constant 0 : i32
    %c0_i32_0 = arith.constant 0 : i32
    %c0_i32_1 = arith.constant 0 : i32
    return %c0_i32, %c0_i32_0 : i32, i32
  }
  func.func @transform_4(%arg0: i32) -> (i32, i32, i32) {
    %c0_i32 = arith.constant 0 : i32
    %c0_i32_0 = arith.constant 0 : i32
    %c0_i32_1 = arith.constant 0 : i32
    return %arg0, %c0_i32, %c0_i32_0 : i32, i32, i32
  }
  func.func @transform_5(%arg0: i32) -> (i32, i32) {
    %c0_i32 = arith.constant 0 : i32
    %c0_i32_0 = arith.constant 0 : i32
    %c0_i32_1 = arith.constant 0 : i32
    return %c0_i32, %c0_i32_0 : i32, i32
  }
}

module attributes {stable_mosaic.version = 14 : i64} {
  func.func @_last_body(%arg0: i32, %arg1: memref<32x64x128xf32, #tpu.memory_space<vmem>>, %arg2: memref<1x1x128xf32, #tpu.memory_space<vmem>>, %arg3: memref<1x1x128xf32, #tpu.memory_space<vmem>>, %arg4: memref<32x128xf32, #tpu.memory_space<vmem>>) attributes {dimension_semantics = [#tpu.dimension_semantics<arbitrary>], iteration_bounds = array<i64: 128>, scalar_prefetch = 0 : i64, scratch_operands = 0 : i64, tpu.core_type = #tpu.core_type<tc>, window_params = [{transform_indices = @transform_0, window_bounds = array<i64: 32, 64, 128>}, {pipeline_mode = #tpu.pipeline_mode<synchronous>, transform_indices = @transform_1, window_bounds = array<i64: 1, 1, 128>}, {pipeline_mode = #tpu.pipeline_mode<synchronous>, transform_indices = @transform_2, window_bounds = array<i64: 1, 1, 128>}, {transform_indices = @transform_3, window_bounds = array<i64: 32, 128>}]} {
    %get3A = arith.constant 0 : index
    %get3A_0 = arith.constant 0 : index
    %get3A_1 = arith.constant 0 : index
    %get3A_2 = vector.load %arg1[%get3A, %get3A_0, %get3A_1] : memref<32x64x128xf32, #tpu.memory_space<vmem>>, vector<32x64x128xf32>
    %get3A_3 = arith.constant 0 : index
    %get3A_4 = arith.constant 0 : index
    %get3A_5 = arith.constant 0 : index
    %get3A_6 = vector.load %arg2[%get3A_3, %get3A_4, %get3A_5] : memref<1x1x128xf32, #tpu.memory_space<vmem>>, vector<1x1x128xf32>
    %mul3A = vector.broadcast %get3A_6 : vector<1x1x128xf32> to vector<32x64x128xf32>
    %mul3A_7 = arith.mulf %get3A_2, %mul3A : vector<32x64x128xf32>
    %get3A_8 = arith.constant 0 : index
    %get3A_9 = arith.constant 0 : index
    %get3A_10 = arith.constant 0 : index
    %get3A_11 = vector.load %arg3[%get3A_8, %get3A_9, %get3A_10] : memref<1x1x128xf32, #tpu.memory_space<vmem>>, vector<1x1x128xf32>
    %add3A = vector.broadcast %get3A_11 : vector<1x1x128xf32> to vector<32x64x128xf32>
    %add3A_12 = arith.addf %mul3A_7, %add3A : vector<32x64x128xf32>
    %mul3A_13 = arith.constant 5.000000e-01 : f32
    %mul3A_14 = vector.broadcast %mul3A_13 : f32 to vector<32x64x128xf32>
    %mul3A_15 = arith.mulf %add3A_12, %mul3A_14 : vector<32x64x128xf32>
    %mul3A_16 = arith.constant 0.707106769 : f32
    %mul3A_17 = vector.broadcast %mul3A_16 : f32 to vector<32x64x128xf32>
    %mul3A_18 = arith.mulf %add3A_12, %mul3A_17 : vector<32x64x128xf32>
    %erf3A = math.erf %mul3A_18 : vector<32x64x128xf32>
    %add3A_19 = arith.constant 1.000000e+00 : f32
    %add3A_20 = vector.broadcast %add3A_19 : f32 to vector<32x64x128xf32>
    %add3A_21 = arith.addf %add3A_20, %erf3A : vector<32x64x128xf32>
    %mul3A_22 = arith.mulf %mul3A_15, %add3A_21 : vector<32x64x128xf32>
    %slice3A = vector.extract_strided_slice %mul3A_22 {offsets = [0, 0, 0], sizes = [32, 1, 128], strides = [1, 1, 1]} : vector<32x64x128xf32> to vector<32x1x128xf32>
    %squeeze3A = vector.shape_cast %slice3A : vector<32x1x128xf32> to vector<32x128xf32>
    %slice3A_23 = vector.extract_strided_slice %mul3A_22 {offsets = [0, 1, 0], sizes = [32, 1, 128], strides = [1, 1, 1]} : vector<32x64x128xf32> to vector<32x1x128xf32>
    %squeeze3A_24 = vector.shape_cast %slice3A_23 : vector<32x1x128xf32> to vector<32x128xf32>
    %max3A = arith.maximumf %squeeze3A, %squeeze3A_24 : vector<32x128xf32>
    %slice3A_25 = vector.extract_strided_slice %mul3A_22 {offsets = [0, 2, 0], sizes = [32, 1, 128], strides = [1, 1, 1]} : vector<32x64x128xf32> to vector<32x1x128xf32>
    %squeeze3A_26 = vector.shape_cast %slice3A_25 : vector<32x1x128xf32> to vector<32x128xf32>
    %max3A_27 = arith.maximumf %max3A, %squeeze3A_26 : vector<32x128xf32>
    %slice3A_28 = vector.extract_strided_slice %mul3A_22 {offsets = [0, 3, 0], sizes = [32, 1, 128], strides = [1, 1, 1]} : vector<32x64x128xf32> to vector<32x1x128xf32>
    %squeeze3A_29 = vector.shape_cast %slice3A_28 : vector<32x1x128xf32> to vector<32x128xf32>
    %max3A_30 = arith.maximumf %max3A_27, %squeeze3A_29 : vector<32x128xf32>
    %slice3A_31 = vector.extract_strided_slice %mul3A_22 {offsets = [0, 4, 0], sizes = [32, 1, 128], strides = [1, 1, 1]} : vector<32x64x128xf32> to vector<32x1x128xf32>
    %squeeze3A_32 = vector.shape_cast %slice3A_31 : vector<32x1x128xf32> to vector<32x128xf32>
    %max3A_33 = arith.maximumf %max3A_30, %squeeze3A_32 : vector<32x128xf32>
    %slice3A_34 = vector.extract_strided_slice %mul3A_22 {offsets = [0, 5, 0], sizes = [32, 1, 128], strides = [1, 1, 1]} : vector<32x64x128xf32> to vector<32x1x128xf32>
    %squeeze3A_35 = vector.shape_cast %slice3A_34 : vector<32x1x128xf32> to vector<32x128xf32>
    %max3A_36 = arith.maximumf %max3A_33, %squeeze3A_35 : vector<32x128xf32>
    %slice3A_37 = vector.extract_strided_slice %mul3A_22 {offsets = [0, 6, 0], sizes = [32, 1, 128], strides = [1, 1, 1]} : vector<32x64x128xf32> to vector<32x1x128xf32>
    %squeeze3A_38 = vector.shape_cast %slice3A_37 : vector<32x1x128xf32> to vector<32x128xf32>
    %max3A_39 = arith.maximumf %max3A_36, %squeeze3A_38 : vector<32x128xf32>
    %slice3A_40 = vector.extract_strided_slice %mul3A_22 {offsets = [0, 7, 0], sizes = [32, 1, 128], strides = [1, 1, 1]} : vector<32x64x128xf32> to vector<32x1x128xf32>
    %squeeze3A_41 = vector.shape_cast %slice3A_40 : vector<32x1x128xf32> to vector<32x128xf32>
    %max3A_42 = arith.maximumf %max3A_39, %squeeze3A_41 : vector<32x128xf32>
    %slice3A_43 = vector.extract_strided_slice %mul3A_22 {offsets = [0, 8, 0], sizes = [32, 1, 128], strides = [1, 1, 1]} : vector<32x64x128xf32> to vector<32x1x128xf32>
    %squeeze3A_44 = vector.shape_cast %slice3A_43 : vector<32x1x128xf32> to vector<32x128xf32>
    %max3A_45 = arith.maximumf %max3A_42, %squeeze3A_44 : vector<32x128xf32>
    %slice3A_46 = vector.extract_strided_slice %mul3A_22 {offsets = [0, 9, 0], sizes = [32, 1, 128], strides = [1, 1, 1]} : vector<32x64x128xf32> to vector<32x1x128xf32>
    %squeeze3A_47 = vector.shape_cast %slice3A_46 : vector<32x1x128xf32> to vector<32x128xf32>
    %max3A_48 = arith.maximumf %max3A_45, %squeeze3A_47 : vector<32x128xf32>
    %slice3A_49 = vector.extract_strided_slice %mul3A_22 {offsets = [0, 10, 0], sizes = [32, 1, 128], strides = [1, 1, 1]} : vector<32x64x128xf32> to vector<32x1x128xf32>
    %squeeze3A_50 = vector.shape_cast %slice3A_49 : vector<32x1x128xf32> to vector<32x128xf32>
    %max3A_51 = arith.maximumf %max3A_48, %squeeze3A_50 : vector<32x128xf32>
    %slice3A_52 = vector.extract_strided_slice %mul3A_22 {offsets = [0, 11, 0], sizes = [32, 1, 128], strides = [1, 1, 1]} : vector<32x64x128xf32> to vector<32x1x128xf32>
    %squeeze3A_53 = vector.shape_cast %slice3A_52 : vector<32x1x128xf32> to vector<32x128xf32>
    %max3A_54 = arith.maximumf %max3A_51, %squeeze3A_53 : vector<32x128xf32>
    %slice3A_55 = vector.extract_strided_slice %mul3A_22 {offsets = [0, 12, 0], sizes = [32, 1, 128], strides = [1, 1, 1]} : vector<32x64x128xf32> to vector<32x1x128xf32>
    %squeeze3A_56 = vector.shape_cast %slice3A_55 : vector<32x1x128xf32> to vector<32x128xf32>
    %max3A_57 = arith.maximumf %max3A_54, %squeeze3A_56 : vector<32x128xf32>
    %slice3A_58 = vector.extract_strided_slice %mul3A_22 {offsets = [0, 13, 0], sizes = [32, 1, 128], strides = [1, 1, 1]} : vector<32x64x128xf32> to vector<32x1x128xf32>
    %squeeze3A_59 = vector.shape_cast %slice3A_58 : vector<32x1x128xf32> to vector<32x128xf32>
    %max3A_60 = arith.maximumf %max3A_57, %squeeze3A_59 : vector<32x128xf32>
    %slice3A_61 = vector.extract_strided_slice %mul3A_22 {offsets = [0, 14, 0], sizes = [32, 1, 128], strides = [1, 1, 1]} : vector<32x64x128xf32> to vector<32x1x128xf32>
    %squeeze3A_62 = vector.shape_cast %slice3A_61 : vector<32x1x128xf32> to vector<32x128xf32>
    %max3A_63 = arith.maximumf %max3A_60, %squeeze3A_62 : vector<32x128xf32>
    %slice3A_64 = vector.extract_strided_slice %mul3A_22 {offsets = [0, 15, 0], sizes = [32, 1, 128], strides = [1, 1, 1]} : vector<32x64x128xf32> to vector<32x1x128xf32>
    %squeeze3A_65 = vector.shape_cast %slice3A_64 : vector<32x1x128xf32> to vector<32x128xf32>
    %max3A_66 = arith.maximumf %max3A_63, %squeeze3A_65 : vector<32x128xf32>
    %slice3A_67 = vector.extract_strided_slice %mul3A_22 {offsets = [0, 16, 0], sizes = [32, 1, 128], strides = [1, 1, 1]} : vector<32x64x128xf32> to vector<32x1x128xf32>
    %squeeze3A_68 = vector.shape_cast %slice3A_67 : vector<32x1x128xf32> to vector<32x128xf32>
    %max3A_69 = arith.maximumf %max3A_66, %squeeze3A_68 : vector<32x128xf32>
    %slice3A_70 = vector.extract_strided_slice %mul3A_22 {offsets = [0, 17, 0], sizes = [32, 1, 128], strides = [1, 1, 1]} : vector<32x64x128xf32> to vector<32x1x128xf32>
    %squeeze3A_71 = vector.shape_cast %slice3A_70 : vector<32x1x128xf32> to vector<32x128xf32>
    %max3A_72 = arith.maximumf %max3A_69, %squeeze3A_71 : vector<32x128xf32>
    %slice3A_73 = vector.extract_strided_slice %mul3A_22 {offsets = [0, 18, 0], sizes = [32, 1, 128], strides = [1, 1, 1]} : vector<32x64x128xf32> to vector<32x1x128xf32>
    %squeeze3A_74 = vector.shape_cast %slice3A_73 : vector<32x1x128xf32> to vector<32x128xf32>
    %max3A_75 = arith.maximumf %max3A_72, %squeeze3A_74 : vector<32x128xf32>
    %slice3A_76 = vector.extract_strided_slice %mul3A_22 {offsets = [0, 19, 0], sizes = [32, 1, 128], strides = [1, 1, 1]} : vector<32x64x128xf32> to vector<32x1x128xf32>
    %squeeze3A_77 = vector.shape_cast %slice3A_76 : vector<32x1x128xf32> to vector<32x128xf32>
    %max3A_78 = arith.maximumf %max3A_75, %squeeze3A_77 : vector<32x128xf32>
    %slice3A_79 = vector.extract_strided_slice %mul3A_22 {offsets = [0, 20, 0], sizes = [32, 1, 128], strides = [1, 1, 1]} : vector<32x64x128xf32> to vector<32x1x128xf32>
    %squeeze3A_80 = vector.shape_cast %slice3A_79 : vector<32x1x128xf32> to vector<32x128xf32>
    %max3A_81 = arith.maximumf %max3A_78, %squeeze3A_80 : vector<32x128xf32>
    %slice3A_82 = vector.extract_strided_slice %mul3A_22 {offsets = [0, 21, 0], sizes = [32, 1, 128], strides = [1, 1, 1]} : vector<32x64x128xf32> to vector<32x1x128xf32>
    %squeeze3A_83 = vector.shape_cast %slice3A_82 : vector<32x1x128xf32> to vector<32x128xf32>
    %max3A_84 = arith.maximumf %max3A_81, %squeeze3A_83 : vector<32x128xf32>
    %slice3A_85 = vector.extract_strided_slice %mul3A_22 {offsets = [0, 22, 0], sizes = [32, 1, 128], strides = [1, 1, 1]} : vector<32x64x128xf32> to vector<32x1x128xf32>
    %squeeze3A_86 = vector.shape_cast %slice3A_85 : vector<32x1x128xf32> to vector<32x128xf32>
    %max3A_87 = arith.maximumf %max3A_84, %squeeze3A_86 : vector<32x128xf32>
    %slice3A_88 = vector.extract_strided_slice %mul3A_22 {offsets = [0, 23, 0], sizes = [32, 1, 128], strides = [1, 1, 1]} : vector<32x64x128xf32> to vector<32x1x128xf32>
    %squeeze3A_89 = vector.shape_cast %slice3A_88 : vector<32x1x128xf32> to vector<32x128xf32>
    %max3A_90 = arith.maximumf %max3A_87, %squeeze3A_89 : vector<32x128xf32>
    %slice3A_91 = vector.extract_strided_slice %mul3A_22 {offsets = [0, 24, 0], sizes = [32, 1, 128], strides = [1, 1, 1]} : vector<32x64x128xf32> to vector<32x1x128xf32>
    %squeeze3A_92 = vector.shape_cast %slice3A_91 : vector<32x1x128xf32> to vector<32x128xf32>
    %max3A_93 = arith.maximumf %max3A_90, %squeeze3A_92 : vector<32x128xf32>
    %slice3A_94 = vector.extract_strided_slice %mul3A_22 {offsets = [0, 25, 0], sizes = [32, 1, 128], strides = [1, 1, 1]} : vector<32x64x128xf32> to vector<32x1x128xf32>
    %squeeze3A_95 = vector.shape_cast %slice3A_94 : vector<32x1x128xf32> to vector<32x128xf32>
    %max3A_96 = arith.maximumf %max3A_93, %squeeze3A_95 : vector<32x128xf32>
    %slice3A_97 = vector.extract_strided_slice %mul3A_22 {offsets = [0, 26, 0], sizes = [32, 1, 128], strides = [1, 1, 1]} : vector<32x64x128xf32> to vector<32x1x128xf32>
    %squeeze3A_98 = vector.shape_cast %slice3A_97 : vector<32x1x128xf32> to vector<32x128xf32>
    %max3A_99 = arith.maximumf %max3A_96, %squeeze3A_98 : vector<32x128xf32>
    %slice3A_100 = vector.extract_strided_slice %mul3A_22 {offsets = [0, 27, 0], sizes = [32, 1, 128], strides = [1, 1, 1]} : vector<32x64x128xf32> to vector<32x1x128xf32>
    %squeeze3A_101 = vector.shape_cast %slice3A_100 : vector<32x1x128xf32> to vector<32x128xf32>
    %max3A_102 = arith.maximumf %max3A_99, %squeeze3A_101 : vector<32x128xf32>
    %slice3A_103 = vector.extract_strided_slice %mul3A_22 {offsets = [0, 28, 0], sizes = [32, 1, 128], strides = [1, 1, 1]} : vector<32x64x128xf32> to vector<32x1x128xf32>
    %squeeze3A_104 = vector.shape_cast %slice3A_103 : vector<32x1x128xf32> to vector<32x128xf32>
    %max3A_105 = arith.maximumf %max3A_102, %squeeze3A_104 : vector<32x128xf32>
    %slice3A_106 = vector.extract_strided_slice %mul3A_22 {offsets = [0, 29, 0], sizes = [32, 1, 128], strides = [1, 1, 1]} : vector<32x64x128xf32> to vector<32x1x128xf32>
    %squeeze3A_107 = vector.shape_cast %slice3A_106 : vector<32x1x128xf32> to vector<32x128xf32>
    %max3A_108 = arith.maximumf %max3A_105, %squeeze3A_107 : vector<32x128xf32>
    %slice3A_109 = vector.extract_strided_slice %mul3A_22 {offsets = [0, 30, 0], sizes = [32, 1, 128], strides = [1, 1, 1]} : vector<32x64x128xf32> to vector<32x1x128xf32>
    %squeeze3A_110 = vector.shape_cast %slice3A_109 : vector<32x1x128xf32> to vector<32x128xf32>
    %max3A_111 = arith.maximumf %max3A_108, %squeeze3A_110 : vector<32x128xf32>
    %slice3A_112 = vector.extract_strided_slice %mul3A_22 {offsets = [0, 31, 0], sizes = [32, 1, 128], strides = [1, 1, 1]} : vector<32x64x128xf32> to vector<32x1x128xf32>
    %squeeze3A_113 = vector.shape_cast %slice3A_112 : vector<32x1x128xf32> to vector<32x128xf32>
    %max3A_114 = arith.maximumf %max3A_111, %squeeze3A_113 : vector<32x128xf32>
    %slice3A_115 = vector.extract_strided_slice %mul3A_22 {offsets = [0, 32, 0], sizes = [32, 1, 128], strides = [1, 1, 1]} : vector<32x64x128xf32> to vector<32x1x128xf32>
    %squeeze3A_116 = vector.shape_cast %slice3A_115 : vector<32x1x128xf32> to vector<32x128xf32>
    %max3A_117 = arith.maximumf %max3A_114, %squeeze3A_116 : vector<32x128xf32>
    %slice3A_118 = vector.extract_strided_slice %mul3A_22 {offsets = [0, 33, 0], sizes = [32, 1, 128], strides = [1, 1, 1]} : vector<32x64x128xf32> to vector<32x1x128xf32>
    %squeeze3A_119 = vector.shape_cast %slice3A_118 : vector<32x1x128xf32> to vector<32x128xf32>
    %max3A_120 = arith.maximumf %max3A_117, %squeeze3A_119 : vector<32x128xf32>
    %slice3A_121 = vector.extract_strided_slice %mul3A_22 {offsets = [0, 34, 0], sizes = [32, 1, 128], strides = [1, 1, 1]} : vector<32x64x128xf32> to vector<32x1x128xf32>
    %squeeze3A_122 = vector.shape_cast %slice3A_121 : vector<32x1x128xf32> to vector<32x128xf32>
    %max3A_123 = arith.maximumf %max3A_120, %squeeze3A_122 : vector<32x128xf32>
    %slice3A_124 = vector.extract_strided_slice %mul3A_22 {offsets = [0, 35, 0], sizes = [32, 1, 128], strides = [1, 1, 1]} : vector<32x64x128xf32> to vector<32x1x128xf32>
    %squeeze3A_125 = vector.shape_cast %slice3A_124 : vector<32x1x128xf32> to vector<32x128xf32>
    %max3A_126 = arith.maximumf %max3A_123, %squeeze3A_125 : vector<32x128xf32>
    %slice3A_127 = vector.extract_strided_slice %mul3A_22 {offsets = [0, 36, 0], sizes = [32, 1, 128], strides = [1, 1, 1]} : vector<32x64x128xf32> to vector<32x1x128xf32>
    %squeeze3A_128 = vector.shape_cast %slice3A_127 : vector<32x1x128xf32> to vector<32x128xf32>
    %max3A_129 = arith.maximumf %max3A_126, %squeeze3A_128 : vector<32x128xf32>
    %slice3A_130 = vector.extract_strided_slice %mul3A_22 {offsets = [0, 37, 0], sizes = [32, 1, 128], strides = [1, 1, 1]} : vector<32x64x128xf32> to vector<32x1x128xf32>
    %squeeze3A_131 = vector.shape_cast %slice3A_130 : vector<32x1x128xf32> to vector<32x128xf32>
    %max3A_132 = arith.maximumf %max3A_129, %squeeze3A_131 : vector<32x128xf32>
    %slice3A_133 = vector.extract_strided_slice %mul3A_22 {offsets = [0, 38, 0], sizes = [32, 1, 128], strides = [1, 1, 1]} : vector<32x64x128xf32> to vector<32x1x128xf32>
    %squeeze3A_134 = vector.shape_cast %slice3A_133 : vector<32x1x128xf32> to vector<32x128xf32>
    %max3A_135 = arith.maximumf %max3A_132, %squeeze3A_134 : vector<32x128xf32>
    %slice3A_136 = vector.extract_strided_slice %mul3A_22 {offsets = [0, 39, 0], sizes = [32, 1, 128], strides = [1, 1, 1]} : vector<32x64x128xf32> to vector<32x1x128xf32>
    %squeeze3A_137 = vector.shape_cast %slice3A_136 : vector<32x1x128xf32> to vector<32x128xf32>
    %max3A_138 = arith.maximumf %max3A_135, %squeeze3A_137 : vector<32x128xf32>
    %slice3A_139 = vector.extract_strided_slice %mul3A_22 {offsets = [0, 40, 0], sizes = [32, 1, 128], strides = [1, 1, 1]} : vector<32x64x128xf32> to vector<32x1x128xf32>
    %squeeze3A_140 = vector.shape_cast %slice3A_139 : vector<32x1x128xf32> to vector<32x128xf32>
    %max3A_141 = arith.maximumf %max3A_138, %squeeze3A_140 : vector<32x128xf32>
    %slice3A_142 = vector.extract_strided_slice %mul3A_22 {offsets = [0, 41, 0], sizes = [32, 1, 128], strides = [1, 1, 1]} : vector<32x64x128xf32> to vector<32x1x128xf32>
    %squeeze3A_143 = vector.shape_cast %slice3A_142 : vector<32x1x128xf32> to vector<32x128xf32>
    %max3A_144 = arith.maximumf %max3A_141, %squeeze3A_143 : vector<32x128xf32>
    %slice3A_145 = vector.extract_strided_slice %mul3A_22 {offsets = [0, 42, 0], sizes = [32, 1, 128], strides = [1, 1, 1]} : vector<32x64x128xf32> to vector<32x1x128xf32>
    %squeeze3A_146 = vector.shape_cast %slice3A_145 : vector<32x1x128xf32> to vector<32x128xf32>
    %max3A_147 = arith.maximumf %max3A_144, %squeeze3A_146 : vector<32x128xf32>
    %slice3A_148 = vector.extract_strided_slice %mul3A_22 {offsets = [0, 43, 0], sizes = [32, 1, 128], strides = [1, 1, 1]} : vector<32x64x128xf32> to vector<32x1x128xf32>
    %squeeze3A_149 = vector.shape_cast %slice3A_148 : vector<32x1x128xf32> to vector<32x128xf32>
    %max3A_150 = arith.maximumf %max3A_147, %squeeze3A_149 : vector<32x128xf32>
    %slice3A_151 = vector.extract_strided_slice %mul3A_22 {offsets = [0, 44, 0], sizes = [32, 1, 128], strides = [1, 1, 1]} : vector<32x64x128xf32> to vector<32x1x128xf32>
    %squeeze3A_152 = vector.shape_cast %slice3A_151 : vector<32x1x128xf32> to vector<32x128xf32>
    %max3A_153 = arith.maximumf %max3A_150, %squeeze3A_152 : vector<32x128xf32>
    %slice3A_154 = vector.extract_strided_slice %mul3A_22 {offsets = [0, 45, 0], sizes = [32, 1, 128], strides = [1, 1, 1]} : vector<32x64x128xf32> to vector<32x1x128xf32>
    %squeeze3A_155 = vector.shape_cast %slice3A_154 : vector<32x1x128xf32> to vector<32x128xf32>
    %max3A_156 = arith.maximumf %max3A_153, %squeeze3A_155 : vector<32x128xf32>
    %slice3A_157 = vector.extract_strided_slice %mul3A_22 {offsets = [0, 46, 0], sizes = [32, 1, 128], strides = [1, 1, 1]} : vector<32x64x128xf32> to vector<32x1x128xf32>
    %squeeze3A_158 = vector.shape_cast %slice3A_157 : vector<32x1x128xf32> to vector<32x128xf32>
    %max3A_159 = arith.maximumf %max3A_156, %squeeze3A_158 : vector<32x128xf32>
    %slice3A_160 = vector.extract_strided_slice %mul3A_22 {offsets = [0, 47, 0], sizes = [32, 1, 128], strides = [1, 1, 1]} : vector<32x64x128xf32> to vector<32x1x128xf32>
    %squeeze3A_161 = vector.shape_cast %slice3A_160 : vector<32x1x128xf32> to vector<32x128xf32>
    %max3A_162 = arith.maximumf %max3A_159, %squeeze3A_161 : vector<32x128xf32>
    %slice3A_163 = vector.extract_strided_slice %mul3A_22 {offsets = [0, 48, 0], sizes = [32, 1, 128], strides = [1, 1, 1]} : vector<32x64x128xf32> to vector<32x1x128xf32>
    %squeeze3A_164 = vector.shape_cast %slice3A_163 : vector<32x1x128xf32> to vector<32x128xf32>
    %max3A_165 = arith.maximumf %max3A_162, %squeeze3A_164 : vector<32x128xf32>
    %slice3A_166 = vector.extract_strided_slice %mul3A_22 {offsets = [0, 49, 0], sizes = [32, 1, 128], strides = [1, 1, 1]} : vector<32x64x128xf32> to vector<32x1x128xf32>
    %squeeze3A_167 = vector.shape_cast %slice3A_166 : vector<32x1x128xf32> to vector<32x128xf32>
    %max3A_168 = arith.maximumf %max3A_165, %squeeze3A_167 : vector<32x128xf32>
    %slice3A_169 = vector.extract_strided_slice %mul3A_22 {offsets = [0, 50, 0], sizes = [32, 1, 128], strides = [1, 1, 1]} : vector<32x64x128xf32> to vector<32x1x128xf32>
    %squeeze3A_170 = vector.shape_cast %slice3A_169 : vector<32x1x128xf32> to vector<32x128xf32>
    %max3A_171 = arith.maximumf %max3A_168, %squeeze3A_170 : vector<32x128xf32>
    %slice3A_172 = vector.extract_strided_slice %mul3A_22 {offsets = [0, 51, 0], sizes = [32, 1, 128], strides = [1, 1, 1]} : vector<32x64x128xf32> to vector<32x1x128xf32>
    %squeeze3A_173 = vector.shape_cast %slice3A_172 : vector<32x1x128xf32> to vector<32x128xf32>
    %max3A_174 = arith.maximumf %max3A_171, %squeeze3A_173 : vector<32x128xf32>
    %slice3A_175 = vector.extract_strided_slice %mul3A_22 {offsets = [0, 52, 0], sizes = [32, 1, 128], strides = [1, 1, 1]} : vector<32x64x128xf32> to vector<32x1x128xf32>
    %squeeze3A_176 = vector.shape_cast %slice3A_175 : vector<32x1x128xf32> to vector<32x128xf32>
    %max3A_177 = arith.maximumf %max3A_174, %squeeze3A_176 : vector<32x128xf32>
    %slice3A_178 = vector.extract_strided_slice %mul3A_22 {offsets = [0, 53, 0], sizes = [32, 1, 128], strides = [1, 1, 1]} : vector<32x64x128xf32> to vector<32x1x128xf32>
    %squeeze3A_179 = vector.shape_cast %slice3A_178 : vector<32x1x128xf32> to vector<32x128xf32>
    %max3A_180 = arith.maximumf %max3A_177, %squeeze3A_179 : vector<32x128xf32>
    %slice3A_181 = vector.extract_strided_slice %mul3A_22 {offsets = [0, 54, 0], sizes = [32, 1, 128], strides = [1, 1, 1]} : vector<32x64x128xf32> to vector<32x1x128xf32>
    %squeeze3A_182 = vector.shape_cast %slice3A_181 : vector<32x1x128xf32> to vector<32x128xf32>
    %max3A_183 = arith.maximumf %max3A_180, %squeeze3A_182 : vector<32x128xf32>
    %slice3A_184 = vector.extract_strided_slice %mul3A_22 {offsets = [0, 55, 0], sizes = [32, 1, 128], strides = [1, 1, 1]} : vector<32x64x128xf32> to vector<32x1x128xf32>
    %squeeze3A_185 = vector.shape_cast %slice3A_184 : vector<32x1x128xf32> to vector<32x128xf32>
    %max3A_186 = arith.maximumf %max3A_183, %squeeze3A_185 : vector<32x128xf32>
    %slice3A_187 = vector.extract_strided_slice %mul3A_22 {offsets = [0, 56, 0], sizes = [32, 1, 128], strides = [1, 1, 1]} : vector<32x64x128xf32> to vector<32x1x128xf32>
    %squeeze3A_188 = vector.shape_cast %slice3A_187 : vector<32x1x128xf32> to vector<32x128xf32>
    %max3A_189 = arith.maximumf %max3A_186, %squeeze3A_188 : vector<32x128xf32>
    %slice3A_190 = vector.extract_strided_slice %mul3A_22 {offsets = [0, 57, 0], sizes = [32, 1, 128], strides = [1, 1, 1]} : vector<32x64x128xf32> to vector<32x1x128xf32>
    %squeeze3A_191 = vector.shape_cast %slice3A_190 : vector<32x1x128xf32> to vector<32x128xf32>
    %max3A_192 = arith.maximumf %max3A_189, %squeeze3A_191 : vector<32x128xf32>
    %slice3A_193 = vector.extract_strided_slice %mul3A_22 {offsets = [0, 58, 0], sizes = [32, 1, 128], strides = [1, 1, 1]} : vector<32x64x128xf32> to vector<32x1x128xf32>
    %squeeze3A_194 = vector.shape_cast %slice3A_193 : vector<32x1x128xf32> to vector<32x128xf32>
    %max3A_195 = arith.maximumf %max3A_192, %squeeze3A_194 : vector<32x128xf32>
    %slice3A_196 = vector.extract_strided_slice %mul3A_22 {offsets = [0, 59, 0], sizes = [32, 1, 128], strides = [1, 1, 1]} : vector<32x64x128xf32> to vector<32x1x128xf32>
    %squeeze3A_197 = vector.shape_cast %slice3A_196 : vector<32x1x128xf32> to vector<32x128xf32>
    %max3A_198 = arith.maximumf %max3A_195, %squeeze3A_197 : vector<32x128xf32>
    %slice3A_199 = vector.extract_strided_slice %mul3A_22 {offsets = [0, 60, 0], sizes = [32, 1, 128], strides = [1, 1, 1]} : vector<32x64x128xf32> to vector<32x1x128xf32>
    %squeeze3A_200 = vector.shape_cast %slice3A_199 : vector<32x1x128xf32> to vector<32x128xf32>
    %max3A_201 = arith.maximumf %max3A_198, %squeeze3A_200 : vector<32x128xf32>
    %slice3A_202 = vector.extract_strided_slice %mul3A_22 {offsets = [0, 61, 0], sizes = [32, 1, 128], strides = [1, 1, 1]} : vector<32x64x128xf32> to vector<32x1x128xf32>
    %squeeze3A_203 = vector.shape_cast %slice3A_202 : vector<32x1x128xf32> to vector<32x128xf32>
    %max3A_204 = arith.maximumf %max3A_201, %squeeze3A_203 : vector<32x128xf32>
    %slice3A_205 = vector.extract_strided_slice %mul3A_22 {offsets = [0, 62, 0], sizes = [32, 1, 128], strides = [1, 1, 1]} : vector<32x64x128xf32> to vector<32x1x128xf32>
    %squeeze3A_206 = vector.shape_cast %slice3A_205 : vector<32x1x128xf32> to vector<32x128xf32>
    %max3A_207 = arith.maximumf %max3A_204, %squeeze3A_206 : vector<32x128xf32>
    %slice3A_208 = vector.extract_strided_slice %mul3A_22 {offsets = [0, 63, 0], sizes = [32, 1, 128], strides = [1, 1, 1]} : vector<32x64x128xf32> to vector<32x1x128xf32>
    %squeeze3A_209 = vector.shape_cast %slice3A_208 : vector<32x1x128xf32> to vector<32x128xf32>
    %max3A_210 = arith.maximumf %max3A_207, %squeeze3A_209 : vector<32x128xf32>
    %swap3A = arith.constant 0 : index
    %swap3A_211 = arith.constant 0 : index
    %swap3A_212 = vector.load %arg4[%swap3A, %swap3A_211] : memref<32x128xf32, #tpu.memory_space<vmem>>, vector<32x128xf32>
    tpu.vector_store %arg4[%swap3A, %swap3A_211], %max3A_210 {strides = array<i32>} : memref<32x128xf32, #tpu.memory_space<vmem>>, vector<32x128xf32>,
    return
  }
  func.func @transform_0(%arg0: i32) -> (i32, i32, i32) {
    %c0_i32 = arith.constant 0 : i32
    %c0_i32_0 = arith.constant 0 : i32
    %c0_i32_1 = arith.constant 0 : i32
    return %arg0, %c0_i32, %c0_i32_0 : i32, i32, i32
  }
  func.func @transform_1(%arg0: i32) -> (i32, i32, i32) {
    %c0_i32 = arith.constant 0 : i32
    %c0_i32_0 = arith.constant 0 : i32
    %c0_i32_1 = arith.constant 0 : i32
    %c0_i32_2 = arith.constant 0 : i32
    return %c0_i32, %c0_i32_0, %c0_i32_1 : i32, i32, i32
  }
  func.func @transform_2(%arg0: i32) -> (i32, i32, i32) {
    %c0_i32 = arith.constant 0 : i32
    %c0_i32_0 = arith.constant 0 : i32
    %c0_i32_1 = arith.constant 0 : i32
    %c0_i32_2 = arith.constant 0 : i32
    return %c0_i32, %c0_i32_0, %c0_i32_1 : i32, i32, i32
  }
  func.func @transform_3(%arg0: i32) -> (i32, i32) {
    %c0_i32 = arith.constant 0 : i32
    %c0_i32_0 = arith.constant 0 : i32
    return %arg0, %c0_i32 : i32, i32
  }
}

</mosaic_0001>

<sc_bundles>
// kernel: kernel.16.cloned.1.call-start
scs
__scs_entry_jumppad:
0x0: {  	(pc) =	sbr.rel $0x88, $3  }
0x1: {  	(tag) =	ssettag $0x0;
	lr =	simm.s32 $0x1  }
0x2: {  	[smem:$0x3F84] =	sst lr;
	_ =	strace $0xD0000000  }
0x3: {  	_ = 	snop  }
0x4: {  	_ = 	snop  }
0x5: {  	_ = 	snop  }
0x6: {  	_ = 	snop  }
0x7: {  	_ = 	snop  }
__scs_overlays_trampoline_lowered:
0x8: {  	[smem:$0x3F93] =	sst s0  }
0x9: {  	[smem:$0x3F94] =	sst s1  }
0xa: {  	[smem:$0x3F95] =	sst s2  }
0xb: {  	[smem:$0x3F96] =	sst s3  }
0xc: {  	[smem:$0x3F97] =	sst s4  }
0xd: {  	[smem:$0x3F98] =	sst s5  }
0xe: {  	[smem:$0x3F99] =	sst s6  }
0xf: {  	[smem:$0x3F9A] =	sst s7  }
0x10: {  	[smem:$0x3F9B] =	sst s8  }
0x11: {  	[smem:$0x3F9C] =	sst s9;
	s0 =	simm.s32 @!p0 $0x0  }
0x12: {  	s1 =	sld [smem:$0x3F82];
	s0 =	simm.s32 @p0 $0x1  }
0x13: {  	[smem:$0x3F9D] =	sst s0;
	s0 =	simm.s32 @!p1 $0x0  }
0x14: {  	s2 =	sld [smem:$0x3F81];
	s0 =	simm.s32 @p1 $0x1  }
0x15: {  	[smem:$0x3F9E] =	sst s0;
	s0 =	simm.s32 @!p2 $0x0  }
0x16: {  	s3 =	sld [smem:$0x3FDB];
	s0 =	simm.s32 @p2 $0x1  }
0x17: {  	s4 =	simm.s32 $0x1BF5;
	[smem:$0x3FA0] =	sst s0  }
0x18: {  	s0 =	sld [smem:$0x3F83];
	_ =	swait.ge [sflag:s4], $0x0  }
0x19: {  	s7 =	sld [smem:$0x3F84]  }
0x1a: {  	s8 =	sadd.s32 $0xFFFFE003, lr  }
0x1b: {  	s9 =	sadd.s32 $0xFFFFFEF7, lr;
	s5 =	simm.s32 $0xFFFFFFFF;
	p2 =	slt.u32 s8, $0xFFFFF086  }
0x1c: {  	p1 =	slt.u32 s9, $0xF7A;
	s5 =	simm.s32 @!p2 $0x0  }
0x1d: {  	s5 =	simm.s32 @p1 $0x1;
	p0 =	seq.s32 s7, s2  }
0x1e: {  	s7 =	smul.u32 @!p0 $0xF7A, s2;
	p2 =	seq.s32 @!p0 s5, $0x0  }
0x1f: {  	s9 =	smul.u32 $0xF7A, s1;
	s8 =	simm.s32 @!p0 $0x1BF5;
	p2 =	por !p2, p0  }
0x20: {  	[sflag:s8] =	ssyncset.s32 @!p0 $0xFFFFF086;
	s6 =	sadd.s32 @!p0 s3, s7;
	s7 =	simm.s32 @!p0 $0x108  }
0x21: {  	s3 =	sadd.s32 s3, s9;
	s6 =	sadd.s32 @!p0 $0x88, s6;
	s7 =	simm.s32 @p2 $0x1082  }
0x22: {  	[simem:s7], [sflag:s8] =	dma.local @!p0 [hbm:s6], $0xF7A  }
0x23: {  	s9 =	sor.u32 $0xD0000000, s2;
	s6 =	simm.s32 $0x108;
	_ =	swait.ge @!p0 [sflag:s8], $0x0  }
0x24: {  	s3 =	sadd.s32 $0x88, s3;
	s6 =	simm.s32 @!p1 $0x1082;
	[sflag:s4] =	ssyncset.s32 $0xFFFFF086  }
0x25: {  	[simem:s6], [sflag:s4] =	dma.local [hbm:s3], $0xF7A  }
0x26: {  	[smem:$0x3F84] =	sst s1;
	(tag) =	ssettag s2;
	_ =	strace s9  }
0x27: {  	s1 =	sld [smem:$0x3F94]  }
0x28: {  	s2 =	sld [smem:$0x3F95]  }
0x29: {  	s4 =	sld [smem:$0x3F97]  }
0x2a: {  	p0 =	seq.s32 s5, $0x0;
	s5 =	sld [smem:$0x3F98]  }
0x2b: {  	s6 =	sld [smem:$0x3F99]  }
0x2c: {  	s7 =	sld [smem:$0x3F9A]  }
0x2d: {  	s3 =	simm.s32 $0x108;
	s8 =	sld [smem:$0x3F9B]  }
0x2e: {  	s3 =	simm.s32 @!p0 $0x1082;
	s9 =	sld [smem:$0x3F9C]  }
0x2f: {  	lr =	sadd.s32 s0, s3;
	s0 =	sld [smem:$0x3F93]  }
0x30: {  	s3 =	sld [smem:$0x3F96]  }
0x31: {  	[smem:$0x3F9F] =	sst s10  }
0x32: {  	s10 =	sld [smem:$0x3F9D];
	_ =	sdelay $0x3  }
0x33: {  	p0 =	seq.s32 s10, $0x1;
	s10 =	sld [smem:$0x3F9F];
	_ =	sdelay $0x3  }
0x34: {  	[smem:$0x3F9F] =	sst s10  }
0x35: {  	s10 =	sld [smem:$0x3F9E];
	_ =	sdelay $0x3  }
0x36: {  	p1 =	seq.s32 s10, $0x1;
	s10 =	sld [smem:$0x3F9F];
	_ =	sdelay $0x3  }
0x37: {  	[smem:$0x3F9F] =	sst s10  }
0x38: {  	s10 =	sld [smem:$0x3FA0]  }
0x39: {  	_ = 	snop;
	(pc) =	sbr.ind lr, $3  }
0x3a: {  	_ = 	snop  }
0x3b: {  	_ = 	snop  }
0x3c: {  	p2 =	seq.s32 s10, $0x1;
	s10 =	sld [smem:$0x3F9F]  }
0x3d: {  	_ =	shalt  }
0x3e: {  	_ =	shalt  }
0x3f: {  	_ =	shalt  }
0x40: {  	_ =	shalt  }
0x41: {  	_ =	shalt  }
0x42: {  	_ =	shalt  }
0x43: {  	_ =	shalt  }
0x44: {  	_ =	shalt  }
0x45: {  	_ =	shalt  }
0x46: {  	_ =	shalt  }
0x47: {  	_ =	shalt  }
0x48: {  	_ =	shalt  }
0x49: {  	_ =	shalt  }
0x4a: {  	_ =	shalt  }
0x4b: {  	_ =	shalt  }
0x4c: {  	_ =	shalt  }
0x4d: {  	_ =	shalt  }
0x4e: {  	_ =	shalt  }
0x4f: {  	_ =	shalt  }
0x50: {  	_ =	shalt  }
0x51: {  	_ =	shalt  }
0x52: {  	_ =	shalt  }
0x53: {  	_ =	shalt  }
0x54: {  	_ =	shalt  }
0x55: {  	_ =	shalt  }
0x56: {  	_ =	shalt  }
0x57: {  	_ =	shalt  }
0x58: {  	_ =	shalt  }
0x59: {  	_ =	shalt  }
0x5a: {  	_ =	shalt  }
0x5b: {  	_ =	shalt  }
0x5c: {  	_ =	shalt  }
0x5d: {  	_ =	shalt  }
0x5e: {  	_ =	shalt  }
0x5f: {  	_ =	shalt  }
0x60: {  	_ =	shalt  }
0x61: {  	_ =	shalt  }
0x62: {  	_ =	shalt  }
0x63: {  	_ =	shalt  }
0x64: {  	_ =	shalt  }
0x65: {  	_ =	shalt  }
0x66: {  	_ =	shalt  }
0x67: {  	_ =	shalt  }
0x68: {  	_ =	shalt  }
0x69: {  	_ =	shalt  }
0x6a: {  	_ =	shalt  }
0x6b: {  	_ =	shalt  }
0x6c: {  	_ =	shalt  }
0x6d: {  	_ =	shalt  }
0x6e: {  	_ =	shalt  }
0x6f: {  	_ =	shalt  }
0x70: {  	_ =	shalt  }
0x71: {  	_ =	shalt  }
0x72: {  	_ =	shalt  }
0x73: {  	_ =	shalt  }
0x74: {  	_ =	shalt  }
0x75: {  	_ =	shalt  }
0x76: {  	_ =	shalt  }
0x77: {  	_ =	shalt  }
0x78: {  	_ =	shalt  }
0x79: {  	_ =	shalt  }
0x7a: {  	_ =	shalt  }
0x7b: {  	_ =	shalt  }
0x7c: {  	_ =	shalt  }
0x7d: {  	_ =	shalt  }
0x7e: {  	_ =	shalt  }
0x7f: {  	_ =	shalt  }
0x80: {  	_ =	shalt  }
0x81: {  	_ =	shalt  }
0x82: {  	_ =	shalt  }
0x83: {  	_ =	shalt  }
0x84: {  	_ =	shalt  }
0x85: {  	_ =	shalt  }
0x86: {  	_ =	shalt  }
0x87: {  	_ =	shalt  }
.Lfunc_end0:
.L_simem_size_0:
called_computation_lowered:
.L_overlay_start_0:
0x88: {  	s2 =	sld [smem:$0x3FD9]  }
0x89: {  	s3 =	sld [smem:$0x3FFE];
	_ =	sdelay $0x1  }
0x8a: {  	s1 =	srdreg.scid  }
0x8b: {  	s0 =	sand.u32 $0x1, s1  }
0x8c: {  	s14 =	sshll.u32 s0, $0xA;
	s2 =	sadd.s32 s3, s2  }
0x8d: {  	s2 =	sadd.s32 s2, s14  }
0x8e: {  	[smem:$0x3FAB] =	sst s2  }
0x8f: {  	_ = 	snop  }
0x90: {  	s2 =	sld [smem:$0x3FD0];
	_ =	sdelay $0x2  }
0x91: {  	s15 =	simm.s32 $0xA;
	s4 =	simm.s32 $0x10  }
0x92: {  	[smem:s4], [sflag:s15] =	dma.local [hbm:s2], $0x1  }
0x93: {  	_ =	swait.eq [sflag:s15], $0x1  }
0x94: {  	[sflag:s15] =	ssyncset.done $0x0  }
0x95: {  	[sflag:s15] =	ssyncadd.s32 $0xFFFFFFFF  }
0x96: {  	s16 =	sld [smem:$0x11];
	(tm) =	ssettm $0x1  }
0x97: {  	s17 =	sld [smem:$0x3FFB];
	_ =	sdelay $0x3  }
0x98: {  	_ =	strace s17  }
0x99: {  	s3 =	sld [smem:$0x3FFC];
	_ =	sdelay $0x3  }
0x9a: {  	_ =	strace s3  }
0x9b: {  	s3 =	sld [smem:$0x3FFD];
	_ =	sdelay $0x3  }
0x9c: {  	_ =	strace s3  }
0x9d: {  	_ =	strace $0x8FFFFFFF  }
0x9e: {  	s18 =	sld [smem:$0x3FDB];
	_ =	sdelay $0x1  }
0x9f: {  	s19 =	simm.s32 $_scs_section_size  }
0xa0: {  	s5 =	simm.s32 $_size__tile_overlayer_lowered;
	s6 =	simm.s32 $_tile_overlayer_lowered  }
0xa1: {  	s22 =	simm.s32 $0x1BFF;
	s21 =	sshll.u32 s6, $0x1;
	s3 =	sadd.s32 s19, s18  }
0xa2: {  	s7 =	simm.s32 $0x0;
	s20 =	sshll.u32 s5, $0x1;
	s5 =	sadd.s32 s21, s3  }
0xa3: {  	[timem:s7], [sflag:s22] =	dma.local [hbm:s5], s20  }
0xa4: {  	_ =	swait.ge [sflag:s22], s20  }
0xa5: {  	s4 =	ssub.s32 $0x0, s20;
	[sflag:s22] =	ssyncset.done $0x0  }
0xa6: {  	[sflag:s22] =	ssyncadd.s32 s4;
	_ =	sdelay $0x1  }
0xa7: {  	s23 =	simm.s32 $0x1B8B  }
0xa8: {  	_ =	swait.ge [sflag:s23], $0x1  }
0xa9: {  	[sflag:s23] =	ssyncset.done $0x0  }
0xaa: {  	s25 =	simm.s32 $0x1B8E;
	s24 =	sld [smem:$0x3FFE];
	[sflag:s23] =	ssyncadd.s32 $0xFFFFFFFF  }
0xab: {  	s26 =	simm.s32 $execute0_lowered;
	[smem:$0x3FD2] =	sst s25  }
0xac: {  	s5 =	sshll.u32 s26, $0x1;
	_ =	strace $0x80000046;
	[dreg:$0x1] =	wrdreg $0xFFFFFFFF  }
0xad: {  	s28 =	simm.s32 $_size_execute0_lowered;
	s3 =	sadd.s32 s3, s5;
	[dreg:$0x0] =	wrdreg $0x0  }
0xae: {  	s5 =	sshll.u32 s28, $0x1;
	[dreg:$0x2] =	wrdreg s3  }
0xaf: {  	[dreg:$0x3] =	wrdreg s5  }
0xb0: {  	[dreg:$0x4] =	wrdreg $0xC0  }
0xb1: {  	_ =	task [dreg:s7], $0x5FFFF  }
0xb2: {  	[dreg:$0x1] =	wrdreg $0xFFFFFFFF  }
0xb3: {  	[dreg:$0x0] =	wrdreg $0x60  }
0xb4: {  	[dreg:$0x2] =	wrdreg s16  }
0xb5: {  	[dreg:$0x3] =	wrdreg s24  }
0xb6: {  	[dreg:$0x4] =	wrdreg $0x9  }
0xb7: {  	_ =	task.clear_ibuf [dreg:s7], $0x5FFFF;
	_ =	strace $0x90000046  }
0xb8: {  	s29 =	simm.s32 $0x9;
	_ =	strace $0x80000048  }
0xb9: {  	_ =	swait.ge [sflag:s29], $0x1  }
0xba: {  	[sflag:s29] =	ssyncadd.s32 $0xFFFFFFFF  }
0xbb: {  	_ =	strace $0x90000048  }
0xbc: {  	_ =	sfence  }
0xbd: {  	s30 =	sld [smem:$0x0];
	_ =	sdelay $0x2  }
0xbe: {  	s31 =	sshll.u32 s1, $0xD;
	s1 =	sshrl.u32 s1, $0x2  }
0xbf: {  	s3 =	sand.u32 $0x4000, s31;
	s1 =	sadd.s32 s1, s30  }
0xc0: {  	s0 =	sor.u32 s3, s0;
	s1 =	sshll.u32 s1, $0x11  }
0xc1: {  	s0 =	sor.u32 s1, s0  }
0xc2: {  	s0 =	sadd.s32 $0x8F2B, s0  }
0xc3: {  	[sflag:s0] =	ssyncadd.remote.s32 $0x1  }
0xc4: {  	_ =	sfence.sel $0xFFFF  }
0xc5: {  	[dreg:$0x0] =	wrdreg $0xFFFFFFFF;
	(pc) =	sbr.abs _section_cstart, $3  }
0xc6: {  	[dreg:$0x1] =	wrdreg $0xFFFFFFFF  }
0xc7: {  	_ =	task.clear_ibuf [dreg:s7], $0x2FFFF;
	_ =	strace $0x9FFFFFFF  }
0xc8: {  	(tm) =	ssettm $0x7FFFFFFF  }
0xc9: {  	_ =	shalt  }
tec
execute0_lowered:
.L_overlay_start_1:
0x0: {  	(tag) =	ssettag $0x1  }
0x1: {  	s0 =	rddreg [dreg:$0x0]  }
0x2: {  	s1 =	rddreg [dreg:$0x1]  }
0x3: {  	s2 =	simm.s32 $0x0;
	s10 =	stileid.u32;
	s7 =	srdreg.scid  }
0x4: {  	s28 =	simm.s32 $0x40;
	s31 =	simm.s32 $0x17;
	s4 =	smul.u32 $0xA000, s10  }
0x5: {  	[smem:$0x7FF] =	sst s2;
	s5 =	sadd.s32 $0x6C00, s1;
	s6 =	smul.u32 $0x14000, s10  }
0x6: {  	s3 =	sadd.s32 $0x87200, s1;
	s8 =	smul.u32 $0x28000, s10;
	s9 =	sshrl.u32 s10, $0x2  }
0x7: {  	s7 =	sand.u32 $0x1, s7;
	s10 =	sshll.u32 s10, $0x8;
	s15 =	smul.u32 $0xC00, s9  }
0x8: {  	_ =	strace $0x80000047;
	s11 =	sshll.u32 s7, $0x7;
	s21 =	smul.u32 $0x5000, s7  }
0x9: {  	s12 =	ssub.s32 $0x2, s7;
	s9 =	sshll.u32 s9, $0xD;
	s22 =	smul.u32 $0xA000, s7  }
0xa: {  	s7 =	smul.u32 $0x14000, s7;
	s4 =	sadd.s32 s4, s1;
	s6 =	sadd.s32 s6, s1  }
0xb: {  	s10 =	sor.u32 s11, s10;
	s1 =	sadd.s32 s8, s1;
	s16 =	sshrl.u32 s12, $0x1  }
0xc: {  	s10 =	sand.u32 $0x380, s10;
	s8 =	ssub.s32 s12, s16;
	s13 =	sadd.s32 s0, s15  }
0xd: {  	s18 =	sadd.s32 $0x400, s15;
	s11 =	sadd.s32 $0x800, s15;
	s25 =	sadd.s32 s21, s4  }
0xe: {  	s26 =	sadd.s32 s22, s6;
	s1 =	sadd.s32 s7, s1;
	s21 =	simm.s32 $0x10  }
0xf: {  	s17 =	sor.u32 s15, s10;
	[dreg:$0x3] =	wrdreg s13;
	s19 =	sadd.s32 s0, s18  }
0x10: {  	s20 =	sor.u32 s10, s18;
	s10 =	sor.u32 s10, s11;
	s0 =	sadd.s32 s0, s11  }
0x11: {  	s24 =	smax.u32 s8, $0x1;
	s29 =	sadd.s32 $0x177200, s26;
	[dreg:$0x5] =	wrdreg s19  }
0x12: {  	s30 =	sadd.s32 $0x2B7980, s1;
	s18 =	simm.s32 $0x14;
	[dreg:$0x7] =	wrdreg s0  }
0x13: {  	s12 =	sshrl.u32 s17, $0x3;
	s23 =	sshrl.u32 s10, $0x3;
	[dreg:$0x9] =	wrdreg s24  }
0x14: {  	[dreg:$0xc] =	wrdreg s30;
	s24 =	simm.s32 $0x20;
	s17 =	simm.s32 $0x18  }
.Ltmp0:
0x15: {  	[dreg:$0xb] =	wrdreg s29;
	s12 =	sadd.s32 s5, s12;
	(pc) =	sbr.rel .LBB2_1-.Ltmp0, $4  }
0x16: {  	s0 =	sadd.s32 s5, s23;
	[dreg:$0x4] =	wrdreg s12;
	s12 =	sshrl.u32 s20, $0x3  }
0x17: {  	[dreg:$0x8] =	wrdreg s0;
	s0 =	sadd.s32 $0xD73E0, s25;
	s20 =	simm.s32 $0x15  }
0x18: {  	v0 =	vlaneseq.u32;
	s25 =	simm.s32 $0x16;
	s12 =	sadd.s32 s5, s12;
	[dreg:$0xa] =	wrdreg s0  }
0x19: {  	v1 =	vor.u32 $0x10, v0;
	v2 =	vor.u32 $0x20, v0;
	v3 =	vor.u32 $0x30, v0;
	s0 =	simm.s32 $0x0;
	[dreg:$0x6] =	wrdreg s12;
	s12 =	sor.u32 $0x30, s9  }
.LBB2_8:
0x1a: {  	_ =	swait.ge [sflag:s0], $0x500  }
0x1b: {  	[sflag:s0] =	ssyncset.done $0x0  }
0x1c: {  	s19 =	simm.s32 $0xE;
	[sflag:s0] =	ssyncadd.s32 $0xFFFFFB00  }
0x1d: {  	_ =	swait.ge [sflag:s19], $0xA00  }
0x1e: {  	[sflag:s19] =	ssyncset.done $0x0  }
0x1f: {  	s22 =	simm.s32 $0xF;
	[sflag:s19] =	ssyncadd.s32 $0xFFFFF600  }
0x20: {  	_ =	swait.ge [sflag:s22], $0x1400  }
0x21: {  	[sflag:s22] =	ssyncset.done $0x0  }
0x22: {  	[sflag:s22] =	ssyncadd.s32 $0xFFFFEC00  }
0x23: {  	_ =	swait.ge [sflag:s21], $0x500  }
0x24: {  	[sflag:s21] =	ssyncset.done $0x0  }
0x25: {  	s23 =	simm.s32 $0x11;
	[sflag:s21] =	ssyncadd.s32 $0xFFFFFB00  }
0x26: {  	_ =	swait.ge [sflag:s23], $0xA00  }
0x27: {  	[sflag:s23] =	ssyncset.done $0x0  }
0x28: {  	s26 =	simm.s32 $0x12;
	[sflag:s23] =	ssyncadd.s32 $0xFFFFF600  }
0x29: {  	_ =	swait.ge [sflag:s26], $0x1400  }
0x2a: {  	[sflag:s26] =	ssyncset.done $0x0  }
0x2b: {  	s29 =	simm.s32 $0x13;
	[sflag:s26] =	ssyncadd.s32 $0xFFFFEC00  }
0x2c: {  	_ =	swait.ge [sflag:s29], $0x500  }
0x2d: {  	[sflag:s29] =	ssyncset.done $0x0  }
0x2e: {  	[sflag:s29] =	ssyncadd.s32 $0xFFFFFB00  }
0x2f: {  	_ =	swait.ge [sflag:s18], $0xA00  }
0x30: {  	[sflag:s18] =	ssyncset.done $0x0  }
0x31: {  	[sflag:s18] =	ssyncadd.s32 $0xFFFFF600  }
0x32: {  	_ =	swait.ge [sflag:s20], $0x1400  }
0x33: {  	[sflag:s20] =	ssyncset.done $0x0  }
0x34: {  	[sflag:s20] =	ssyncadd.s32 $0xFFFFEC00  }
0x35: {  	_ =	swait.ge [sflag:s25], $0x500  }
0x36: {  	[sflag:s25] =	ssyncset.done $0x0  }
0x37: {  	[sflag:s25] =	ssyncadd.s32 $0xFFFFFB00  }
0x38: {  	_ =	swait.ge [sflag:s31], $0xA00  }
0x39: {  	[sflag:s31] =	ssyncset.done $0x0  }
0x3a: {  	[sflag:s31] =	ssyncadd.s32 $0xFFFFF600  }
0x3b: {  	_ =	swait.ge [sflag:s17], $0x1400  }
0x3c: {  	s30 =	rddreg [dreg:$0xd]  }
0x3d: {  	s1 =	rddreg [dreg:$0x9];
	s0 =	sadd.s32 $0x1, s30  }
0x3e: {  	p0 =	sne.s32 s0, s1  }
.Ltmp1:
0x3f: {  	_ = 	snop;
	(pc) =	sbr.rel @!p0 .LBB2_9-.Ltmp1, $3  }
0x40: {  	_ =	sdelay $0x1  }
0x41: {  	[sflag:s17] =	ssyncset.done $0x0  }
0x42: {  	[sflag:s17] =	ssyncadd.s32 $0xFFFFEC00  }
.LBB2_1:
0x43: {  	s1 =	rddreg [dreg:$0x3];
	s4 =	simm.s32 $0x19  }
0x44: {  	[tilespmem:s2], [sflag:$0x19] =	stream.linear.gather [hbm4b:s1+s2], $0x2000, $0x38;
	[tilespmem:$0x13DB0] =	vst v63  }
0x45: {  	_ =	swait.ge [sflag:s4], $0x2000  }
0x46: {  	[sflag:s4] =	ssyncset.done $0x0  }
0x47: {  	s5 =	simm.s32 $0x6000;
	s14 =	rddreg [dreg:$0x4];
	[sflag:s4] =	ssyncadd.s32 $0xFFFFE000  }
0x48: {  	[tilespmem:s5], [sflag:$0x19] =	stream.linear.gather [hbm4b:s14+s2], $0x80, $0x38;
	[tilespmem:$0x13DB0] =	vst v63  }
0x49: {  	_ =	swait.ge [sflag:s4], $0x80  }
0x4a: {  	[sflag:s4] =	ssyncset.done $0x0  }
0x4b: {  	s16 =	simm.s32 $0x2000;
	s15 =	rddreg [dreg:$0x5];
	[sflag:s4] =	ssyncadd.s32 $0xFFFFFF80  }
0x4c: {  	[tilespmem:s16], [sflag:$0x19] =	stream.linear.gather [hbm4b:s15+s2], $0x2000, $0x38;
	[tilespmem:$0x13DB0] =	vst v63  }
0x4d: {  	_ =	swait.ge [sflag:s4], $0x2000  }
0x4e: {  	[sflag:s4] =	ssyncset.done $0x0  }
0x4f: {  	s22 =	simm.s32 $0x6090;
	s19 =	rddreg [dreg:$0x6];
	[sflag:s4] =	ssyncadd.s32 $0xFFFFE000  }
0x50: {  	[tilespmem:s22], [sflag:$0x19] =	stream.linear.gather [hbm4b:s19+s2], $0x80, $0x38;
	[tilespmem:$0x13DB0] =	vst v63  }
0x51: {  	_ =	swait.ge [sflag:s4], $0x80  }
0x52: {  	[sflag:s4] =	ssyncset.done $0x0  }
0x53: {  	s26 =	simm.s32 $0x4000;
	s23 =	rddreg [dreg:$0x7];
	[sflag:s4] =	ssyncadd.s32 $0xFFFFFF80  }
0x54: {  	[tilespmem:s26], [sflag:$0x19] =	stream.linear.gather [hbm4b:s23+s2], $0x2000, $0x38;
	[tilespmem:$0x13DB0] =	vst v63  }
0x55: {  	_ =	swait.ge [sflag:s4], $0x2000  }
0x56: {  	[sflag:s4] =	ssyncset.done $0x0  }
0x57: {  	s30 =	simm.s32 $0x6120;
	s29 =	rddreg [dreg:$0x8];
	[sflag:s4] =	ssyncadd.s32 $0xFFFFE000  }
0x58: {  	[tilespmem:s30], [sflag:$0x19] =	stream.linear.gather [hbm4b:s29+s2], $0x80, $0x38;
	[tilespmem:$0x13DB0] =	vst v63  }
0x59: {  	_ =	swait.ge [sflag:s4], $0x80  }
0x5a: {  	[sflag:s4] =	ssyncset.done $0x0  }
0x5b: {  	s22 =	simm.s32 $0x0;
	[sflag:s4] =	ssyncadd.s32 $0xFFFFFF80  }
.LBB2_2:
0x5c: {  	s1 =	sand.u32 $0x7F, s22;
	v8 =	vld.msk [tilespmem:s22+$0x6000 ss:$0x0], $0xffff  }
0x5d: {  	v7 =	vld.msk [tilespmem:s1+$0x6090 ss:$0x0], $0xffff  }
0x5e: {  	s7 =	simm.s32 $0x0;
	v9 =	vld.msk [tilespmem:s1+$0x6120 ss:$0x0], $0xffff  }
0x5f: {  	v4 =	vld [tilespmem:s7+$0x4020]  }
0x60: {  	v5 =	vld [tilespmem:s7+$0x2020]  }
0x61: {  	v6 =	vld [tilespmem:s7+$0x20]  }
0x62: {  	v10 =	vld [tilespmem:s7+$0x2010]  }
0x63: {  	v11 =	vld [tilespmem:s7+$0x0]  }
0x64: {  	v12 =	vld [tilespmem:s7+$0x2000]  }
0x65: {  	v13 =	vld [tilespmem:s7+$0x10]  }
0x66: {  	v14 =	vld [tilespmem:s7+$0x4000]  }
0x67: {  	v15 =	vld [tilespmem:s7+$0x4010];
	v4 =	vsub.f32 v4, v9;
	v5 =	vsub.f32 v5, v7  }
0x68: {  	v6 =	vsub.f32 v6, v8;
	v11 =	vsub.f32 v11, v8  }
0x69: {  	v12 =	vsub.f32 v12, v7;
	v10 =	vsub.f32 v10, v7  }
0x6a: {  	v13 =	vsub.f32 v13, v8;
	v6 =	vmul.f32 v6, v6;
	v11 =	vmul.f32 v11, v11  }
0x6b: {  	v14 =	vsub.f32 v14, v9;
	v12 =	vmul.f32 v12, v12;
	v5 =	vmul.f32 v5, v5  }
0x6c: {  	v15 =	vsub.f32 v15, v9;
	v13 =	vmul.f32 v13, v13;
	v10 =	vmul.f32 v10, v10  }
0x6d: {  	v4 =	vmul.f32 v4, v4;
	v11 =	vadd.f32 v12, v11;
	v12 =	vmul.f32 v14, v14  }
0x6e: {  	v5 =	vadd.f32 v5, v6;
	v10 =	vadd.f32 v10, v13;
	v13 =	vmul.f32 v15, v15  }
0x6f: {  	v11 =	vadd.f32 v12, v11  }
0x70: {  	v6 =	vld [tilespmem:s7+$0x30];
	v12 =	vadd.f32 v4, v5;
	v13 =	vadd.f32 v13, v10  }
0x71: {  	v4 =	vld [tilespmem:s7+$0x2030];
	vm4 =	vle.f32 v11, $9.999999770e-03  }
0x72: {  	v16 =	vld [tilespmem:s7+$0x4030];
	vm7 =	vle.f32 v12, $9.999999770e-03;
	vm0 =	vle.f32 v13, $9.999999770e-03;
	v10 =	vmpcnt.ones.xlane vm4  }
0x73: {  	vm6 =	vle.f32 v11, $3.999999910e-02;
	vm3 =	vle.f32 v13, $3.999999910e-02;
	v14 =	vmpcnt.ones.xlane vm7  }
0x74: {  	vm9 =	vle.f32 v11, $1.599999960e-01;
	v15 =	vmpcnt.ones.xlane vm0;
	(v2sf) =	vpush v10, $0x0  }
0x75: {  	v6 =	vsub.f32 v6, v8;
	v10 =	vmpcnt.ones.xlane vm3;
	(v2sf) =	vpush v14, $0x0  }
0x76: {  	v11 =	vmpcnt.ones.xlane vm6;
	v4 =	vsub.f32 v4, v7;
	(v2sf) =	vpush v15, $0x0  }
0x77: {  	s8 =	simm.s32 $0x40;
	v5 =	vsub.f32 v16, v9;
	(v2sf) =	vpush v10, $0x0  }
0x78: {  	s11 =	smul.u32 $0xC0, s22;
	s15 =	sadd.s32 $0xFFFFFFD0, s12;
	v6 =	vmul.f32 v6, v6;
	v14 =	vld [tilespmem:s8+$0x4030];
	v4 =	vmul.f32 v4, v4;
	(v2sf) =	vpush v11, $0x0  }
0x79: {  	vm5 =	vle.f32 v12, $3.999999910e-02;
	vm1 =	vle.f32 v12, $1.599999960e-01;
	v12 =	vld [tilespmem:s8+$0x20];
	v15 =	vmpcnt.ones.xlane vm9  }
0x7a: {  	v18 =	vor.u32 s15, v0;
	s19 =	sshra.s32 s11, $0x2;
	v16 =	vmul.f32 v5, v5;
	v10 =	vadd.f32 v4, v6  }
0x7b: {  	s5 =	sshll.u32 s22, $0x5;
	s14 =	sadd.s32 $0x71B0, s19;
	vm11 =	vle.f32 v13, $1.599999960e-01;
	v13 =	vmpcnt.ones.xlane vm5;
	(v2sf) =	vpush v15, $0x0  }
0x7c: {  	s29 =	sand.u32 $0x3FFFFFE0, s5;
	v5 =	vmov s14;
	v15 =	vmpcnt.ones.xlane vm11;
	v11 =	vadd.f32 v16, v10;
	v16 =	vld [tilespmem:s8+$0x4020]  }
0x7d: {  	s4 =	smul.u32 $0x140, s22;
	s13 =	sadd.s32 $0x61B0, s29;
	v17 =	vmpcnt.ones.xlane vm1;
	v10 =	vsub.f32 v14, v9;
	v14 =	vld [tilespmem:s8+$0x2020];
	(v2sf) =	vpush v13, $0x0  }
0x7e: {  	v12 =	vsub.f32 v12, v8;
	v6 =	vmov s13;
	v13 =	vld [tilespmem:s8+$0x2010];
	(v2sf) =	vpush v15, $0x0  }
0x7f: {  	s1 =	sshra.s32 s4, $0x2;
	vm8 =	vle.f32 v11, $9.999999770e-03;
	vm10 =	vle.f32 v11, $1.599999960e-01;
	vm2 =	vle.f32 v11, $3.999999910e-02;
	v11 =	vld [tilespmem:s8+$0x0]  }
0x80: {  	p0 =	por $0x1, $0x1;
	s6 =	sadd.s32 $0x89B0, s1;
	vm3 =	vmmov vm3;
	(v2sf) =	vpush v17, $0x0;
	v17 =	vld [tilespmem:s8+$0x2000];
	v19 =	vmpcnt.ones.xlane vm2  }
0x81: {  	p1 =	por $0x1, $0x1;
	s23 =	sadd.s32 $0xFFFFFFF0, s12;
	v21 =	vld [tilespmem:s8+$0x10];
	s4 =	simm.s32 $0x0;
	v4 =	vmov s6;
	v12 =	vmul.f32 v12, v12;
	v20 =	vmpcnt.ones.xlane vm10  }
0x82: {  	s5 =	simm.s32 $0x4;
	s11 =	sadd.s32 $0xFFFFFFE0, s12;
	s4 =	simm.s32 @!p0 $0x10;
	v15 =	vmpcnt.ones.xlane vm8;
	v14 =	vsub.f32 v14, v7;
	(v2sf) =	vpush v19, $0x0;
	v19 =	vld [tilespmem:s8+$0x4000]  }
0x83: {  	p0 =	por $0x1, $0x1;
	s6 =	simm.s32 $0x0;
	[tilespmem:v6+s4+$0x0 ss:$0x1] =	vst.idx.msk vm4, v18;
	vm4 =	vmmov vm11;
	v16 =	vsub.f32 v16, v9;
	(v2sf) =	vpush v20, $0x0;
	v20 =	vld [tilespmem:s8+$0x4010];
	s9 =	spop (v2sf)  }
0x84: {  	s7 =	simm.s32 @!p0 $0x40;
	s6 =	simm.s32 @!p1 $0x20;
	v13 =	vsub.f32 v13, v7;
	v11 =	vsub.f32 v11, v8;
	v14 =	vmul.f32 v14, v14;
	s13 =	spop (v2sf)  }
0x85: {  	s4 =	sadd.s32 $0x40, s12;
	[tilespmem:v5+s6+$0x0 ss:$0x1] =	vst.idx.msk vm6, v18;
	v17 =	vsub.f32 v17, v7;
	v16 =	vmul.f32 v16, v16;
	(v2sf) =	vpush v15, $0x0;
	s10 =	sadd.s32 $0x0, s9;
	s16 =	spop (v2sf)  }
0x86: {  	s6 =	simm.s32 $0x80;
	v13 =	vmul.f32 v13, v13;
	v15 =	vsub.f32 v21, v8;
	v14 =	vadd.f32 v14, v12;
	p0 =	slt.s32 s10, $0x10;
	s15 =	spop (v2sf)  }
0x87: {  	v11 =	vmul.f32 v11, v11;
	v17 =	vmul.f32 v17, v17;
	v19 =	vsub.f32 v19, v9;
	s14 =	sadd.s32 s10, s16;
	s10 =	simm.s32 @!p0 $0x10;
	s26 =	spop (v2sf)  }
0x88: {  	[tilespmem:v4+s7+$0x0 ss:$0x1] =	vst.idx.msk vm9, v18;
	v12 =	vor.u32 s23, v0;
	v18 =	vmul.f32 v15, v15;
	v20 =	vsub.f32 v20, v9;
	v15 =	vld [tilespmem:s8+$0x30];
	p0 =	slt.s32 s14, $0x10;
	s9 =	sadd.s32 s14, s13;
	s7 =	sadd.s32 $0x0, s26  }
0x89: {  	v63 =	vadd.f32 v17, v11;
	v14 =	vadd.f32 v16, v14;
	v22 =	vmul.f32 v19, v19;
	s14 =	simm.s32 @!p0 $0x10;
	p0 =	slt.s32 s9, $0x10;
	s23 =	smov.u32 s9  }
0x8a: {  	v11 =	vor.u32 s12, v0;
	v16 =	vld [tilespmem:s8+$0x2030];
	v17 =	vadd.f32 v13, v18;
	v19 =	vmul.f32 v20, v20;
	s30 =	spop (v2sf);
	s13 =	sadd.s32 s7, s15;
	[tilespmem:v6+s14+$0x0 ss:$0x1] =	vst.idx.msk vm7, v12;
	s23 =	simm.s32 @!p0 $0x10  }
0x8b: {  	vm6 =	vmmov vm10;
	v13 =	vor.u32 s11, v0;
	v18 =	vadd.f32 v22, v63;
	s8 =	sadd.s32 $0x0, s30;
	p1 =	slt.s32 s7, $0x20;
	p2 =	slt.s32 s13, $0x20;
	[tilespmem:v6+s23+$0x0 ss:$0x1] =	vst.idx.msk vm8, v11  }
.LBB2_3:
0x8c: {  	v17 =	vadd.f32 v19, v17;
	vm7 =	vle.f32 v14, $9.999999770e-03;
	[tilespmem:v6+s10+$0x0 ss:$0x1] =	vst.idx.msk vm0, v13;
	s10 =	smov.u32 s13  }
0x8d: {  	v20 =	vld [tilespmem:s6+$0x4030];
	s5 =	sadd.s32 $0x4, s5;
	v15 =	vsub.f32 v15, v8;
	s15 =	spop (v2sf);
	s10 =	simm.s32 @!p2 $0x20;
	vm11 =	vle.f32 v18, $9.999999770e-03;
	vm10 =	vle.f32 v18, $3.999999910e-02  }
0x8e: {  	s11 =	smov.u32 s4;
	s14 =	smov.u32 s6;
	vm8 =	vle.f32 v18, $1.599999960e-01;
	v21 =	vmpcnt.ones.xlane vm7;
	[tilespmem:v5+s10+$0x0 ss:$0x1] =	vst.idx.msk vm5, v12;
	s10 =	spop (v2sf);
	v18 =	vmpcnt.ones.xlane vm11  }
0x8f: {  	p0 =	slt.u32 s5, $0x1FC;
	vm0 =	vle.f32 v17, $9.999999770e-03;
	v16 =	vsub.f32 v16, v7;
	v19 =	vmpcnt.ones.xlane vm8;
	s23 =	sadd.s32 s8, s10;
	s10 =	spop (v2sf)  }
0x90: {  	vm12 =	vle.f32 v17, $3.999999910e-02;
	v15 =	vmul.f32 v15, v15;
	v22 =	vmpcnt.ones.xlane vm0;
	p4 =	slt.s32 s23, $0x40;
	s10 =	sadd.s32 s23, s10  }
0x91: {  	s26 =	sadd.s32 s13, s15;
	v23 =	vmpcnt.ones.xlane vm12;
	v16 =	vmul.f32 v16, v16;
	(v2sf) =	vpush v18, $0x0;
	s13 =	spop (v2sf)  }
0x92: {  	p2 =	slt.s32 s10, $0x40;
	v18 =	vsub.f32 v20, v9;
	v20 =	vmpcnt.ones.xlane vm10;
	(v2sf) =	vpush v21, $0x0;
	s13 =	sadd.s32 s26, s13;
	s15 =	spop (v2sf)  }
0x93: {  	p5 =	slt.s32 s26, $0x20;
	v15 =	vadd.f32 v16, v15;
	v16 =	vmul.f32 v10, v10;
	(v2sf) =	vpush v22, $0x0;
	s15 =	sadd.s32 s10, s15;
	s10 =	simm.s32 @!p2 $0x40  }
0x94: {  	s23 =	simm.s32 @!p4 $0x40;
	p3 =	slt.s32 s13, $0x20;
	p2 =	slt.s32 s15, $0x40;
	(v2sf) =	vpush v23, $0x0  }
0x95: {  	s26 =	simm.s32 @!p5 $0x20;
	v10 =	vmov v18;
	v15 =	vadd.f32 v16, v15;
	(v2sf) =	vpush v20, $0x0;
	s30 =	spop (v2sf)  }
0x96: {  	s7 =	simm.s32 @!p1 $0x20;
	vm5 =	vle.f32 v14, $3.999999910e-02;
	vm13 =	vle.f32 v17, $1.599999960e-01;
	[tilespmem:v4+s23+$0x0 ss:$0x1] =	vst.idx.msk vm1, v12;
	s9 =	sadd.s32 s9, s30  }
0x97: {  	p1 =	slt.s32 s8, $0x40;
	v16 =	vmpcnt.ones.xlane vm5;
	vm9 =	vle.f32 v15, $9.999999770e-03;
	v12 =	vld [tilespmem:s6+$0x4020];
	p4 =	slt.s32 s9, $0x10;
	(v2sf) =	vpush v19, $0x0;
	[tilespmem:v5+s26+$0x0 ss:$0x1] =	vst.idx.msk vm2, v11;
	s23 =	smov.u32 s9  }
0x98: {  	s8 =	simm.s32 @!p1 $0x40;
	v18 =	vmpcnt.ones.xlane vm13;
	vm1 =	vle.f32 v14, $1.599999960e-01;
	vm14 =	vle.f32 v15, $1.599999960e-01;
	v17 =	vld [tilespmem:s6+$0x2020];
	s23 =	simm.s32 @!p4 $0x10;
	[tilespmem:v5+s7+$0x0 ss:$0x1] =	vst.idx.msk vm3, v13;
	s7 =	sadd.s32 $0xFFFFFFD0, s4  }
0x99: {  	v19 =	vmpcnt.ones.xlane vm1;
	v14 =	vld [tilespmem:s6+$0x20];
	(v2sf) =	vpush v16, $0x0;
	[tilespmem:v4+s8+$0x0 ss:$0x1] =	vst.idx.msk vm4, v13;
	v16 =	vor.u32 s7, v0;
	s7 =	smov.u32 s13  }
0x9a: {  	vm2 =	vle.f32 v15, $3.999999910e-02;
	s8 =	smov.u32 s15;
	v13 =	vld [tilespmem:s6+$0x2010];
	s7 =	simm.s32 @!p3 $0x20;
	(v2sf) =	vpush v18, $0x0;
	[tilespmem:v4+s10+$0x0 ss:$0x1] =	vst.idx.msk vm6, v11  }
0x9b: {  	v15 =	vmpcnt.ones.xlane vm9;
	s8 =	simm.s32 @!p2 $0x40;
	v18 =	vmpcnt.ones.xlane vm2;
	v11 =	vld [tilespmem:s6+$0x0];
	[tilespmem:v6+s23+$0x0 ss:$0x1] =	vst.idx.msk vm11, v16;
	(v2sf) =	vpush v19, $0x0  }
0x9c: {  	v20 =	vmpcnt.ones.xlane vm14;
	vm3 =	vmmov vm12;
	v19 =	vld [tilespmem:s6+$0x2000];
	v12 =	vsub.f32 v12, v9;
	[tilespmem:v5+s7+$0x0 ss:$0x1] =	vst.idx.msk vm10, v16  }
0x9d: {  	vm4 =	vmmov vm13;
	v21 =	vld [tilespmem:s6+$0x10];
	v17 =	vsub.f32 v17, v7;
	[tilespmem:v4+s8+$0x0 ss:$0x1] =	vst.idx.msk vm8, v16;
	(v2sf) =	vpush v18, $0x0  }
0x9e: {  	vm6 =	vmmov vm14;
	v16 =	vld [tilespmem:s6+$0x4000];
	v14 =	vsub.f32 v14, v8;
	(v2sf) =	vpush v20, $0x0  }
0x9f: {  	v18 =	vld [tilespmem:s6+$0x4010];
	v13 =	vsub.f32 v13, v7  }
0xa0: {  	s4 =	sadd.s32 $0x40, s4;
	s23 =	sadd.s32 $0xFFFFFFE0, s11;
	v17 =	vmul.f32 v17, v17;
	v11 =	vsub.f32 v11, v8;
	v14 =	vmul.f32 v14, v14;
	s7 =	spop (v2sf)  }
0xa1: {  	v20 =	vmul.f32 v12, v12;
	v19 =	vsub.f32 v19, v7;
	s10 =	sadd.s32 s9, s7;
	s7 =	sadd.s32 $0xFFFFFFF0, s11;
	s8 =	spop (v2sf);
	(v2sf) =	vpush v15, $0x0  }
0xa2: {  	s6 =	sadd.s32 $0x40, s6;
	v21 =	vsub.f32 v21, v8;
	v14 =	vadd.f32 v17, v14;
	p1 =	slt.s32 s10, $0x10;
	v12 =	vor.u32 s7, v0;
	s7 =	spop (v2sf)  }
0xa3: {  	v11 =	vmul.f32 v11, v11;
	v16 =	vsub.f32 v16, v9;
	v17 =	vmul.f32 v19, v19;
	v15 =	vld [tilespmem:s14+$0x30];
	s26 =	sadd.s32 s10, s7;
	s10 =	simm.s32 @!p1 $0x10;
	s30 =	spop (v2sf)  }
.Ltmp2:
0xa4: {  	v13 =	vmul.f32 v13, v13;
	s7 =	spop (v2sf);
	(pc) =	sbr.rel @p0 .LBB2_3-.Ltmp2, $4  }
0xa5: {  	v18 =	vsub.f32 v18, v9;
	v19 =	vmul.f32 v21, v21;
	p1 =	slt.s32 s26, $0x10;
	s9 =	sadd.s32 s26, s8;
	v14 =	vadd.f32 v20, v14;
	s7 =	sadd.s32 s13, s7  }
0xa6: {  	v21 =	vadd.f32 v17, v11;
	v22 =	vmul.f32 v16, v16;
	v16 =	vld [tilespmem:s14+$0x2030];
	s26 =	simm.s32 @!p1 $0x10;
	p1 =	slt.s32 s9, $0x10;
	v11 =	vor.u32 s11, v0;
	s11 =	smov.u32 s9  }
0xa7: {  	v17 =	vadd.f32 v13, v19;
	v19 =	vmul.f32 v18, v18;
	s13 =	sadd.s32 s7, s30;
	[tilespmem:v6+s26+$0x0 ss:$0x1] =	vst.idx.msk vm7, v12;
	s11 =	simm.s32 @!p1 $0x10;
	s8 =	spop (v2sf)  }
0xa8: {  	v13 =	vor.u32 s23, v0;
	p1 =	slt.s32 s7, $0x20;
	v18 =	vadd.f32 v22, v21;
	s8 =	sadd.s32 s15, s8;
	p2 =	slt.s32 s13, $0x20;
	[tilespmem:v6+s11+$0x0 ss:$0x1] =	vst.idx.msk vm9, v11  }
0xa9: {  	v9 =	vadd.f32 v19, v17;
	vm8 =	vle.f32 v14, $9.999999770e-03  }
0xaa: {  	v38 =	vimm.s32 $0x0;
	v40 =	vimm.s32 $0x0;
	vm15 =	vle.f32 v18, $9.999999770e-03  }
0xab: {  	s5 =	spop (v2sf);
	s6 =	smov.u32 s13;
	v17 =	vsel vm8, $0xFFFFFFFF, v38;
	v39 =	vmpcnt.ones.xlane vm15;
	vm7 =	vle.f32 v9, $9.999999770e-03  }
0xac: {  	s7 =	simm.s32 @!p1 $0x20;
	p1 =	slt.s32 s8, $0x40;
	v41 =	vmpcnt.ones.xlane vm8;
	s11 =	spop (v2sf);
	[tilespmem:$0x1FFE0] =	vst v17;
	v17 =	vsel vm7, $0xFFFFFFFF, v40  }
0xad: {  	s6 =	simm.s32 @!p2 $0x20;
	s5 =	sadd.s32 s13, s5;
	vm10 =	vle.f32 v9, $3.999999910e-02;
	s14 =	spop (v2sf);
	v42 =	vmpcnt.ones.xlane vm7;
	[tilespmem:$0x1FFF0] =	vst v17;
	(v2sf) =	vpush v39, $0x0  }
0xae: {  	vm14 =	vle.f32 v18, $3.999999910e-02;
	s11 =	sadd.s32 s8, s11;
	p3 =	slt.s32 s5, $0x20;
	v44 =	vmpcnt.ones.xlane vm10;
	s15 =	spop (v2sf);
	(v2sf) =	vpush v41, $0x0;
	[tilespmem:v6+s10+$0x0 ss:$0x1] =	vst.idx.msk vm0, v13  }
0xaf: {  	v45 =	vmpcnt.ones.xlane vm14;
	p2 =	slt.s32 s11, $0x40;
	s15 =	sadd.s32 s5, s15;
	s5 =	simm.s32 @!p3 $0x20;
	[tilespmem:v5+s6+$0x0 ss:$0x1] =	vst.idx.msk vm5, v12;
	(v2sf) =	vpush v42, $0x0  }
0xb0: {  	v8 =	vsub.f32 v15, v8;
	s14 =	sadd.s32 s11, s14;
	s30 =	spop (v2sf);
	s11 =	simm.s32 @!p2 $0x40;
	[tilespmem:v5+s5+$0x0 ss:$0x1] =	vst.idx.msk vm2, v11;
	(v2sf) =	vpush v44, $0x0  }
0xb1: {  	vm12 =	vle.f32 v18, $1.599999960e-01;
	v7 =	vsub.f32 v16, v7;
	s8 =	simm.s32 @!p1 $0x40;
	p0 =	slt.s32 s14, $0x40;
	[tilespmem:v4+s11+$0x0 ss:$0x1] =	vst.idx.msk vm1, v12;
	s23 =	spop (v2sf);
	(v2sf) =	vpush v45, $0x0  }
0xb2: {  	s13 =	sadd.s32 s14, s30;
	s14 =	simm.s32 @!p0 $0x40;
	[tilespmem:v5+s7+$0x0 ss:$0x1] =	vst.idx.msk vm3, v13;
	s9 =	sadd.s32 s9, s23  }
0xb3: {  	v8 =	vmul.f32 v8, v8;
	v7 =	vmul.f32 v7, v7;
	s11 =	sadd.s32 $0xFFFFFFD0, s4;
	[tilespmem:v4+s14+$0x0 ss:$0x1] =	vst.idx.msk vm6, v11;
	p2 =	slt.s32 s9, $0x10;
	s10 =	smov.u32 s9  }
0xb4: {  	v46 =	vmul.f32 v10, v10;
	p0 =	slt.s32 s15, $0x20;
	s6 =	smov.u32 s15;
	[tilespmem:v4+s8+$0x0 ss:$0x1] =	vst.idx.msk vm4, v13;
	v52 =	vor.u32 s11, v0;
	s10 =	simm.s32 @!p2 $0x10  }
0xb5: {  	vm9 =	vle.f32 v14, $3.999999910e-02;
	v43 =	vmpcnt.ones.xlane vm12;
	v7 =	vadd.f32 v7, v8;
	p3 =	slt.s32 s13, $0x40;
	s6 =	simm.s32 @!p0 $0x20;
	s23 =	smov.u32 s13;
	[tilespmem:v6+s10+$0x0 ss:$0x1] =	vst.idx.msk vm15, v52  }
0xb6: {  	v47 =	vmpcnt.ones.xlane vm9;
	vm8 =	vle.f32 v9, $1.599999960e-01;
	s23 =	simm.s32 @!p3 $0x40;
	[tilespmem:v5+s6+$0x0 ss:$0x1] =	vst.idx.msk vm14, v52  }
0xb7: {  	v48 =	vmpcnt.ones.xlane vm8;
	v7 =	vadd.f32 v46, v7;
	(v2sf) =	vpush v43, $0x0;
	[tilespmem:v4+s23+$0x0 ss:$0x1] =	vst.idx.msk vm12, v52  }
0xb8: {  	vm11 =	vle.f32 v14, $1.599999960e-01;
	(v2sf) =	vpush v47, $0x0;
	v54 =	vld [tilespmem:$0x1FFE0]  }
0xb9: {  	v49 =	vmpcnt.ones.xlane vm11;
	vm13 =	vle.f32 v7, $3.999999910e-02;
	(v2sf) =	vpush v48, $0x0  }
0xba: {  	v50 =	vmpcnt.ones.xlane vm13  }
0xbb: {  	vm7 =	vle.f32 v7, $1.599999960e-01;
	(v2sf) =	vpush v49, $0x0  }
0xbc: {  	v51 =	vmpcnt.ones.xlane vm7;
	(v2sf) =	vpush v50, $0x0;
	s26 =	spop (v2sf)  }
0xbd: {  	vm14 =	vnez.u8 v54;
	s30 =	spop (v2sf)  }
0xbe: {  	vm5 =	vle.f32 v7, $9.999999770e-03;
	(v2sf) =	vpush v51, $0x0;
	s7 =	sadd.s32 s9, s26;
	s16 =	spop (v2sf)  }
0xbf: {  	s9 =	sadd.s32 $0xFFFFFFF0, s4;
	p0 =	slt.s32 s7, $0x10;
	s26 =	spop (v2sf)  }
0xc0: {  	s8 =	sadd.s32 s7, s16;
	s7 =	simm.s32 @!p0 $0x10;
	s14 =	spop (v2sf)  }
0xc1: {  	p0 =	slt.s32 s8, $0x10;
	s10 =	sadd.s32 s8, s30;
	s11 =	sadd.s32 s15, s14  }
0xc2: {  	v53 =	vor.u32 s9, v0;
	s8 =	simm.s32 @!p0 $0x10;
	p0 =	slt.s32 s10, $0x10;
	s15 =	smov.u32 s10  }
0xc3: {  	v55 =	vor.u32 s4, v0;
	v7 =	vmpcnt.ones.xlane vm5;
	[tilespmem:v6+s8+$0x0 ss:$0x1] =	vst.idx.msk vm14, v53;
	s15 =	simm.s32 @!p0 $0x10  }
0xc4: {  	[tilespmem:v6+s15+$0x0 ss:$0x1] =	vst.idx.msk vm5, v55  }
0xc5: {  	(v2sf) =	vpush v7, $0x0;
	v57 =	vld [tilespmem:$0x1FFF0]  }
0xc6: {  	s16 =	spop (v2sf)  }
0xc7: {  	s5 =	sadd.s32 $0xFFFFFFE0, s4;
	s6 =	spop (v2sf)  }
0xc8: {  	s26 =	sadd.s32 s11, s26;
	s13 =	sadd.s32 s13, s16;
	s30 =	spop (v2sf)  }
0xc9: {  	p0 =	slt.s32 s26, $0x20;
	s4 =	smov.u32 s26;
	s6 =	sadd.s32 s26, s6  }
0xca: {  	s8 =	sadd.s32 s13, s30;
	s4 =	simm.s32 @!p0 $0x20;
	s16 =	spop (v2sf);
	vm6 =	vnez.u8 v57  }
0xcb: {  	p1 =	slt.s32 s6, $0x20;
	p0 =	slt.s32 s8, $0x40;
	s23 =	spop (v2sf)  }
0xcc: {  	v56 =	vor.u32 s5, v0;
	s5 =	sadd.s32 s8, s16;
	[tilespmem:v5+s4+$0x0 ss:$0x1] =	vst.idx.msk vm9, v53;
	s4 =	sadd.s32 s6, s23;
	s8 =	simm.s32 @!p0 $0x40  }
0xcd: {  	s6 =	simm.s32 @!p1 $0x20;
	s26 =	spop (v2sf);
	p1 =	slt.s32 s5, $0x40;
	[tilespmem:v4+s8+$0x0 ss:$0x1] =	vst.idx.msk vm11, v53  }
0xce: {  	[tilespmem:v5+s6+$0x0 ss:$0x1] =	vst.idx.msk vm13, v55;
	s6 =	sadd.s32 s5, s26;
	s5 =	simm.s32 @!p1 $0x40  }
0xcf: {  	p0 =	slt.s32 s11, $0x20;
	[tilespmem:v4+s5+$0x0 ss:$0x1] =	vst.idx.msk vm7, v55  }
0xd0: {  	s11 =	simm.s32 @!p0 $0x20;
	p0 =	slt.s32 s13, $0x40;
	[tilespmem:v6+s7+$0x0 ss:$0x1] =	vst.idx.msk vm6, v56  }
0xd1: {  	s13 =	simm.s32 @!p0 $0x40;
	[tilespmem:v5+s11+$0x0 ss:$0x1] =	vst.idx.msk vm10, v56  }
0xd2: {  	[tilespmem:v4+s13+$0x0 ss:$0x1] =	vst.idx.msk vm8, v56  }
0xd3: {  	v4 =	vld [tilespmem:s29+$0x61B0]  }
0xd4: {  	s30 =	spop (v2sf)  }
0xd5: {  	s5 =	sadd.s32 s10, s30  }
0xd6: {  	p0 =	slt.s32 s5, $0x10  }
0xd7: {  	s5 =	simm.s32 @!p0 $0x10  }
0xd8: {  	v5 =	vmov s5;
	v58 =	vbroadcast v4, $0x0  }
0xd9: {  	vm0 =	vgt.s32 v5, v0  }
0xda: {  	v4 =	vsel vm0, v4, v58  }
0xdb: {  	[tilespmem:s29+$0x61B0] =	vst v4  }
0xdc: {  	v4 =	vld [tilespmem:s19+$0x71B0];
	_ =	sdelay $0x2  }
0xdd: {  	p0 =	slt.s32 s4, $0x20;
	v5 =	vld [tilespmem:s19+$0x71C0]  }
0xde: {  	s4 =	simm.s32 @!p0 $0x20  }
0xdf: {  	v59 =	vmov s4;
	v60 =	vbroadcast v4, $0x0  }
0xe0: {  	vm15 =	vmmov vm10;
	vm10 =	vgt.s32 v59, v0  }
0xe1: {  	vm11 =	vgt.s32 v59, v1;
	v4 =	vsel vm10, v4, v60  }
0xe2: {  	[tilespmem:s19+$0x71B0] =	vst v4;
	v4 =	vsel vm11, v5, v60  }
0xe3: {  	[tilespmem:s19+$0x71C0] =	vst v4  }
0xe4: {  	v4 =	vld [tilespmem:s1+$0x89B0];
	_ =	sdelay $0x2  }
0xe5: {  	p0 =	slt.s32 s6, $0x40;
	v5 =	vld [tilespmem:s1+$0x89C0]  }
0xe6: {  	s6 =	simm.s32 @!p0 $0x40;
	v61 =	vld [tilespmem:s1+$0x89D0]  }
0xe7: {  	s22 =	sadd.s32 $0x1, s22;
	v62 =	vmov s6;
	v9 =	vld [tilespmem:s1+$0x89E0];
	v63 =	vbroadcast v4, $0x0  }
0xe8: {  	p0 =	sne.s32 s22, $0x80;
	vm12 =	vgt.s32 v62, v0  }
.Ltmp3:
0xe9: {  	vm13 =	vgt.s32 v62, v1;
	v4 =	vsel vm12, v4, v63;
	(pc) =	sbr.rel @p0 .LBB2_2-.Ltmp3, $4  }
0xea: {  	vm14 =	vgt.s32 v62, v2;
	[tilespmem:s1+$0x89B0] =	vst v4;
	v4 =	vsel vm13, v5, v63  }
0xeb: {  	vm15 =	vgt.s32 v62, v3;
	[tilespmem:s1+$0x89C0] =	vst v4;
	v4 =	vsel vm14, v61, v63  }
0xec: {  	[tilespmem:s1+$0x89D0] =	vst v4;
	v4 =	vsel vm15, v9, v63  }
0xed: {  	vm4 =	vmmov vm8;
	vm5 =	vmmov vm7;
	[tilespmem:s1+$0x89E0] =	vst v4  }
0xee: {  	s1 =	simm.s32 $0x61B0;
	s11 =	simm.s32 $0xB1B0  }
0xef: {  	[tilespmem:s11], [sflag:$0x1] =	stream.indirect.gather [hbm4b:s3+s21], $0x50, s1, s21, $0xb8;
	[tilespmem:$0x13DB0] =	vst v63  }
0xf0: {  	s22 =	simm.s32 $0x71B0;
	s13 =	simm.s32 $0xB6B0  }
0xf1: {  	[tilespmem:s13], [sflag:$0x2] =	stream.indirect.gather [hbm4b:s3+s24], $0x50, s22, s24, $0xb8;
	[tilespmem:$0x13DB0] =	vst v63  }
0xf2: {  	s23 =	simm.s32 $0x89B0;
	s14 =	simm.s32 $0xC0B0  }
0xf3: {  	[tilespmem:s14], [sflag:$0x3] =	stream.indirect.gather [hbm4b:s3+s28], $0x50, s23, s28, $0xb8;
	[tilespmem:$0x13DB0] =	vst v63  }
0xf4: {  	s26 =	simm.s32 $0x61D0;
	s15 =	simm.s32 $0xD4B0  }
0xf5: {  	[tilespmem:s15], [sflag:$0x4] =	stream.indirect.gather [hbm4b:s3+s21], $0x50, s26, s21, $0xb8;
	[tilespmem:$0x13DB0] =	vst v63  }
0xf6: {  	[dreg:$0xd] =	wrdreg s0;
	s0 =	simm.s32 $0x71E0;
	s19 =	simm.s32 $0xD9B0  }
0xf7: {  	[tilespmem:s19], [sflag:$0x5] =	stream.indirect.gather [hbm4b:s3+s24], $0x50, s0, s24, $0xb8;
	[tilespmem:$0x13DB0] =	vst v63  }
0xf8: {  	s4 =	simm.s32 $0x8A00;
	s22 =	simm.s32 $0xE3B0  }
0xf9: {  	[tilespmem:s22], [sflag:$0x6] =	stream.indirect.gather [hbm4b:s3+s28], $0x50, s4, s28, $0xb8;
	[tilespmem:$0x13DB0] =	vst v63  }
0xfa: {  	s5 =	simm.s32 $0x61F0;
	s23 =	simm.s32 $0xF7B0  }
0xfb: {  	[tilespmem:s23], [sflag:$0x7] =	stream.indirect.gather [hbm4b:s3+s21], $0x50, s5, s21, $0xb8;
	[tilespmem:$0x13DB0] =	vst v63  }
0xfc: {  	s6 =	simm.s32 $0x7210;
	s26 =	simm.s32 $0xFCB0  }
0xfd: {  	[tilespmem:s26], [sflag:$0x8] =	stream.indirect.gather [hbm4b:s3+s24], $0x50, s6, s24, $0xb8;
	[tilespmem:$0x13DB0] =	vst v63  }
0xfe: {  	s7 =	simm.s32 $0x8A50;
	s29 =	simm.s32 $0x106B0  }
0xff: {  	[tilespmem:s29], [sflag:$0x9] =	stream.indirect.gather [hbm4b:s3+s28], $0x50, s7, s28, $0xb8;
	[tilespmem:$0x13DB0] =	vst v63  }
0x100: {  	s8 =	simm.s32 $0x6210;
	s30 =	simm.s32 $0x11AB0;
	s9 =	simm.s32 $0x7240  }
0x101: {  	[tilespmem:s30], [sflag:$0xA] =	stream.indirect.gather [hbm4b:s3+s21], $0x50, s8, s21, $0xb8;
	[tilespmem:$0x13DB0] =	vst v63  }
0x102: {  	s10 =	simm.s32 $0x8AA0;
	s0 =	simm.s32 $0x11FB0;
	s6 =	rddreg [dreg:$0xc]  }
0x103: {  	[tilespmem:s0], [sflag:$0xB] =	stream.indirect.gather [hbm4b:s3+s24], $0x50, s9, s24, $0xb8;
	[tilespmem:$0x13DB0] =	vst v63  }
0x104: {  	s16 =	simm.s32 $0x129B0;
	s1 =	simm.s32 $0x0;
	s7 =	rddreg [dreg:$0xa]  }
0x105: {  	[tilespmem:s16], [sflag:$0xC] =	stream.indirect.gather [hbm4b:s3+s28], $0x50, s10, s28, $0xb8;
	[tilespmem:$0x13DB0] =	vst v63  }
0x106: {  	s4 =	simm.s32 $0x6230;
	s5 =	simm.s32 $0x7270;
	s10 =	rddreg [dreg:$0xb]  }
.LBB2_6:
0x107: {  	s8 =	simm.s32 $0x1  }
0x108: {  	_ =	swait.ge [sflag:s8], $0x500  }
0x109: {  	[sflag:s8] =	ssyncset.done $0x0  }
0x10a: {  	s9 =	sadd.s32 $0xFFFFFE20, s7;
	[sflag:s8] =	ssyncadd.s32 $0xFFFFFB00  }
0x10b: {  	[hbm4b:s9+s2] =	stream.linear.scatter [tilespmem:s11], [sflag:$0xD], $0x500, $0x38;
	[tilespmem:$0x13DB0] =	vst v63  }
0x10c: {  	s9 =	simm.s32 $0x2  }
0x10d: {  	_ =	swait.ge [sflag:s9], $0xA00  }
0x10e: {  	[sflag:s9] =	ssyncset.done $0x0  }
0x10f: {  	s8 =	sadd.s32 s1, s10;
	[sflag:s9] =	ssyncadd.s32 $0xFFFFF600;
	s9 =	simm.s32 $0x3  }
0x110: {  	[hbm4b:s8+s2] =	stream.linear.scatter [tilespmem:s13], [sflag:$0xE], $0xA00, $0x38;
	[tilespmem:$0x13DB0] =	vst v63  }
0x111: {  	_ =	swait.ge [sflag:s9], $0x1400  }
0x112: {  	[sflag:s9] =	ssyncset.done $0x0  }
0x113: {  	[sflag:s9] =	ssyncadd.s32 $0xFFFFEC00;
	s9 =	sadd.s32 $0xFFFFF880, s6  }
0x114: {  	[hbm4b:s9+s2] =	stream.linear.scatter [tilespmem:s14], [sflag:$0xF], $0x1400, $0x38;
	[tilespmem:$0x13DB0] =	vst v63  }
0x115: {  	s9 =	simm.s32 $0x4  }
0x116: {  	_ =	swait.ge [sflag:s9], $0x500  }
0x117: {  	[sflag:s9] =	ssyncset.done $0x0  }
0x118: {  	[sflag:s9] =	ssyncadd.s32 $0xFFFFFB00;
	s9 =	sadd.s32 $0xFFFFFEC0, s7  }
0x119: {  	[hbm4b:s9+s2] =	stream.linear.scatter [tilespmem:s15], [sflag:$0x10], $0x500, $0x38;
	[tilespmem:$0x13DB0] =	vst v63  }
0x11a: {  	s9 =	simm.s32 $0x5  }
0x11b: {  	_ =	swait.ge [sflag:s9], $0xA00  }
0x11c: {  	[sflag:s9] =	ssyncset.done $0x0  }
0x11d: {  	[sflag:s9] =	ssyncadd.s32 $0xFFFFF600;
	s9 =	sadd.s32 $0x140, s8  }
0x11e: {  	[hbm4b:s9+s2] =	stream.linear.scatter [tilespmem:s19], [sflag:$0x11], $0xA00, $0x38;
	[tilespmem:$0x13DB0] =	vst v63  }
0x11f: {  	s9 =	simm.s32 $0x6  }
0x120: {  	_ =	swait.ge [sflag:s9], $0x1400  }
0x121: {  	[sflag:s9] =	ssyncset.done $0x0  }
0x122: {  	[sflag:s9] =	ssyncadd.s32 $0xFFFFEC00;
	s9 =	sadd.s32 $0xFFFFFB00, s6  }
0x123: {  	[hbm4b:s9+s2] =	stream.linear.scatter [tilespmem:s22], [sflag:$0x12], $0x1400, $0x38;
	[tilespmem:$0x13DB0] =	vst v63  }
0x124: {  	s9 =	simm.s32 $0x7  }
0x125: {  	_ =	swait.ge [sflag:s9], $0x500  }
0x126: {  	[sflag:s9] =	ssyncset.done $0x0  }
0x127: {  	[sflag:s9] =	ssyncadd.s32 $0xFFFFFB00;
	s9 =	sadd.s32 $0xFFFFFF60, s7  }
0x128: {  	[hbm4b:s9+s2] =	stream.linear.scatter [tilespmem:s23], [sflag:$0x13], $0x500, $0x38;
	[tilespmem:$0x13DB0] =	vst v63  }
0x129: {  	s9 =	simm.s32 $0x8  }
0x12a: {  	_ =	swait.ge [sflag:s9], $0xA00  }
0x12b: {  	[sflag:s9] =	ssyncset.done $0x0  }
0x12c: {  	[sflag:s9] =	ssyncadd.s32 $0xFFFFF600;
	s9 =	sadd.s32 $0x280, s8  }
0x12d: {  	[hbm4b:s9+s2] =	stream.linear.scatter [tilespmem:s26], [sflag:$0x14], $0xA00, $0x38;
	[tilespmem:$0x13DB0] =	vst v63  }
0x12e: {  	s9 =	simm.s32 $0x9  }
0x12f: {  	_ =	swait.ge [sflag:s9], $0x1400  }
0x130: {  	[sflag:s9] =	ssyncset.done $0x0  }
0x131: {  	[sflag:s9] =	ssyncadd.s32 $0xFFFFEC00;
	s9 =	sadd.s32 $0xFFFFFD80, s6  }
0x132: {  	[hbm4b:s9+s2] =	stream.linear.scatter [tilespmem:s29], [sflag:$0x15], $0x1400, $0x38;
	[tilespmem:$0x13DB0] =	vst v63  }
0x133: {  	s9 =	simm.s32 $0xA  }
0x134: {  	_ =	swait.ge [sflag:s9], $0x500  }
0x135: {  	[sflag:s9] =	ssyncset.done $0x0  }
0x136: {  	[sflag:s9] =	ssyncadd.s32 $0xFFFFFB00;
	s9 =	simm.s32 $0xB  }
0x137: {  	[hbm4b:s7+s2] =	stream.linear.scatter [tilespmem:s30], [sflag:$0x16], $0x500, $0x38;
	[tilespmem:$0x13DB0] =	vst v63  }
0x138: {  	_ =	swait.ge [sflag:s9], $0xA00  }
0x139: {  	[sflag:s9] =	ssyncset.done $0x0  }
0x13a: {  	p0 =	seq.s32 s1, $0x9B00;
	s8 =	sadd.s32 $0x3C0, s8;
	[sflag:s9] =	ssyncadd.s32 $0xFFFFF600  }
0x13b: {  	[hbm4b:s8+s2] =	stream.linear.scatter [tilespmem:s0], [sflag:$0x17], $0xA00, $0x38;
	[tilespmem:$0x13DB0] =	vst v63  }
.Ltmp4:
0x13c: {  	s9 =	simm.s32 $0xC;
	(pc) =	sbr.rel @p0 .LBB2_8-.Ltmp4, $4  }
0x13d: {  	_ =	swait.ge [sflag:s9], $0x1400  }
0x13e: {  	[sflag:s9] =	ssyncset.done $0x0  }
0x13f: {  	s0 =	simm.s32 $0xD;
	[sflag:s9] =	ssyncadd.s32 $0xFFFFEC00  }
0x140: {  	[hbm4b:s6+s2] =	stream.linear.scatter [tilespmem:s16], [sflag:$0x18], $0x1400, $0x38;
	[tilespmem:$0x13DB0] =	vst v63  }
0x141: {  	_ =	swait.ge [sflag:s0], $0x500  }
0x142: {  	[sflag:s0] =	ssyncset.done $0x0  }
0x143: {  	s9 =	simm.s32 $0xE;
	[sflag:s0] =	ssyncadd.s32 $0xFFFFFB00  }
0x144: {  	_ =	swait.ge [sflag:s9], $0xA00  }
0x145: {  	[sflag:s9] =	ssyncset.done $0x0  }
0x146: {  	s16 =	simm.s32 $0xF;
	[sflag:s9] =	ssyncadd.s32 $0xFFFFF600  }
0x147: {  	_ =	swait.ge [sflag:s16], $0x1400  }
0x148: {  	[sflag:s16] =	ssyncset.done $0x0  }
0x149: {  	[sflag:s16] =	ssyncadd.s32 $0xFFFFEC00  }
0x14a: {  	[tilespmem:s11], [sflag:$0x1] =	stream.indirect.gather [hbm4b:s3+s21], $0x50, s4, s21, $0xb8;
	[tilespmem:$0x13DB0] =	vst v63  }
0x14b: {  	s8 =	sshra.s32 s1, $0x2  }
0x14c: {  	[tilespmem:s13], [sflag:$0x2] =	stream.indirect.gather [hbm4b:s3+s24], $0x50, s5, s24, $0xb8;
	[tilespmem:$0x13DB0] =	vst v63  }
0x14d: {  	s9 =	sadd.s32 $0x8AF0, s8  }
0x14e: {  	[tilespmem:s14], [sflag:$0x3] =	stream.indirect.gather [hbm4b:s3+s28], $0x50, s9, s28, $0xb8;
	[tilespmem:$0x13DB0] =	vst v63  }
0x14f: {  	_ =	swait.ge [sflag:s21], $0x500  }
0x150: {  	[sflag:s21] =	ssyncset.done $0x0  }
0x151: {  	s9 =	simm.s32 $0x11;
	[sflag:s21] =	ssyncadd.s32 $0xFFFFFB00  }
0x152: {  	_ =	swait.ge [sflag:s9], $0xA00  }
0x153: {  	[sflag:s9] =	ssyncset.done $0x0  }
0x154: {  	[sflag:s9] =	ssyncadd.s32 $0xFFFFF600;
	s9 =	simm.s32 $0x12  }
0x155: {  	_ =	swait.ge [sflag:s9], $0x1400  }
0x156: {  	[sflag:s9] =	ssyncset.done $0x0  }
0x157: {  	[sflag:s9] =	ssyncadd.s32 $0xFFFFEC00;
	s9 =	sadd.s32 $0x20, s4  }
0x158: {  	[tilespmem:s15], [sflag:$0x4] =	stream.indirect.gather [hbm4b:s3+s21], $0x50, s9, s21, $0xb8;
	[tilespmem:$0x13DB0] =	vst v63  }
0x159: {  	s9 =	sadd.s32 $0x30, s5  }
0x15a: {  	[tilespmem:s19], [sflag:$0x5] =	stream.indirect.gather [hbm4b:s3+s24], $0x50, s9, s24, $0xb8;
	[tilespmem:$0x13DB0] =	vst v63  }
0x15b: {  	s9 =	sadd.s32 $0x8B40, s8  }
0x15c: {  	[tilespmem:s22], [sflag:$0x6] =	stream.indirect.gather [hbm4b:s3+s28], $0x50, s9, s28, $0xb8;
	[tilespmem:$0x13DB0] =	vst v63  }
0x15d: {  	s9 =	simm.s32 $0x13  }
0x15e: {  	_ =	swait.ge [sflag:s9], $0x500  }
0x15f: {  	[sflag:s9] =	ssyncset.done $0x0  }
0x160: {  	[sflag:s9] =	ssyncadd.s32 $0xFFFFFB00  }
0x161: {  	_ =	swait.ge [sflag:s18], $0xA00  }
0x162: {  	[sflag:s18] =	ssyncset.done $0x0  }
0x163: {  	[sflag:s18] =	ssyncadd.s32 $0xFFFFF600  }
0x164: {  	_ =	swait.ge [sflag:s20], $0x1400  }
0x165: {  	[sflag:s20] =	ssyncset.done $0x0  }
0x166: {  	s9 =	sadd.s32 $0x40, s4;
	[sflag:s20] =	ssyncadd.s32 $0xFFFFEC00  }
0x167: {  	[tilespmem:s23], [sflag:$0x7] =	stream.indirect.gather [hbm4b:s3+s21], $0x50, s9, s21, $0xb8;
	[tilespmem:$0x13DB0] =	vst v63  }
0x168: {  	s9 =	sadd.s32 $0x60, s5  }
0x169: {  	[tilespmem:s26], [sflag:$0x8] =	stream.indirect.gather [hbm4b:s3+s24], $0x50, s9, s24, $0xb8;
	[tilespmem:$0x13DB0] =	vst v63  }
0x16a: {  	s9 =	sadd.s32 $0x8B90, s8  }
0x16b: {  	[tilespmem:s29], [sflag:$0x9] =	stream.indirect.gather [hbm4b:s3+s28], $0x50, s9, s28, $0xb8;
	[tilespmem:$0x13DB0] =	vst v63  }
0x16c: {  	_ =	swait.ge [sflag:s25], $0x500  }
0x16d: {  	[sflag:s25] =	ssyncset.done $0x0  }
0x16e: {  	[sflag:s25] =	ssyncadd.s32 $0xFFFFFB00  }
0x16f: {  	_ =	swait.ge [sflag:s31], $0xA00  }
0x170: {  	[sflag:s31] =	ssyncset.done $0x0  }
0x171: {  	[sflag:s31] =	ssyncadd.s32 $0xFFFFF600  }
0x172: {  	_ =	swait.ge [sflag:s17], $0x1400  }
0x173: {  	[sflag:s17] =	ssyncset.done $0x0  }
0x174: {  	s7 =	sadd.s32 $0x280, s7;
	s9 =	sadd.s32 $0x60, s4;
	[sflag:s17] =	ssyncadd.s32 $0xFFFFEC00  }
0x175: {  	[tilespmem:s30], [sflag:$0xA] =	stream.indirect.gather [hbm4b:s3+s21], $0x50, s9, s21, $0xb8;
	[tilespmem:$0x13DB0] =	vst v63  }
.Ltmp5:
0x176: {  	s1 =	sadd.s32 $0x500, s1;
	s6 =	sadd.s32 $0xA00, s6;
	(pc) =	sbr.rel .LBB2_6-.Ltmp5, $4  }
0x177: {  	s0 =	simm.s32 $0x11FB0;
	s16 =	simm.s32 $0x129B0;
	s9 =	sadd.s32 $0x90, s5  }
0x178: {  	[tilespmem:s0], [sflag:$0xB] =	stream.indirect.gather [hbm4b:s3+s24], $0x50, s9, s24, $0xb8;
	[tilespmem:$0x13DB0] =	vst v63  }
0x179: {  	s8 =	sadd.s32 $0x8BE0, s8;
	s4 =	sadd.s32 $0x80, s4;
	s5 =	sadd.s32 $0xC0, s5  }
0x17a: {  	[tilespmem:s16], [sflag:$0xC] =	stream.indirect.gather [hbm4b:s3+s28], $0x50, s8, s28, $0xb8;
	[tilespmem:$0x13DB0] =	vst v63  }
.LBB2_9:
0x17b: {  	_ =	sfence.sel $0x180000  }
0x17c: {  	[bflag:$0x0] =	sbarrier.arrive $0xFFFF  }
0x17d: {  	_ =	strace $0x90000047  }
0x17e: {  	s0 =	stileid.u32;
	[bflag:$0x2] =	sbarrier.arrive $0xFFFF  }
0x17f: {  	p0 =	sne.s32 s0, $0x0;
	s0 =	rddreg [dreg:$0x2]  }
0x180: {  	s0 =	sadd.s32 @!p0 $0x100000, s0  }
0x181: {  	[sflag:s0] =	ssyncadd.tile.s32 @!p0 $0x1;
	_ =	shalt  }
.Lfunc_end2:
_tile_overlayer_lowered:
.L_overlay_start_2:
0x182: {  	(tag) =	ssettag $0x2  }
0x183: {  	s0 =	rddreg [dreg:$0x0];
	s2 =	stileid.u32  }
0x184: {  	s1 =	rddreg [dreg:$0x1];
	p0 =	sne.s32 s2, $0x0  }
0x185: {  	s3 =	rddreg [dreg:$0x2];
	[bflag:$0x3] =	sbarrier.arrive $0xFFFF;
	s2 =	simm.s32 @!p0 $0x1C19  }
0x186: {  	[timem:s3], [sflag:s2] =	dma.local @!p0 [hbm:s0], s1  }
0x187: {  	s0 =	simm.s32 @!p0 $0x19  }
0x188: {  	_ =	swait.ge @!p0 [sflag:s0], s1  }
0x189: {  	s1 =	ssub.s32 @!p0 $0x0, s1;
	[sflag:s0] =	ssyncset.done @!p0 $0x0  }
0x18a: {  	[sflag:s0] =	ssyncadd.s32 @!p0 s1  }
0x18b: {  	[bflag:$0x3] =	sbarrier.arrive $0xFFFF  }
0x18c: {  	_ =	shalt  }

</sc_bundles>
